<compile_context>
chip_gen: v7x
topology: tpu7x:2x2x1
jax: 0.10.2.dev20260603
libtpu: 0.0.44.dev20260713+nightly
codegen_flags: <defaults>
</compile_context>

<pallas_src>
import jax
import jax.numpy as jnp
import numpy as np
from jax import lax
from jax.experimental import pallas as pl
from jax.experimental.pallas import tpu as pltpu
from jax.experimental.pallas import tpu_sc as plsc

N = 1_200_000
NW = 32
W = 37_504
C = 3_840
SIZES = [C] * (W // C) + [W - (W // C) * C]

_VS = np.array([0.05, 0.05, 0.1], dtype=np.float32)
RX, RY, RZ = 0.0, -40.0, -3.0
IVX = float(1.0 / np.float64(_VS[0]))
IVY = float(1.0 / np.float64(_VS[1]))
IVZ = float(1.0 / np.float64(_VS[2]))
GX, GY, GZ = 1408, 1600, 40


def _sc_body(pts_hbm, out_hbm, p0, p1, o0, o1, si0, si1, so0, so1):
    cid = lax.axis_index("c")
    sid = lax.axis_index("s")
    wid = sid * 2 + cid
    base = jnp.minimum(wid * W, N - W)
    base = pl.multiple_of(base, 128)

    pbufs = (p0, p1)
    obufs = (o0, o1)
    isems = (si0, si1)
    osems = (so0, so1)

    def compute(pb, ob, npts):
        def body(g, carry):
            s = g * 16
            vx = pb[0, pl.ds(s, 16)]
            vy = pb[1, pl.ds(s, 16)]
            vz = pb[2, pl.ds(s, 16)]
            tx = (vx - RX) * IVX
            ty = (vy - RY) * IVY
            tz = (vz - RZ) * IVZ
            cx = tx.astype(jnp.int32)
            cy = ty.astype(jnp.int32)
            cz = tz.astype(jnp.int32)
            ok = ((tx >= 0.0) & (cx < GX)
                  & (ty >= 0.0) & (cy < GY)
                  & (tz >= 0.0) & (cz < GZ))
            ob[0, pl.ds(s, 16)] = jnp.where(ok, cz, -1)
            ob[1, pl.ds(s, 16)] = jnp.where(ok, cy, -1)
            ob[2, pl.ds(s, 16)] = jnp.where(ok, cx, -1)
            return carry
        lax.fori_loop(0, npts // 16, body, 0)

    def in_copy(k, b):
        sz = SIZES[k]
        return pltpu.async_copy(
            pts_hbm.at[pl.ds(0, 3), pl.ds(base + k * C, sz)],
            pbufs[b].at[pl.ds(0, 3), pl.ds(0, sz)], isems[b])

    in_d = [None, None]
    out_d = [None, None]
    in_d[0] = in_copy(0, 0)
    off = 0
    for k, sz in enumerate(SIZES):
        b = k & 1
        if out_d[b] is not None:
            out_d[b].wait()
        in_d[b].wait()
        if k + 1 < len(SIZES):
            in_d[1 - b] = in_copy(k + 1, 1 - b)
        compute(pbufs[b], obufs[b], sz)
        out_d[b] = pltpu.async_copy(
            obufs[b].at[:, pl.ds(0, sz)],
            out_hbm.at[:, pl.ds(base + off, sz)], osems[b])
        off += sz
    for b in (0, 1):
        if out_d[b] is not None:
            out_d[b].wait()


_sc_call = pl.kernel(
    _sc_body,
    out_type=jax.ShapeDtypeStruct((3, N), jnp.int32),
    mesh=plsc.VectorSubcoreMesh(core_axis_name="c", subcore_axis_name="s"),
    compiler_params=pltpu.CompilerParams(needs_layout_passes=False),
    scratch_types=[
        pltpu.VMEM((4, C), jnp.float32),
        pltpu.VMEM((4, C), jnp.float32),
        pltpu.VMEM((3, C), jnp.int32),
        pltpu.VMEM((3, C), jnp.int32),
        pltpu.SemaphoreType.DMA,
        pltpu.SemaphoreType.DMA,
        pltpu.SemaphoreType.DMA,
        pltpu.SemaphoreType.DMA,
    ],
)


def kernel(input):
    return _sc_call(input.T)

# --- scband reference (transcript-rebuilt; emitter-appended) ---
"""Pipeline reference for scband-voxelization-80238579023887 (READ-ONLY COPY).

The authoritative reference and input builder live on the scoring server;
editing this copy changes nothing except your own understanding.
"""

import jax, jax.numpy as jnp
import numpy as np

VOXEL_SIZE = np.array([0.05, 0.05, 0.1], dtype=np.float32)
COORS_RANGE = np.array([0.0, -40.0, -3.0, 70.4, 40.0, 1.0], dtype=np.float32)
GRID = np.array([round((COORS_RANGE[3+i] - COORS_RANGE[i]) / VOXEL_SIZE[i]) for i in range(3)], dtype=np.int32)  # [1408, 1600, 40]


def setup_inputs(seed: int = 0) -> dict:
    key = jax.random.key(seed)
    # lidar-like points: x,y,z spanning slightly beyond the point-cloud range, plus intensity
    minval = jnp.array([-5.0, -45.0, -4.0, 0.0], dtype=jnp.float32)
    maxval = jnp.array([75.0, 45.0, 2.0, 1.0], dtype=jnp.float32)
    u = jax.random.uniform(key, (1200000, 4), dtype=jnp.float32)
    points = u * (maxval - minval) + minval
    return {"input": points}


def reference(input) -> jnp.ndarray:
    points = input
    vsize = jnp.asarray(VOXEL_SIZE)
    rmin = jnp.asarray(COORS_RANGE[:3])
    grid = jnp.asarray(GRID)
    # per-point voxel bin index along x, y, z (dynamic voxelization)
    c = jnp.floor((points[:, :3] - rmin[None, :]) / vsize[None, :]).astype(jnp.int32)
    valid = jnp.all((c >= 0) & (c < grid[None, :]), axis=1)
    c = jnp.where(valid[:, None], c, jnp.int32(-1))
    # store in (z, y, x) order, shape (3, N) matching the allocated coors buffer
    coors = c[:, ::-1].T
    return coors

if __name__ == "__main__":
    import jax
    _d = setup_inputs()
    print(jax.jit(kernel)(*tuple(_d.values())))

</pallas_src>

<mosaic_0001>
#map = affine_map<(d0, d1) -> (0, 0)>
module attributes {stable_mosaic.version = 14 : i64} {
  func.func @_sc_body(%arg0: i32, %arg1: i32, %arg2: memref<4x1200000xf32, #tpu.memory_space<hbm>>, %arg3: memref<3x1200000xi32, #tpu.memory_space<hbm>>, %arg4: memref<4x3840xf32, #tpu.memory_space<vmem>>, %arg5: memref<4x3840xf32, #tpu.memory_space<vmem>>, %arg6: memref<3x3840xi32, #tpu.memory_space<vmem>>, %arg7: memref<3x3840xi32, #tpu.memory_space<vmem>>, %arg8: memref<!tpu.dma_semaphore, #tpu.memory_space<semaphore_mem>>, %arg9: memref<!tpu.dma_semaphore, #tpu.memory_space<semaphore_mem>>, %arg10: memref<!tpu.dma_semaphore, #tpu.memory_space<semaphore_mem>>, %arg11: memref<!tpu.dma_semaphore, #tpu.memory_space<semaphore_mem>>) attributes {dimension_semantics = [#tpu.dimension_semantics<core_parallel>, #tpu.dimension_semantics<subcore_parallel>], iteration_bounds = array<i64: 2, 16>, scalar_prefetch = 0 : i64, scratch_operands = 8 : i64, tpu.core_type = #tpu.core_type<sc_vector_subcore>, window_params = [{transform_indices = #map}, {transform_indices = #map}]} {
    %mul3A = arith.constant 2 : i32
    %mul3A_0 = arith.muli %arg1, %mul3A : i32
    %add3A = arith.addi %mul3A_0, %arg0 : i32
    %mul3A_1 = arith.constant 37504 : i32
    %mul3A_2 = arith.muli %add3A, %mul3A_1 : i32
    %min3A = arith.constant 1162496 : i32
    %min3A_3 = arith.minsi %mul3A_2, %min3A : i32
    %multiple_of3A = tpu.assume_multiple %min3A_3, 128 : i32
    %add3A_4 = arith.constant 0 : i32
    %add3A_5 = arith.addi %multiple_of3A, %add3A_4 : i32
    %dma_start3A = arith.constant 0 : i32
    %dma_start3A_6 = arith.constant 0 : i32
    %dma_start3A_7 = tpu.memref_slice %arg4[%dma_start3A, %dma_start3A_6] : memref<4x3840xf32, #tpu.memory_space<vmem>> -> memref<3x3840xf32, #tpu.memory_space<vmem>>
    %dma_start3A_8 = arith.constant 0 : i32
    %dma_start3A_9 = tpu.memref_slice %arg2[%dma_start3A_8, %add3A_5] : memref<4x1200000xf32, #tpu.memory_space<hbm>> -> memref<3x3840xf32, #tpu.memory_space<hbm>>
    %dma_start3A_10 = arith.constant 0 : i32
    %dma_start3A_11 = arith.constant 0 : i32
    %dma_start3A_12 = tpu.memref_slice %arg4[%dma_start3A_10, %dma_start3A_11] : memref<4x3840xf32, #tpu.memory_space<vmem>> -> memref<3x3840xf32, #tpu.memory_space<vmem>>
    %dma_start3A_13 = arith.constant 0 : i32
    %dma_start3A_14 = tpu.memref_slice %arg2[%dma_start3A_13, %add3A_5] : memref<4x1200000xf32, #tpu.memory_space<hbm>> -> memref<3x3840xf32, #tpu.memory_space<hbm>>
    tpu.enqueue_dma source(%dma_start3A_14 : memref<3x3840xf32, #tpu.memory_space<hbm>>) target(%dma_start3A_12 : memref<3x3840xf32, #tpu.memory_space<vmem>>) target_semaphore(%arg8 : memref<!tpu.dma_semaphore, #tpu.memory_space<semaphore_mem>>)
    %dma_wait3A = arith.constant 0 : i32
    %dma_wait3A_15 = arith.constant 0 : i32
    %dma_wait3A_16 = tpu.memref_slice %arg4[%dma_wait3A, %dma_wait3A_15] : memref<4x3840xf32, #tpu.memory_space<vmem>> -> memref<3x3840xf32, #tpu.memory_space<vmem>>
    %dma_wait3A_17 = arith.constant 0 : i32
    %dma_wait3A_18 = tpu.memref_slice %arg2[%dma_wait3A_17, %add3A_5] : memref<4x1200000xf32, #tpu.memory_space<hbm>> -> memref<3x3840xf32, #tpu.memory_space<hbm>>
    %dma_wait3A_19 = arith.constant 0 : i32
    %dma_wait3A_20 = arith.constant 0 : i32
    %dma_wait3A_21 = tpu.memref_slice %arg4[%dma_wait3A_19, %dma_wait3A_20] : memref<4x3840xf32, #tpu.memory_space<vmem>> -> memref<3x3840xf32, #tpu.memory_space<vmem>>
    %dma_wait3A_22 = arith.constant 0 : i32
    %dma_wait3A_23 = tpu.memref_slice %arg2[%dma_wait3A_22, %add3A_5] : memref<4x1200000xf32, #tpu.memory_space<hbm>> -> memref<3x3840xf32, #tpu.memory_space<hbm>>
    tpu.wait_dma2 semaphore(%arg8 : memref<!tpu.dma_semaphore, #tpu.memory_space<semaphore_mem>>) src(%dma_wait3A_23 : memref<3x3840xf32, #tpu.memory_space<hbm>>) dst(%dma_wait3A_21 : memref<3x3840xf32, #tpu.memory_space<vmem>>)
    %add3A_24 = arith.constant 3840 : i32
    %add3A_25 = arith.addi %multiple_of3A, %add3A_24 : i32
    %dma_start3A_26 = arith.constant 0 : i32
    %dma_start3A_27 = arith.constant 0 : i32
    %dma_start3A_28 = tpu.memref_slice %arg5[%dma_start3A_26, %dma_start3A_27] : memref<4x3840xf32, #tpu.memory_space<vmem>> -> memref<3x3840xf32, #tpu.memory_space<vmem>>
    %dma_start3A_29 = arith.constant 0 : i32
    %dma_start3A_30 = tpu.memref_slice %arg2[%dma_start3A_29, %add3A_25] : memref<4x1200000xf32, #tpu.memory_space<hbm>> -> memref<3x3840xf32, #tpu.memory_space<hbm>>
    %dma_start3A_31 = arith.constant 0 : i32
    %dma_start3A_32 = arith.constant 0 : i32
    %dma_start3A_33 = tpu.memref_slice %arg5[%dma_start3A_31, %dma_start3A_32] : memref<4x3840xf32, #tpu.memory_space<vmem>> -> memref<3x3840xf32, #tpu.memory_space<vmem>>
    %dma_start3A_34 = arith.constant 0 : i32
    %dma_start3A_35 = tpu.memref_slice %arg2[%dma_start3A_34, %add3A_25] : memref<4x1200000xf32, #tpu.memory_space<hbm>> -> memref<3x3840xf32, #tpu.memory_space<hbm>>
    tpu.enqueue_dma source(%dma_start3A_35 : memref<3x3840xf32, #tpu.memory_space<hbm>>) target(%dma_start3A_33 : memref<3x3840xf32, #tpu.memory_space<vmem>>) target_semaphore(%arg9 : memref<!tpu.dma_semaphore, #tpu.memory_space<semaphore_mem>>)
    %scan3A = arith.constant 0 : i32
    %scan3A_36 = arith.constant 0 : i32
    %scan3A_37 = arith.constant 240 : i32
    %scan3A_38 = arith.addi %scan3A_36, %scan3A_37 : i32
    %scan3A_39 = arith.constant 1 : i32
    scf.for %scan3A_501 = %scan3A_36 to %scan3A_38 step %scan3A_39  : i32 {
      %mul3A_502 = arith.constant 16 : i32
      %mul3A_503 = arith.muli %scan3A_501, %mul3A_502 : i32
      %get3A = arith.constant 0 : i32
      %get3A_504 = arith.index_cast %get3A : i32 to index
      %get3A_505 = arith.index_cast %mul3A_503 : i32 to index
      %get3A_506 = tpu.vector_load %arg4[%get3A_504, %get3A_505] {strides = array<i32>} : memref<4x3840xf32, #tpu.memory_space<vmem>>, vector<16xf32>,
      %get3A_507 = arith.constant 1 : i32
      %get3A_508 = arith.index_cast %get3A_507 : i32 to index
      %get3A_509 = arith.index_cast %mul3A_503 : i32 to index
      %get3A_510 = tpu.vector_load %arg4[%get3A_508, %get3A_509] {strides = array<i32>} : memref<4x3840xf32, #tpu.memory_space<vmem>>, vector<16xf32>,
      %get3A_511 = arith.constant 2 : i32
      %get3A_512 = arith.index_cast %get3A_511 : i32 to index
      %get3A_513 = arith.index_cast %mul3A_503 : i32 to index
      %get3A_514 = tpu.vector_load %arg4[%get3A_512, %get3A_513] {strides = array<i32>} : memref<4x3840xf32, #tpu.memory_space<vmem>>, vector<16xf32>,
      %sub3A = arith.constant 0.000000e+00 : f32
      %sub3A_515 = vector.broadcast %sub3A : f32 to vector<16xf32>
      %sub3A_516 = arith.subf %get3A_506, %sub3A_515 : vector<16xf32>
      %mul3A_517 = arith.constant 2.000000e+01 : f32
      %mul3A_518 = vector.broadcast %mul3A_517 : f32 to vector<16xf32>
      %mul3A_519 = arith.mulf %sub3A_516, %mul3A_518 : vector<16xf32>
      %sub3A_520 = arith.constant -4.000000e+01 : f32
      %sub3A_521 = vector.broadcast %sub3A_520 : f32 to vector<16xf32>
      %sub3A_522 = arith.subf %get3A_510, %sub3A_521 : vector<16xf32>
      %mul3A_523 = arith.constant 2.000000e+01 : f32
      %mul3A_524 = vector.broadcast %mul3A_523 : f32 to vector<16xf32>
      %mul3A_525 = arith.mulf %sub3A_522, %mul3A_524 : vector<16xf32>
      %sub3A_526 = arith.constant -3.000000e+00 : f32
      %sub3A_527 = vector.broadcast %sub3A_526 : f32 to vector<16xf32>
      %sub3A_528 = arith.subf %get3A_514, %sub3A_527 : vector<16xf32>
      %mul3A_529 = arith.constant 1.000000e+01 : f32
      %mul3A_530 = vector.broadcast %mul3A_529 : f32 to vector<16xf32>
      %mul3A_531 = arith.mulf %sub3A_528, %mul3A_530 : vector<16xf32>
      %convert_element_type3A = arith.fptosi %mul3A_519 : vector<16xf32> to vector<16xi32>
      %convert_element_type3A_532 = arith.fptosi %mul3A_525 : vector<16xf32> to vector<16xi32>
      %convert_element_type3A_533 = arith.fptosi %mul3A_531 : vector<16xf32> to vector<16xi32>
      %ge3A = arith.constant 0.000000e+00 : f32
      %ge3A_534 = vector.broadcast %ge3A : f32 to vector<16xf32>
      %ge3A_535 = arith.cmpf oge, %mul3A_519, %ge3A_534 : vector<16xf32>
      %lt3A = arith.constant 1408 : i32
      %lt3A_536 = vector.broadcast %lt3A : i32 to vector<16xi32>
      %lt3A_537 = arith.cmpi slt, %convert_element_type3A, %lt3A_536 : vector<16xi32>
      %and3A = arith.andi %ge3A_535, %lt3A_537 : vector<16xi1>
      %ge3A_538 = arith.constant 0.000000e+00 : f32
      %ge3A_539 = vector.broadcast %ge3A_538 : f32 to vector<16xf32>
      %ge3A_540 = arith.cmpf oge, %mul3A_525, %ge3A_539 : vector<16xf32>
      %and3A_541 = arith.andi %and3A, %ge3A_540 : vector<16xi1>
      %lt3A_542 = arith.constant 1600 : i32
      %lt3A_543 = vector.broadcast %lt3A_542 : i32 to vector<16xi32>
      %lt3A_544 = arith.cmpi slt, %convert_element_type3A_532, %lt3A_543 : vector<16xi32>
      %and3A_545 = arith.andi %and3A_541, %lt3A_544 : vector<16xi1>
      %ge3A_546 = arith.constant 0.000000e+00 : f32
      %ge3A_547 = vector.broadcast %ge3A_546 : f32 to vector<16xf32>
      %ge3A_548 = arith.cmpf oge, %mul3A_531, %ge3A_547 : vector<16xf32>
      %and3A_549 = arith.andi %and3A_545, %ge3A_548 : vector<16xi1>
      %lt3A_550 = arith.constant 40 : i32
      %lt3A_551 = vector.broadcast %lt3A_550 : i32 to vector<16xi32>
      %lt3A_552 = arith.cmpi slt, %convert_element_type3A_533, %lt3A_551 : vector<16xi32>
      %and3A_553 = arith.andi %and3A_549, %lt3A_552 : vector<16xi1>
      %jit3A = arith.constant -1 : i32
      %broadcast_in_dim3A = vector.broadcast %jit3A : i32 to vector<16xi32>
      %select_n3A = arith.select %and3A_553, %convert_element_type3A_533, %broadcast_in_dim3A : vector<16xi1>, vector<16xi32>
      %swap3A = arith.constant 0 : i32
      %swap3A_554 = arith.index_cast %swap3A : i32 to index
      %swap3A_555 = arith.index_cast %mul3A_503 : i32 to index
      %swap3A_556 = tpu.vector_load %arg6[%swap3A_554, %swap3A_555] {strides = array<i32>} : memref<3x3840xi32, #tpu.memory_space<vmem>>, vector<16xi32>,
      tpu.vector_store %arg6[%swap3A_554, %swap3A_555], %select_n3A {strides = array<i32>} : memref<3x3840xi32, #tpu.memory_space<vmem>>, vector<16xi32>,
      %jit3A_557 = arith.constant -1 : i32
      %broadcast_in_dim3A_558 = vector.broadcast %jit3A_557 : i32 to vector<16xi32>
      %select_n3A_559 = arith.select %and3A_553, %convert_element_type3A_532, %broadcast_in_dim3A_558 : vector<16xi1>, vector<16xi32>
      %swap3A_560 = arith.constant 1 : i32
      %swap3A_561 = arith.index_cast %swap3A_560 : i32 to index
      %swap3A_562 = arith.index_cast %mul3A_503 : i32 to index
      %swap3A_563 = tpu.vector_load %arg6[%swap3A_561, %swap3A_562] {strides = array<i32>} : memref<3x3840xi32, #tpu.memory_space<vmem>>, vector<16xi32>,
      tpu.vector_store %arg6[%swap3A_561, %swap3A_562], %select_n3A_559 {strides = array<i32>} : memref<3x3840xi32, #tpu.memory_space<vmem>>, vector<16xi32>,
      %jit3A_564 = arith.constant -1 : i32
      %broadcast_in_dim3A_565 = vector.broadcast %jit3A_564 : i32 to vector<16xi32>
      %select_n3A_566 = arith.select %and3A_553, %convert_element_type3A, %broadcast_in_dim3A_565 : vector<16xi1>, vector<16xi32>
      %swap3A_567 = arith.constant 2 : i32
      %swap3A_568 = arith.index_cast %swap3A_567 : i32 to index
      %swap3A_569 = arith.index_cast %mul3A_503 : i32 to index
      %swap3A_570 = tpu.vector_load %arg6[%swap3A_568, %swap3A_569] {strides = array<i32>} : memref<3x3840xi32, #tpu.memory_space<vmem>>, vector<16xi32>,
      tpu.vector_store %arg6[%swap3A_568, %swap3A_569], %select_n3A_566 {strides = array<i32>} : memref<3x3840xi32, #tpu.memory_space<vmem>>, vector<16xi32>,
    }
    %scan3A_40 = arith.constant 240 : i32
    %add3A_41 = arith.constant 0 : i32
    %add3A_42 = arith.addi %multiple_of3A, %add3A_41 : i32
    %dma_start3A_43 = arith.constant 0 : i32
    %dma_start3A_44 = arith.constant 0 : i32
    %dma_start3A_45 = tpu.memref_slice %arg6[%dma_start3A_43, %dma_start3A_44] : memref<3x3840xi32, #tpu.memory_space<vmem>> -> memref<3x3840xi32, #tpu.memory_space<vmem>>
    %dma_start3A_46 = arith.constant 0 : i32
    %dma_start3A_47 = tpu.memref_slice %arg3[%dma_start3A_46, %add3A_42] : memref<3x1200000xi32, #tpu.memory_space<hbm>> -> memref<3x3840xi32, #tpu.memory_space<hbm>>
    %dma_start3A_48 = arith.constant 0 : i32
    %dma_start3A_49 = tpu.memref_slice %arg3[%dma_start3A_48, %add3A_42] : memref<3x1200000xi32, #tpu.memory_space<hbm>> -> memref<3x3840xi32, #tpu.memory_space<hbm>>
    %dma_start3A_50 = arith.constant 0 : i32
    %dma_start3A_51 = arith.constant 0 : i32
    %dma_start3A_52 = tpu.memref_slice %arg6[%dma_start3A_50, %dma_start3A_51] : memref<3x3840xi32, #tpu.memory_space<vmem>> -> memref<3x3840xi32, #tpu.memory_space<vmem>>
    tpu.enqueue_dma source(%dma_start3A_52 : memref<3x3840xi32, #tpu.memory_space<vmem>>) target(%dma_start3A_49 : memref<3x3840xi32, #tpu.memory_space<hbm>>) target_semaphore(%arg10 : memref<!tpu.dma_semaphore, #tpu.memory_space<semaphore_mem>>)
    %dma_wait3A_53 = arith.constant 0 : i32
    %dma_wait3A_54 = arith.constant 0 : i32
    %dma_wait3A_55 = tpu.memref_slice %arg5[%dma_wait3A_53, %dma_wait3A_54] : memref<4x3840xf32, #tpu.memory_space<vmem>> -> memref<3x3840xf32, #tpu.memory_space<vmem>>
    %dma_wait3A_56 = arith.constant 0 : i32
    %dma_wait3A_57 = tpu.memref_slice %arg2[%dma_wait3A_56, %add3A_25] : memref<4x1200000xf32, #tpu.memory_space<hbm>> -> memref<3x3840xf32, #tpu.memory_space<hbm>>
    %dma_wait3A_58 = arith.constant 0 : i32
    %dma_wait3A_59 = arith.constant 0 : i32
    %dma_wait3A_60 = tpu.memref_slice %arg5[%dma_wait3A_58, %dma_wait3A_59] : memref<4x3840xf32, #tpu.memory_space<vmem>> -> memref<3x3840xf32, #tpu.memory_space<vmem>>
    %dma_wait3A_61 = arith.constant 0 : i32
    %dma_wait3A_62 = tpu.memref_slice %arg2[%dma_wait3A_61, %add3A_25] : memref<4x1200000xf32, #tpu.memory_space<hbm>> -> memref<3x3840xf32, #tpu.memory_space<hbm>>
    tpu.wait_dma2 semaphore(%arg9 : memref<!tpu.dma_semaphore, #tpu.memory_space<semaphore_mem>>) src(%dma_wait3A_62 : memref<3x3840xf32, #tpu.memory_space<hbm>>) dst(%dma_wait3A_60 : memref<3x3840xf32, #tpu.memory_space<vmem>>)
    %add3A_63 = arith.constant 7680 : i32
    %add3A_64 = arith.addi %multiple_of3A, %add3A_63 : i32
    %dma_start3A_65 = arith.constant 0 : i32
    %dma_start3A_66 = arith.constant 0 : i32
    %dma_start3A_67 = tpu.memref_slice %arg4[%dma_start3A_65, %dma_start3A_66] : memref<4x3840xf32, #tpu.memory_space<vmem>> -> memref<3x3840xf32, #tpu.memory_space<vmem>>
    %dma_start3A_68 = arith.constant 0 : i32
    %dma_start3A_69 = tpu.memref_slice %arg2[%dma_start3A_68, %add3A_64] : memref<4x1200000xf32, #tpu.memory_space<hbm>> -> memref<3x3840xf32, #tpu.memory_space<hbm>>
    %dma_start3A_70 = arith.constant 0 : i32
    %dma_start3A_71 = arith.constant 0 : i32
    %dma_start3A_72 = tpu.memref_slice %arg4[%dma_start3A_70, %dma_start3A_71] : memref<4x3840xf32, #tpu.memory_space<vmem>> -> memref<3x3840xf32, #tpu.memory_space<vmem>>
    %dma_start3A_73 = arith.constant 0 : i32
    %dma_start3A_74 = tpu.memref_slice %arg2[%dma_start3A_73, %add3A_64] : memref<4x1200000xf32, #tpu.memory_space<hbm>> -> memref<3x3840xf32, #tpu.memory_space<hbm>>
    tpu.enqueue_dma source(%dma_start3A_74 : memref<3x3840xf32, #tpu.memory_space<hbm>>) target(%dma_start3A_72 : memref<3x3840xf32, #tpu.memory_space<vmem>>) target_semaphore(%arg8 : memref<!tpu.dma_semaphore, #tpu.memory_space<semaphore_mem>>)
    %scan3A_75 = arith.constant 0 : i32
    %scan3A_76 = arith.constant 0 : i32
    %scan3A_77 = arith.constant 240 : i32
    %scan3A_78 = arith.addi %scan3A_76, %scan3A_77 : i32
    %scan3A_79 = arith.constant 1 : i32
    scf.for %scan3A_501 = %scan3A_76 to %scan3A_78 step %scan3A_79  : i32 {
      %mul3A_502 = arith.constant 16 : i32
      %mul3A_503 = arith.muli %scan3A_501, %mul3A_502 : i32
      %get3A = arith.constant 0 : i32
      %get3A_504 = arith.index_cast %get3A : i32 to index
      %get3A_505 = arith.index_cast %mul3A_503 : i32 to index
      %get3A_506 = tpu.vector_load %arg5[%get3A_504, %get3A_505] {strides = array<i32>} : memref<4x3840xf32, #tpu.memory_space<vmem>>, vector<16xf32>,
      %get3A_507 = arith.constant 1 : i32
      %get3A_508 = arith.index_cast %get3A_507 : i32 to index
      %get3A_509 = arith.index_cast %mul3A_503 : i32 to index
      %get3A_510 = tpu.vector_load %arg5[%get3A_508, %get3A_509] {strides = array<i32>} : memref<4x3840xf32, #tpu.memory_space<vmem>>, vector<16xf32>,
      %get3A_511 = arith.constant 2 : i32
      %get3A_512 = arith.index_cast %get3A_511 : i32 to index
      %get3A_513 = arith.index_cast %mul3A_503 : i32 to index
      %get3A_514 = tpu.vector_load %arg5[%get3A_512, %get3A_513] {strides = array<i32>} : memref<4x3840xf32, #tpu.memory_space<vmem>>, vector<16xf32>,
      %sub3A = arith.constant 0.000000e+00 : f32
      %sub3A_515 = vector.broadcast %sub3A : f32 to vector<16xf32>
      %sub3A_516 = arith.subf %get3A_506, %sub3A_515 : vector<16xf32>
      %mul3A_517 = arith.constant 2.000000e+01 : f32
      %mul3A_518 = vector.broadcast %mul3A_517 : f32 to vector<16xf32>
      %mul3A_519 = arith.mulf %sub3A_516, %mul3A_518 : vector<16xf32>
      %sub3A_520 = arith.constant -4.000000e+01 : f32
      %sub3A_521 = vector.broadcast %sub3A_520 : f32 to vector<16xf32>
      %sub3A_522 = arith.subf %get3A_510, %sub3A_521 : vector<16xf32>
      %mul3A_523 = arith.constant 2.000000e+01 : f32
      %mul3A_524 = vector.broadcast %mul3A_523 : f32 to vector<16xf32>
      %mul3A_525 = arith.mulf %sub3A_522, %mul3A_524 : vector<16xf32>
      %sub3A_526 = arith.constant -3.000000e+00 : f32
      %sub3A_527 = vector.broadcast %sub3A_526 : f32 to vector<16xf32>
      %sub3A_528 = arith.subf %get3A_514, %sub3A_527 : vector<16xf32>
      %mul3A_529 = arith.constant 1.000000e+01 : f32
      %mul3A_530 = vector.broadcast %mul3A_529 : f32 to vector<16xf32>
      %mul3A_531 = arith.mulf %sub3A_528, %mul3A_530 : vector<16xf32>
      %convert_element_type3A = arith.fptosi %mul3A_519 : vector<16xf32> to vector<16xi32>
      %convert_element_type3A_532 = arith.fptosi %mul3A_525 : vector<16xf32> to vector<16xi32>
      %convert_element_type3A_533 = arith.fptosi %mul3A_531 : vector<16xf32> to vector<16xi32>
      %ge3A = arith.constant 0.000000e+00 : f32
      %ge3A_534 = vector.broadcast %ge3A : f32 to vector<16xf32>
      %ge3A_535 = arith.cmpf oge, %mul3A_519, %ge3A_534 : vector<16xf32>
      %lt3A = arith.constant 1408 : i32
      %lt3A_536 = vector.broadcast %lt3A : i32 to vector<16xi32>
      %lt3A_537 = arith.cmpi slt, %convert_element_type3A, %lt3A_536 : vector<16xi32>
      %and3A = arith.andi %ge3A_535, %lt3A_537 : vector<16xi1>
      %ge3A_538 = arith.constant 0.000000e+00 : f32
      %ge3A_539 = vector.broadcast %ge3A_538 : f32 to vector<16xf32>
      %ge3A_540 = arith.cmpf oge, %mul3A_525, %ge3A_539 : vector<16xf32>
      %and3A_541 = arith.andi %and3A, %ge3A_540 : vector<16xi1>
      %lt3A_542 = arith.constant 1600 : i32
      %lt3A_543 = vector.broadcast %lt3A_542 : i32 to vector<16xi32>
      %lt3A_544 = arith.cmpi slt, %convert_element_type3A_532, %lt3A_543 : vector<16xi32>
      %and3A_545 = arith.andi %and3A_541, %lt3A_544 : vector<16xi1>
      %ge3A_546 = arith.constant 0.000000e+00 : f32
      %ge3A_547 = vector.broadcast %ge3A_546 : f32 to vector<16xf32>
      %ge3A_548 = arith.cmpf oge, %mul3A_531, %ge3A_547 : vector<16xf32>
      %and3A_549 = arith.andi %and3A_545, %ge3A_548 : vector<16xi1>
      %lt3A_550 = arith.constant 40 : i32
      %lt3A_551 = vector.broadcast %lt3A_550 : i32 to vector<16xi32>
      %lt3A_552 = arith.cmpi slt, %convert_element_type3A_533, %lt3A_551 : vector<16xi32>
      %and3A_553 = arith.andi %and3A_549, %lt3A_552 : vector<16xi1>
      %jit3A = arith.constant -1 : i32
      %broadcast_in_dim3A = vector.broadcast %jit3A : i32 to vector<16xi32>
      %select_n3A = arith.select %and3A_553, %convert_element_type3A_533, %broadcast_in_dim3A : vector<16xi1>, vector<16xi32>
      %swap3A = arith.constant 0 : i32
      %swap3A_554 = arith.index_cast %swap3A : i32 to index
      %swap3A_555 = arith.index_cast %mul3A_503 : i32 to index
      %swap3A_556 = tpu.vector_load %arg7[%swap3A_554, %swap3A_555] {strides = array<i32>} : memref<3x3840xi32, #tpu.memory_space<vmem>>, vector<16xi32>,
      tpu.vector_store %arg7[%swap3A_554, %swap3A_555], %select_n3A {strides = array<i32>} : memref<3x3840xi32, #tpu.memory_space<vmem>>, vector<16xi32>,
      %jit3A_557 = arith.constant -1 : i32
      %broadcast_in_dim3A_558 = vector.broadcast %jit3A_557 : i32 to vector<16xi32>
      %select_n3A_559 = arith.select %and3A_553, %convert_element_type3A_532, %broadcast_in_dim3A_558 : vector<16xi1>, vector<16xi32>
      %swap3A_560 = arith.constant 1 : i32
      %swap3A_561 = arith.index_cast %swap3A_560 : i32 to index
      %swap3A_562 = arith.index_cast %mul3A_503 : i32 to index
      %swap3A_563 = tpu.vector_load %arg7[%swap3A_561, %swap3A_562] {strides = array<i32>} : memref<3x3840xi32, #tpu.memory_space<vmem>>, vector<16xi32>,
      tpu.vector_store %arg7[%swap3A_561, %swap3A_562], %select_n3A_559 {strides = array<i32>} : memref<3x3840xi32, #tpu.memory_space<vmem>>, vector<16xi32>,
      %jit3A_564 = arith.constant -1 : i32
      %broadcast_in_dim3A_565 = vector.broadcast %jit3A_564 : i32 to vector<16xi32>
      %select_n3A_566 = arith.select %and3A_553, %convert_element_type3A, %broadcast_in_dim3A_565 : vector<16xi1>, vector<16xi32>
      %swap3A_567 = arith.constant 2 : i32
      %swap3A_568 = arith.index_cast %swap3A_567 : i32 to index
      %swap3A_569 = arith.index_cast %mul3A_503 : i32 to index
      %swap3A_570 = tpu.vector_load %arg7[%swap3A_568, %swap3A_569] {strides = array<i32>} : memref<3x3840xi32, #tpu.memory_space<vmem>>, vector<16xi32>,
      tpu.vector_store %arg7[%swap3A_568, %swap3A_569], %select_n3A_566 {strides = array<i32>} : memref<3x3840xi32, #tpu.memory_space<vmem>>, vector<16xi32>,
    }
    %scan3A_80 = arith.constant 240 : i32
    %add3A_81 = arith.constant 3840 : i32
    %add3A_82 = arith.addi %multiple_of3A, %add3A_81 : i32
    %dma_start3A_83 = arith.constant 0 : i32
    %dma_start3A_84 = arith.constant 0 : i32
    %dma_start3A_85 = tpu.memref_slice %arg7[%dma_start3A_83, %dma_start3A_84] : memref<3x3840xi32, #tpu.memory_space<vmem>> -> memref<3x3840xi32, #tpu.memory_space<vmem>>
    %dma_start3A_86 = arith.constant 0 : i32
    %dma_start3A_87 = tpu.memref_slice %arg3[%dma_start3A_86, %add3A_82] : memref<3x1200000xi32, #tpu.memory_space<hbm>> -> memref<3x3840xi32, #tpu.memory_space<hbm>>
    %dma_start3A_88 = arith.constant 0 : i32
    %dma_start3A_89 = tpu.memref_slice %arg3[%dma_start3A_88, %add3A_82] : memref<3x1200000xi32, #tpu.memory_space<hbm>> -> memref<3x3840xi32, #tpu.memory_space<hbm>>
    %dma_start3A_90 = arith.constant 0 : i32
    %dma_start3A_91 = arith.constant 0 : i32
    %dma_start3A_92 = tpu.memref_slice %arg7[%dma_start3A_90, %dma_start3A_91] : memref<3x3840xi32, #tpu.memory_space<vmem>> -> memref<3x3840xi32, #tpu.memory_space<vmem>>
    tpu.enqueue_dma source(%dma_start3A_92 : memref<3x3840xi32, #tpu.memory_space<vmem>>) target(%dma_start3A_89 : memref<3x3840xi32, #tpu.memory_space<hbm>>) target_semaphore(%arg11 : memref<!tpu.dma_semaphore, #tpu.memory_space<semaphore_mem>>)
    %dma_wait3A_93 = arith.constant 0 : i32
    %dma_wait3A_94 = arith.constant 0 : i32
    %dma_wait3A_95 = tpu.memref_slice %arg6[%dma_wait3A_93, %dma_wait3A_94] : memref<3x3840xi32, #tpu.memory_space<vmem>> -> memref<3x3840xi32, #tpu.memory_space<vmem>>
    %dma_wait3A_96 = arith.constant 0 : i32
    %dma_wait3A_97 = tpu.memref_slice %arg3[%dma_wait3A_96, %add3A_42] : memref<3x1200000xi32, #tpu.memory_space<hbm>> -> memref<3x3840xi32, #tpu.memory_space<hbm>>
    %dma_wait3A_98 = arith.constant 0 : i32
    %dma_wait3A_99 = tpu.memref_slice %arg3[%dma_wait3A_98, %add3A_42] : memref<3x1200000xi32, #tpu.memory_space<hbm>> -> memref<3x3840xi32, #tpu.memory_space<hbm>>
    %dma_wait3A_100 = arith.constant 0 : i32
    %dma_wait3A_101 = arith.constant 0 : i32
    %dma_wait3A_102 = tpu.memref_slice %arg6[%dma_wait3A_100, %dma_wait3A_101] : memref<3x3840xi32, #tpu.memory_space<vmem>> -> memref<3x3840xi32, #tpu.memory_space<vmem>>
    tpu.wait_dma2 semaphore(%arg10 : memref<!tpu.dma_semaphore, #tpu.memory_space<semaphore_mem>>) src(%dma_wait3A_102 : memref<3x3840xi32, #tpu.memory_space<vmem>>) dst(%dma_wait3A_99 : memref<3x3840xi32, #tpu.memory_space<hbm>>)
    %dma_wait3A_103 = arith.constant 0 : i32
    %dma_wait3A_104 = arith.constant 0 : i32
    %dma_wait3A_105 = tpu.memref_slice %arg4[%dma_wait3A_103, %dma_wait3A_104] : memref<4x3840xf32, #tpu.memory_space<vmem>> -> memref<3x3840xf32, #tpu.memory_space<vmem>>
    %dma_wait3A_106 = arith.constant 0 : i32
    %dma_wait3A_107 = tpu.memref_slice %arg2[%dma_wait3A_106, %add3A_64] : memref<4x1200000xf32, #tpu.memory_space<hbm>> -> memref<3x3840xf32, #tpu.memory_space<hbm>>
    %dma_wait3A_108 = arith.constant 0 : i32
    %dma_wait3A_109 = arith.constant 0 : i32
    %dma_wait3A_110 = tpu.memref_slice %arg4[%dma_wait3A_108, %dma_wait3A_109] : memref<4x3840xf32, #tpu.memory_space<vmem>> -> memref<3x3840xf32, #tpu.memory_space<vmem>>
    %dma_wait3A_111 = arith.constant 0 : i32
    %dma_wait3A_112 = tpu.memref_slice %arg2[%dma_wait3A_111, %add3A_64] : memref<4x1200000xf32, #tpu.memory_space<hbm>> -> memref<3x3840xf32, #tpu.memory_space<hbm>>
    tpu.wait_dma2 semaphore(%arg8 : memref<!tpu.dma_semaphore, #tpu.memory_space<semaphore_mem>>) src(%dma_wait3A_112 : memref<3x3840xf32, #tpu.memory_space<hbm>>) dst(%dma_wait3A_110 : memref<3x3840xf32, #tpu.memory_space<vmem>>)
    %add3A_113 = arith.constant 11520 : i32
    %add3A_114 = arith.addi %multiple_of3A, %add3A_113 : i32
    %dma_start3A_115 = arith.constant 0 : i32
    %dma_start3A_116 = arith.constant 0 : i32
    %dma_start3A_117 = tpu.memref_slice %arg5[%dma_start3A_115, %dma_start3A_116] : memref<4x3840xf32, #tpu.memory_space<vmem>> -> memref<3x3840xf32, #tpu.memory_space<vmem>>
    %dma_start3A_118 = arith.constant 0 : i32
    %dma_start3A_119 = tpu.memref_slice %arg2[%dma_start3A_118, %add3A_114] : memref<4x1200000xf32, #tpu.memory_space<hbm>> -> memref<3x3840xf32, #tpu.memory_space<hbm>>
    %dma_start3A_120 = arith.constant 0 : i32
    %dma_start3A_121 = arith.constant 0 : i32
    %dma_start3A_122 = tpu.memref_slice %arg5[%dma_start3A_120, %dma_start3A_121] : memref<4x3840xf32, #tpu.memory_space<vmem>> -> memref<3x3840xf32, #tpu.memory_space<vmem>>
    %dma_start3A_123 = arith.constant 0 : i32
    %dma_start3A_124 = tpu.memref_slice %arg2[%dma_start3A_123, %add3A_114] : memref<4x1200000xf32, #tpu.memory_space<hbm>> -> memref<3x3840xf32, #tpu.memory_space<hbm>>
    tpu.enqueue_dma source(%dma_start3A_124 : memref<3x3840xf32, #tpu.memory_space<hbm>>) target(%dma_start3A_122 : memref<3x3840xf32, #tpu.memory_space<vmem>>) target_semaphore(%arg9 : memref<!tpu.dma_semaphore, #tpu.memory_space<semaphore_mem>>)
    %scan3A_125 = arith.constant 0 : i32
    %scan3A_126 = arith.constant 0 : i32
    %scan3A_127 = arith.constant 240 : i32
    %scan3A_128 = arith.addi %scan3A_126, %scan3A_127 : i32
    %scan3A_129 = arith.constant 1 : i32
    scf.for %scan3A_501 = %scan3A_126 to %scan3A_128 step %scan3A_129  : i32 {
      %mul3A_502 = arith.constant 16 : i32
      %mul3A_503 = arith.muli %scan3A_501, %mul3A_502 : i32
      %get3A = arith.constant 0 : i32
      %get3A_504 = arith.index_cast %get3A : i32 to index
      %get3A_505 = arith.index_cast %mul3A_503 : i32 to index
      %get3A_506 = tpu.vector_load %arg4[%get3A_504, %get3A_505] {strides = array<i32>} : memref<4x3840xf32, #tpu.memory_space<vmem>>, vector<16xf32>,
      %get3A_507 = arith.constant 1 : i32
      %get3A_508 = arith.index_cast %get3A_507 : i32 to index
      %get3A_509 = arith.index_cast %mul3A_503 : i32 to index
      %get3A_510 = tpu.vector_load %arg4[%get3A_508, %get3A_509] {strides = array<i32>} : memref<4x3840xf32, #tpu.memory_space<vmem>>, vector<16xf32>,
      %get3A_511 = arith.constant 2 : i32
      %get3A_512 = arith.index_cast %get3A_511 : i32 to index
      %get3A_513 = arith.index_cast %mul3A_503 : i32 to index
      %get3A_514 = tpu.vector_load %arg4[%get3A_512, %get3A_513] {strides = array<i32>} : memref<4x3840xf32, #tpu.memory_space<vmem>>, vector<16xf32>,
      %sub3A = arith.constant 0.000000e+00 : f32
      %sub3A_515 = vector.broadcast %sub3A : f32 to vector<16xf32>
      %sub3A_516 = arith.subf %get3A_506, %sub3A_515 : vector<16xf32>
      %mul3A_517 = arith.constant 2.000000e+01 : f32
      %mul3A_518 = vector.broadcast %mul3A_517 : f32 to vector<16xf32>
      %mul3A_519 = arith.mulf %sub3A_516, %mul3A_518 : vector<16xf32>
      %sub3A_520 = arith.constant -4.000000e+01 : f32
      %sub3A_521 = vector.broadcast %sub3A_520 : f32 to vector<16xf32>
      %sub3A_522 = arith.subf %get3A_510, %sub3A_521 : vector<16xf32>
      %mul3A_523 = arith.constant 2.000000e+01 : f32
      %mul3A_524 = vector.broadcast %mul3A_523 : f32 to vector<16xf32>
      %mul3A_525 = arith.mulf %sub3A_522, %mul3A_524 : vector<16xf32>
      %sub3A_526 = arith.constant -3.000000e+00 : f32
      %sub3A_527 = vector.broadcast %sub3A_526 : f32 to vector<16xf32>
      %sub3A_528 = arith.subf %get3A_514, %sub3A_527 : vector<16xf32>
      %mul3A_529 = arith.constant 1.000000e+01 : f32
      %mul3A_530 = vector.broadcast %mul3A_529 : f32 to vector<16xf32>
      %mul3A_531 = arith.mulf %sub3A_528, %mul3A_530 : vector<16xf32>
      %convert_element_type3A = arith.fptosi %mul3A_519 : vector<16xf32> to vector<16xi32>
      %convert_element_type3A_532 = arith.fptosi %mul3A_525 : vector<16xf32> to vector<16xi32>
      %convert_element_type3A_533 = arith.fptosi %mul3A_531 : vector<16xf32> to vector<16xi32>
      %ge3A = arith.constant 0.000000e+00 : f32
      %ge3A_534 = vector.broadcast %ge3A : f32 to vector<16xf32>
      %ge3A_535 = arith.cmpf oge, %mul3A_519, %ge3A_534 : vector<16xf32>
      %lt3A = arith.constant 1408 : i32
      %lt3A_536 = vector.broadcast %lt3A : i32 to vector<16xi32>
      %lt3A_537 = arith.cmpi slt, %convert_element_type3A, %lt3A_536 : vector<16xi32>
      %and3A = arith.andi %ge3A_535, %lt3A_537 : vector<16xi1>
      %ge3A_538 = arith.constant 0.000000e+00 : f32
      %ge3A_539 = vector.broadcast %ge3A_538 : f32 to vector<16xf32>
      %ge3A_540 = arith.cmpf oge, %mul3A_525, %ge3A_539 : vector<16xf32>
      %and3A_541 = arith.andi %and3A, %ge3A_540 : vector<16xi1>
      %lt3A_542 = arith.constant 1600 : i32
      %lt3A_543 = vector.broadcast %lt3A_542 : i32 to vector<16xi32>
      %lt3A_544 = arith.cmpi slt, %convert_element_type3A_532, %lt3A_543 : vector<16xi32>
      %and3A_545 = arith.andi %and3A_541, %lt3A_544 : vector<16xi1>
      %ge3A_546 = arith.constant 0.000000e+00 : f32
      %ge3A_547 = vector.broadcast %ge3A_546 : f32 to vector<16xf32>
      %ge3A_548 = arith.cmpf oge, %mul3A_531, %ge3A_547 : vector<16xf32>
      %and3A_549 = arith.andi %and3A_545, %ge3A_548 : vector<16xi1>
      %lt3A_550 = arith.constant 40 : i32
      %lt3A_551 = vector.broadcast %lt3A_550 : i32 to vector<16xi32>
      %lt3A_552 = arith.cmpi slt, %convert_element_type3A_533, %lt3A_551 : vector<16xi32>
      %and3A_553 = arith.andi %and3A_549, %lt3A_552 : vector<16xi1>
      %jit3A = arith.constant -1 : i32
      %broadcast_in_dim3A = vector.broadcast %jit3A : i32 to vector<16xi32>
      %select_n3A = arith.select %and3A_553, %convert_element_type3A_533, %broadcast_in_dim3A : vector<16xi1>, vector<16xi32>
      %swap3A = arith.constant 0 : i32
      %swap3A_554 = arith.index_cast %swap3A : i32 to index
      %swap3A_555 = arith.index_cast %mul3A_503 : i32 to index
      %swap3A_556 = tpu.vector_load %arg6[%swap3A_554, %swap3A_555] {strides = array<i32>} : memref<3x3840xi32, #tpu.memory_space<vmem>>, vector<16xi32>,
      tpu.vector_store %arg6[%swap3A_554, %swap3A_555], %select_n3A {strides = array<i32>} : memref<3x3840xi32, #tpu.memory_space<vmem>>, vector<16xi32>,
      %jit3A_557 = arith.constant -1 : i32
      %broadcast_in_dim3A_558 = vector.broadcast %jit3A_557 : i32 to vector<16xi32>
      %select_n3A_559 = arith.select %and3A_553, %convert_element_type3A_532, %broadcast_in_dim3A_558 : vector<16xi1>, vector<16xi32>
      %swap3A_560 = arith.constant 1 : i32
      %swap3A_561 = arith.index_cast %swap3A_560 : i32 to index
      %swap3A_562 = arith.index_cast %mul3A_503 : i32 to index
      %swap3A_563 = tpu.vector_load %arg6[%swap3A_561, %swap3A_562] {strides = array<i32>} : memref<3x3840xi32, #tpu.memory_space<vmem>>, vector<16xi32>,
      tpu.vector_store %arg6[%swap3A_561, %swap3A_562], %select_n3A_559 {strides = array<i32>} : memref<3x3840xi32, #tpu.memory_space<vmem>>, vector<16xi32>,
      %jit3A_564 = arith.constant -1 : i32
      %broadcast_in_dim3A_565 = vector.broadcast %jit3A_564 : i32 to vector<16xi32>
      %select_n3A_566 = arith.select %and3A_553, %convert_element_type3A, %broadcast_in_dim3A_565 : vector<16xi1>, vector<16xi32>
      %swap3A_567 = arith.constant 2 : i32
      %swap3A_568 = arith.index_cast %swap3A_567 : i32 to index
      %swap3A_569 = arith.index_cast %mul3A_503 : i32 to index
      %swap3A_570 = tpu.vector_load %arg6[%swap3A_568, %swap3A_569] {strides = array<i32>} : memref<3x3840xi32, #tpu.memory_space<vmem>>, vector<16xi32>,
      tpu.vector_store %arg6[%swap3A_568, %swap3A_569], %select_n3A_566 {strides = array<i32>} : memref<3x3840xi32, #tpu.memory_space<vmem>>, vector<16xi32>,
    }
    %scan3A_130 = arith.constant 240 : i32
    %add3A_131 = arith.constant 7680 : i32
    %add3A_132 = arith.addi %multiple_of3A, %add3A_131 : i32
    %dma_start3A_133 = arith.constant 0 : i32
    %dma_start3A_134 = arith.constant 0 : i32
    %dma_start3A_135 = tpu.memref_slice %arg6[%dma_start3A_133, %dma_start3A_134] : memref<3x3840xi32, #tpu.memory_space<vmem>> -> memref<3x3840xi32, #tpu.memory_space<vmem>>
    %dma_start3A_136 = arith.constant 0 : i32
    %dma_start3A_137 = tpu.memref_slice %arg3[%dma_start3A_136, %add3A_132] : memref<3x1200000xi32, #tpu.memory_space<hbm>> -> memref<3x3840xi32, #tpu.memory_space<hbm>>
    %dma_start3A_138 = arith.constant 0 : i32
    %dma_start3A_139 = tpu.memref_slice %arg3[%dma_start3A_138, %add3A_132] : memref<3x1200000xi32, #tpu.memory_space<hbm>> -> memref<3x3840xi32, #tpu.memory_space<hbm>>
    %dma_start3A_140 = arith.constant 0 : i32
    %dma_start3A_141 = arith.constant 0 : i32
    %dma_start3A_142 = tpu.memref_slice %arg6[%dma_start3A_140, %dma_start3A_141] : memref<3x3840xi32, #tpu.memory_space<vmem>> -> memref<3x3840xi32, #tpu.memory_space<vmem>>
    tpu.enqueue_dma source(%dma_start3A_142 : memref<3x3840xi32, #tpu.memory_space<vmem>>) target(%dma_start3A_139 : memref<3x3840xi32, #tpu.memory_space<hbm>>) target_semaphore(%arg10 : memref<!tpu.dma_semaphore, #tpu.memory_space<semaphore_mem>>)
    %dma_wait3A_143 = arith.constant 0 : i32
    %dma_wait3A_144 = arith.constant 0 : i32
    %dma_wait3A_145 = tpu.memref_slice %arg7[%dma_wait3A_143, %dma_wait3A_144] : memref<3x3840xi32, #tpu.memory_space<vmem>> -> memref<3x3840xi32, #tpu.memory_space<vmem>>
    %dma_wait3A_146 = arith.constant 0 : i32
    %dma_wait3A_147 = tpu.memref_slice %arg3[%dma_wait3A_146, %add3A_82] : memref<3x1200000xi32, #tpu.memory_space<hbm>> -> memref<3x3840xi32, #tpu.memory_space<hbm>>
    %dma_wait3A_148 = arith.constant 0 : i32
    %dma_wait3A_149 = tpu.memref_slice %arg3[%dma_wait3A_148, %add3A_82] : memref<3x1200000xi32, #tpu.memory_space<hbm>> -> memref<3x3840xi32, #tpu.memory_space<hbm>>
    %dma_wait3A_150 = arith.constant 0 : i32
    %dma_wait3A_151 = arith.constant 0 : i32
    %dma_wait3A_152 = tpu.memref_slice %arg7[%dma_wait3A_150, %dma_wait3A_151] : memref<3x3840xi32, #tpu.memory_space<vmem>> -> memref<3x3840xi32, #tpu.memory_space<vmem>>
    tpu.wait_dma2 semaphore(%arg11 : memref<!tpu.dma_semaphore, #tpu.memory_space<semaphore_mem>>) src(%dma_wait3A_152 : memref<3x3840xi32, #tpu.memory_space<vmem>>) dst(%dma_wait3A_149 : memref<3x3840xi32, #tpu.memory_space<hbm>>)
    %dma_wait3A_153 = arith.constant 0 : i32
    %dma_wait3A_154 = arith.constant 0 : i32
    %dma_wait3A_155 = tpu.memref_slice %arg5[%dma_wait3A_153, %dma_wait3A_154] : memref<4x3840xf32, #tpu.memory_space<vmem>> -> memref<3x3840xf32, #tpu.memory_space<vmem>>
    %dma_wait3A_156 = arith.constant 0 : i32
    %dma_wait3A_157 = tpu.memref_slice %arg2[%dma_wait3A_156, %add3A_114] : memref<4x1200000xf32, #tpu.memory_space<hbm>> -> memref<3x3840xf32, #tpu.memory_space<hbm>>
    %dma_wait3A_158 = arith.constant 0 : i32
    %dma_wait3A_159 = arith.constant 0 : i32
    %dma_wait3A_160 = tpu.memref_slice %arg5[%dma_wait3A_158, %dma_wait3A_159] : memref<4x3840xf32, #tpu.memory_space<vmem>> -> memref<3x3840xf32, #tpu.memory_space<vmem>>
    %dma_wait3A_161 = arith.constant 0 : i32
    %dma_wait3A_162 = tpu.memref_slice %arg2[%dma_wait3A_161, %add3A_114] : memref<4x1200000xf32, #tpu.memory_space<hbm>> -> memref<3x3840xf32, #tpu.memory_space<hbm>>
    tpu.wait_dma2 semaphore(%arg9 : memref<!tpu.dma_semaphore, #tpu.memory_space<semaphore_mem>>) src(%dma_wait3A_162 : memref<3x3840xf32, #tpu.memory_space<hbm>>) dst(%dma_wait3A_160 : memref<3x3840xf32, #tpu.memory_space<vmem>>)
    %add3A_163 = arith.constant 15360 : i32
    %add3A_164 = arith.addi %multiple_of3A, %add3A_163 : i32
    %dma_start3A_165 = arith.constant 0 : i32
    %dma_start3A_166 = arith.constant 0 : i32
    %dma_start3A_167 = tpu.memref_slice %arg4[%dma_start3A_165, %dma_start3A_166] : memref<4x3840xf32, #tpu.memory_space<vmem>> -> memref<3x3840xf32, #tpu.memory_space<vmem>>
    %dma_start3A_168 = arith.constant 0 : i32
    %dma_start3A_169 = tpu.memref_slice %arg2[%dma_start3A_168, %add3A_164] : memref<4x1200000xf32, #tpu.memory_space<hbm>> -> memref<3x3840xf32, #tpu.memory_space<hbm>>
    %dma_start3A_170 = arith.constant 0 : i32
    %dma_start3A_171 = arith.constant 0 : i32
    %dma_start3A_172 = tpu.memref_slice %arg4[%dma_start3A_170, %dma_start3A_171] : memref<4x3840xf32, #tpu.memory_space<vmem>> -> memref<3x3840xf32, #tpu.memory_space<vmem>>
    %dma_start3A_173 = arith.constant 0 : i32
    %dma_start3A_174 = tpu.memref_slice %arg2[%dma_start3A_173, %add3A_164] : memref<4x1200000xf32, #tpu.memory_space<hbm>> -> memref<3x3840xf32, #tpu.memory_space<hbm>>
    tpu.enqueue_dma source(%dma_start3A_174 : memref<3x3840xf32, #tpu.memory_space<hbm>>) target(%dma_start3A_172 : memref<3x3840xf32, #tpu.memory_space<vmem>>) target_semaphore(%arg8 : memref<!tpu.dma_semaphore, #tpu.memory_space<semaphore_mem>>)
    %scan3A_175 = arith.constant 0 : i32
    %scan3A_176 = arith.constant 0 : i32
    %scan3A_177 = arith.constant 240 : i32
    %scan3A_178 = arith.addi %scan3A_176, %scan3A_177 : i32
    %scan3A_179 = arith.constant 1 : i32
    scf.for %scan3A_501 = %scan3A_176 to %scan3A_178 step %scan3A_179  : i32 {
      %mul3A_502 = arith.constant 16 : i32
      %mul3A_503 = arith.muli %scan3A_501, %mul3A_502 : i32
      %get3A = arith.constant 0 : i32
      %get3A_504 = arith.index_cast %get3A : i32 to index
      %get3A_505 = arith.index_cast %mul3A_503 : i32 to index
      %get3A_506 = tpu.vector_load %arg5[%get3A_504, %get3A_505] {strides = array<i32>} : memref<4x3840xf32, #tpu.memory_space<vmem>>, vector<16xf32>,
      %get3A_507 = arith.constant 1 : i32
      %get3A_508 = arith.index_cast %get3A_507 : i32 to index
      %get3A_509 = arith.index_cast %mul3A_503 : i32 to index
      %get3A_510 = tpu.vector_load %arg5[%get3A_508, %get3A_509] {strides = array<i32>} : memref<4x3840xf32, #tpu.memory_space<vmem>>, vector<16xf32>,
      %get3A_511 = arith.constant 2 : i32
      %get3A_512 = arith.index_cast %get3A_511 : i32 to index
      %get3A_513 = arith.index_cast %mul3A_503 : i32 to index
      %get3A_514 = tpu.vector_load %arg5[%get3A_512, %get3A_513] {strides = array<i32>} : memref<4x3840xf32, #tpu.memory_space<vmem>>, vector<16xf32>,
      %sub3A = arith.constant 0.000000e+00 : f32
      %sub3A_515 = vector.broadcast %sub3A : f32 to vector<16xf32>
      %sub3A_516 = arith.subf %get3A_506, %sub3A_515 : vector<16xf32>
      %mul3A_517 = arith.constant 2.000000e+01 : f32
      %mul3A_518 = vector.broadcast %mul3A_517 : f32 to vector<16xf32>
      %mul3A_519 = arith.mulf %sub3A_516, %mul3A_518 : vector<16xf32>
      %sub3A_520 = arith.constant -4.000000e+01 : f32
      %sub3A_521 = vector.broadcast %sub3A_520 : f32 to vector<16xf32>
      %sub3A_522 = arith.subf %get3A_510, %sub3A_521 : vector<16xf32>
      %mul3A_523 = arith.constant 2.000000e+01 : f32
      %mul3A_524 = vector.broadcast %mul3A_523 : f32 to vector<16xf32>
      %mul3A_525 = arith.mulf %sub3A_522, %mul3A_524 : vector<16xf32>
      %sub3A_526 = arith.constant -3.000000e+00 : f32
      %sub3A_527 = vector.broadcast %sub3A_526 : f32 to vector<16xf32>
      %sub3A_528 = arith.subf %get3A_514, %sub3A_527 : vector<16xf32>
      %mul3A_529 = arith.constant 1.000000e+01 : f32
      %mul3A_530 = vector.broadcast %mul3A_529 : f32 to vector<16xf32>
      %mul3A_531 = arith.mulf %sub3A_528, %mul3A_530 : vector<16xf32>
      %convert_element_type3A = arith.fptosi %mul3A_519 : vector<16xf32> to vector<16xi32>
      %convert_element_type3A_532 = arith.fptosi %mul3A_525 : vector<16xf32> to vector<16xi32>
      %convert_element_type3A_533 = arith.fptosi %mul3A_531 : vector<16xf32> to vector<16xi32>
      %ge3A = arith.constant 0.000000e+00 : f32
      %ge3A_534 = vector.broadcast %ge3A : f32 to vector<16xf32>
      %ge3A_535 = arith.cmpf oge, %mul3A_519, %ge3A_534 : vector<16xf32>
      %lt3A = arith.constant 1408 : i32
      %lt3A_536 = vector.broadcast %lt3A : i32 to vector<16xi32>
      %lt3A_537 = arith.cmpi slt, %convert_element_type3A, %lt3A_536 : vector<16xi32>
      %and3A = arith.andi %ge3A_535, %lt3A_537 : vector<16xi1>
      %ge3A_538 = arith.constant 0.000000e+00 : f32
      %ge3A_539 = vector.broadcast %ge3A_538 : f32 to vector<16xf32>
      %ge3A_540 = arith.cmpf oge, %mul3A_525, %ge3A_539 : vector<16xf32>
      %and3A_541 = arith.andi %and3A, %ge3A_540 : vector<16xi1>
      %lt3A_542 = arith.constant 1600 : i32
      %lt3A_543 = vector.broadcast %lt3A_542 : i32 to vector<16xi32>
      %lt3A_544 = arith.cmpi slt, %convert_element_type3A_532, %lt3A_543 : vector<16xi32>
      %and3A_545 = arith.andi %and3A_541, %lt3A_544 : vector<16xi1>
      %ge3A_546 = arith.constant 0.000000e+00 : f32
      %ge3A_547 = vector.broadcast %ge3A_546 : f32 to vector<16xf32>
      %ge3A_548 = arith.cmpf oge, %mul3A_531, %ge3A_547 : vector<16xf32>
      %and3A_549 = arith.andi %and3A_545, %ge3A_548 : vector<16xi1>
      %lt3A_550 = arith.constant 40 : i32
      %lt3A_551 = vector.broadcast %lt3A_550 : i32 to vector<16xi32>
      %lt3A_552 = arith.cmpi slt, %convert_element_type3A_533, %lt3A_551 : vector<16xi32>
      %and3A_553 = arith.andi %and3A_549, %lt3A_552 : vector<16xi1>
      %jit3A = arith.constant -1 : i32
      %broadcast_in_dim3A = vector.broadcast %jit3A : i32 to vector<16xi32>
      %select_n3A = arith.select %and3A_553, %convert_element_type3A_533, %broadcast_in_dim3A : vector<16xi1>, vector<16xi32>
      %swap3A = arith.constant 0 : i32
      %swap3A_554 = arith.index_cast %swap3A : i32 to index
      %swap3A_555 = arith.index_cast %mul3A_503 : i32 to index
      %swap3A_556 = tpu.vector_load %arg7[%swap3A_554, %swap3A_555] {strides = array<i32>} : memref<3x3840xi32, #tpu.memory_space<vmem>>, vector<16xi32>,
      tpu.vector_store %arg7[%swap3A_554, %swap3A_555], %select_n3A {strides = array<i32>} : memref<3x3840xi32, #tpu.memory_space<vmem>>, vector<16xi32>,
      %jit3A_557 = arith.constant -1 : i32
      %broadcast_in_dim3A_558 = vector.broadcast %jit3A_557 : i32 to vector<16xi32>
      %select_n3A_559 = arith.select %and3A_553, %convert_element_type3A_532, %broadcast_in_dim3A_558 : vector<16xi1>, vector<16xi32>
      %swap3A_560 = arith.constant 1 : i32
      %swap3A_561 = arith.index_cast %swap3A_560 : i32 to index
      %swap3A_562 = arith.index_cast %mul3A_503 : i32 to index
      %swap3A_563 = tpu.vector_load %arg7[%swap3A_561, %swap3A_562] {strides = array<i32>} : memref<3x3840xi32, #tpu.memory_space<vmem>>, vector<16xi32>,
      tpu.vector_store %arg7[%swap3A_561, %swap3A_562], %select_n3A_559 {strides = array<i32>} : memref<3x3840xi32, #tpu.memory_space<vmem>>, vector<16xi32>,
      %jit3A_564 = arith.constant -1 : i32
      %broadcast_in_dim3A_565 = vector.broadcast %jit3A_564 : i32 to vector<16xi32>
      %select_n3A_566 = arith.select %and3A_553, %convert_element_type3A, %broadcast_in_dim3A_565 : vector<16xi1>, vector<16xi32>
      %swap3A_567 = arith.constant 2 : i32
      %swap3A_568 = arith.index_cast %swap3A_567 : i32 to index
      %swap3A_569 = arith.index_cast %mul3A_503 : i32 to index
      %swap3A_570 = tpu.vector_load %arg7[%swap3A_568, %swap3A_569] {strides = array<i32>} : memref<3x3840xi32, #tpu.memory_space<vmem>>, vector<16xi32>,
      tpu.vector_store %arg7[%swap3A_568, %swap3A_569], %select_n3A_566 {strides = array<i32>} : memref<3x3840xi32, #tpu.memory_space<vmem>>, vector<16xi32>,
    }
    %scan3A_180 = arith.constant 240 : i32
    %add3A_181 = arith.constant 11520 : i32
    %add3A_182 = arith.addi %multiple_of3A, %add3A_181 : i32
    %dma_start3A_183 = arith.constant 0 : i32
    %dma_start3A_184 = arith.constant 0 : i32
    %dma_start3A_185 = tpu.memref_slice %arg7[%dma_start3A_183, %dma_start3A_184] : memref<3x3840xi32, #tpu.memory_space<vmem>> -> memref<3x3840xi32, #tpu.memory_space<vmem>>
    %dma_start3A_186 = arith.constant 0 : i32
    %dma_start3A_187 = tpu.memref_slice %arg3[%dma_start3A_186, %add3A_182] : memref<3x1200000xi32, #tpu.memory_space<hbm>> -> memref<3x3840xi32, #tpu.memory_space<hbm>>
    %dma_start3A_188 = arith.constant 0 : i32
    %dma_start3A_189 = tpu.memref_slice %arg3[%dma_start3A_188, %add3A_182] : memref<3x1200000xi32, #tpu.memory_space<hbm>> -> memref<3x3840xi32, #tpu.memory_space<hbm>>
    %dma_start3A_190 = arith.constant 0 : i32
    %dma_start3A_191 = arith.constant 0 : i32
    %dma_start3A_192 = tpu.memref_slice %arg7[%dma_start3A_190, %dma_start3A_191] : memref<3x3840xi32, #tpu.memory_space<vmem>> -> memref<3x3840xi32, #tpu.memory_space<vmem>>
    tpu.enqueue_dma source(%dma_start3A_192 : memref<3x3840xi32, #tpu.memory_space<vmem>>) target(%dma_start3A_189 : memref<3x3840xi32, #tpu.memory_space<hbm>>) target_semaphore(%arg11 : memref<!tpu.dma_semaphore, #tpu.memory_space<semaphore_mem>>)
    %dma_wait3A_193 = arith.constant 0 : i32
    %dma_wait3A_194 = arith.constant 0 : i32
    %dma_wait3A_195 = tpu.memref_slice %arg6[%dma_wait3A_193, %dma_wait3A_194] : memref<3x3840xi32, #tpu.memory_space<vmem>> -> memref<3x3840xi32, #tpu.memory_space<vmem>>
    %dma_wait3A_196 = arith.constant 0 : i32
    %dma_wait3A_197 = tpu.memref_slice %arg3[%dma_wait3A_196, %add3A_132] : memref<3x1200000xi32, #tpu.memory_space<hbm>> -> memref<3x3840xi32, #tpu.memory_space<hbm>>
    %dma_wait3A_198 = arith.constant 0 : i32
    %dma_wait3A_199 = tpu.memref_slice %arg3[%dma_wait3A_198, %add3A_132] : memref<3x1200000xi32, #tpu.memory_space<hbm>> -> memref<3x3840xi32, #tpu.memory_space<hbm>>
    %dma_wait3A_200 = arith.constant 0 : i32
    %dma_wait3A_201 = arith.constant 0 : i32
    %dma_wait3A_202 = tpu.memref_slice %arg6[%dma_wait3A_200, %dma_wait3A_201] : memref<3x3840xi32, #tpu.memory_space<vmem>> -> memref<3x3840xi32, #tpu.memory_space<vmem>>
    tpu.wait_dma2 semaphore(%arg10 : memref<!tpu.dma_semaphore, #tpu.memory_space<semaphore_mem>>) src(%dma_wait3A_202 : memref<3x3840xi32, #tpu.memory_space<vmem>>) dst(%dma_wait3A_199 : memref<3x3840xi32, #tpu.memory_space<hbm>>)
    %dma_wait3A_203 = arith.constant 0 : i32
    %dma_wait3A_204 = arith.constant 0 : i32
    %dma_wait3A_205 = tpu.memref_slice %arg4[%dma_wait3A_203, %dma_wait3A_204] : memref<4x3840xf32, #tpu.memory_space<vmem>> -> memref<3x3840xf32, #tpu.memory_space<vmem>>
    %dma_wait3A_206 = arith.constant 0 : i32
    %dma_wait3A_207 = tpu.memref_slice %arg2[%dma_wait3A_206, %add3A_164] : memref<4x1200000xf32, #tpu.memory_space<hbm>> -> memref<3x3840xf32, #tpu.memory_space<hbm>>
    %dma_wait3A_208 = arith.constant 0 : i32
    %dma_wait3A_209 = arith.constant 0 : i32
    %dma_wait3A_210 = tpu.memref_slice %arg4[%dma_wait3A_208, %dma_wait3A_209] : memref<4x3840xf32, #tpu.memory_space<vmem>> -> memref<3x3840xf32, #tpu.memory_space<vmem>>
    %dma_wait3A_211 = arith.constant 0 : i32
    %dma_wait3A_212 = tpu.memref_slice %arg2[%dma_wait3A_211, %add3A_164] : memref<4x1200000xf32, #tpu.memory_space<hbm>> -> memref<3x3840xf32, #tpu.memory_space<hbm>>
    tpu.wait_dma2 semaphore(%arg8 : memref<!tpu.dma_semaphore, #tpu.memory_space<semaphore_mem>>) src(%dma_wait3A_212 : memref<3x3840xf32, #tpu.memory_space<hbm>>) dst(%dma_wait3A_210 : memref<3x3840xf32, #tpu.memory_space<vmem>>)
    %add3A_213 = arith.constant 19200 : i32
    %add3A_214 = arith.addi %multiple_of3A, %add3A_213 : i32
    %dma_start3A_215 = arith.constant 0 : i32
    %dma_start3A_216 = arith.constant 0 : i32
    %dma_start3A_217 = tpu.memref_slice %arg5[%dma_start3A_215, %dma_start3A_216] : memref<4x3840xf32, #tpu.memory_space<vmem>> -> memref<3x3840xf32, #tpu.memory_space<vmem>>
    %dma_start3A_218 = arith.constant 0 : i32
    %dma_start3A_219 = tpu.memref_slice %arg2[%dma_start3A_218, %add3A_214] : memref<4x1200000xf32, #tpu.memory_space<hbm>> -> memref<3x3840xf32, #tpu.memory_space<hbm>>
    %dma_start3A_220 = arith.constant 0 : i32
    %dma_start3A_221 = arith.constant 0 : i32
    %dma_start3A_222 = tpu.memref_slice %arg5[%dma_start3A_220, %dma_start3A_221] : memref<4x3840xf32, #tpu.memory_space<vmem>> -> memref<3x3840xf32, #tpu.memory_space<vmem>>
    %dma_start3A_223 = arith.constant 0 : i32
    %dma_start3A_224 = tpu.memref_slice %arg2[%dma_start3A_223, %add3A_214] : memref<4x1200000xf32, #tpu.memory_space<hbm>> -> memref<3x3840xf32, #tpu.memory_space<hbm>>
    tpu.enqueue_dma source(%dma_start3A_224 : memref<3x3840xf32, #tpu.memory_space<hbm>>) target(%dma_start3A_222 : memref<3x3840xf32, #tpu.memory_space<vmem>>) target_semaphore(%arg9 : memref<!tpu.dma_semaphore, #tpu.memory_space<semaphore_mem>>)
    %scan3A_225 = arith.constant 0 : i32
    %scan3A_226 = arith.constant 0 : i32
    %scan3A_227 = arith.constant 240 : i32
    %scan3A_228 = arith.addi %scan3A_226, %scan3A_227 : i32
    %scan3A_229 = arith.constant 1 : i32
    scf.for %scan3A_501 = %scan3A_226 to %scan3A_228 step %scan3A_229  : i32 {
      %mul3A_502 = arith.constant 16 : i32
      %mul3A_503 = arith.muli %scan3A_501, %mul3A_502 : i32
      %get3A = arith.constant 0 : i32
      %get3A_504 = arith.index_cast %get3A : i32 to index
      %get3A_505 = arith.index_cast %mul3A_503 : i32 to index
      %get3A_506 = tpu.vector_load %arg4[%get3A_504, %get3A_505] {strides = array<i32>} : memref<4x3840xf32, #tpu.memory_space<vmem>>, vector<16xf32>,
      %get3A_507 = arith.constant 1 : i32
      %get3A_508 = arith.index_cast %get3A_507 : i32 to index
      %get3A_509 = arith.index_cast %mul3A_503 : i32 to index
      %get3A_510 = tpu.vector_load %arg4[%get3A_508, %get3A_509] {strides = array<i32>} : memref<4x3840xf32, #tpu.memory_space<vmem>>, vector<16xf32>,
      %get3A_511 = arith.constant 2 : i32
      %get3A_512 = arith.index_cast %get3A_511 : i32 to index
      %get3A_513 = arith.index_cast %mul3A_503 : i32 to index
      %get3A_514 = tpu.vector_load %arg4[%get3A_512, %get3A_513] {strides = array<i32>} : memref<4x3840xf32, #tpu.memory_space<vmem>>, vector<16xf32>,
      %sub3A = arith.constant 0.000000e+00 : f32
      %sub3A_515 = vector.broadcast %sub3A : f32 to vector<16xf32>
      %sub3A_516 = arith.subf %get3A_506, %sub3A_515 : vector<16xf32>
      %mul3A_517 = arith.constant 2.000000e+01 : f32
      %mul3A_518 = vector.broadcast %mul3A_517 : f32 to vector<16xf32>
      %mul3A_519 = arith.mulf %sub3A_516, %mul3A_518 : vector<16xf32>
      %sub3A_520 = arith.constant -4.000000e+01 : f32
      %sub3A_521 = vector.broadcast %sub3A_520 : f32 to vector<16xf32>
      %sub3A_522 = arith.subf %get3A_510, %sub3A_521 : vector<16xf32>
      %mul3A_523 = arith.constant 2.000000e+01 : f32
      %mul3A_524 = vector.broadcast %mul3A_523 : f32 to vector<16xf32>
      %mul3A_525 = arith.mulf %sub3A_522, %mul3A_524 : vector<16xf32>
      %sub3A_526 = arith.constant -3.000000e+00 : f32
      %sub3A_527 = vector.broadcast %sub3A_526 : f32 to vector<16xf32>
      %sub3A_528 = arith.subf %get3A_514, %sub3A_527 : vector<16xf32>
      %mul3A_529 = arith.constant 1.000000e+01 : f32
      %mul3A_530 = vector.broadcast %mul3A_529 : f32 to vector<16xf32>
      %mul3A_531 = arith.mulf %sub3A_528, %mul3A_530 : vector<16xf32>
      %convert_element_type3A = arith.fptosi %mul3A_519 : vector<16xf32> to vector<16xi32>
      %convert_element_type3A_532 = arith.fptosi %mul3A_525 : vector<16xf32> to vector<16xi32>
      %convert_element_type3A_533 = arith.fptosi %mul3A_531 : vector<16xf32> to vector<16xi32>
      %ge3A = arith.constant 0.000000e+00 : f32
      %ge3A_534 = vector.broadcast %ge3A : f32 to vector<16xf32>
      %ge3A_535 = arith.cmpf oge, %mul3A_519, %ge3A_534 : vector<16xf32>
      %lt3A = arith.constant 1408 : i32
      %lt3A_536 = vector.broadcast %lt3A : i32 to vector<16xi32>
      %lt3A_537 = arith.cmpi slt, %convert_element_type3A, %lt3A_536 : vector<16xi32>
      %and3A = arith.andi %ge3A_535, %lt3A_537 : vector<16xi1>
      %ge3A_538 = arith.constant 0.000000e+00 : f32
      %ge3A_539 = vector.broadcast %ge3A_538 : f32 to vector<16xf32>
      %ge3A_540 = arith.cmpf oge, %mul3A_525, %ge3A_539 : vector<16xf32>
      %and3A_541 = arith.andi %and3A, %ge3A_540 : vector<16xi1>
      %lt3A_542 = arith.constant 1600 : i32
      %lt3A_543 = vector.broadcast %lt3A_542 : i32 to vector<16xi32>
      %lt3A_544 = arith.cmpi slt, %convert_element_type3A_532, %lt3A_543 : vector<16xi32>
      %and3A_545 = arith.andi %and3A_541, %lt3A_544 : vector<16xi1>
      %ge3A_546 = arith.constant 0.000000e+00 : f32
      %ge3A_547 = vector.broadcast %ge3A_546 : f32 to vector<16xf32>
      %ge3A_548 = arith.cmpf oge, %mul3A_531, %ge3A_547 : vector<16xf32>
      %and3A_549 = arith.andi %and3A_545, %ge3A_548 : vector<16xi1>
      %lt3A_550 = arith.constant 40 : i32
      %lt3A_551 = vector.broadcast %lt3A_550 : i32 to vector<16xi32>
      %lt3A_552 = arith.cmpi slt, %convert_element_type3A_533, %lt3A_551 : vector<16xi32>
      %and3A_553 = arith.andi %and3A_549, %lt3A_552 : vector<16xi1>
      %jit3A = arith.constant -1 : i32
      %broadcast_in_dim3A = vector.broadcast %jit3A : i32 to vector<16xi32>
      %select_n3A = arith.select %and3A_553, %convert_element_type3A_533, %broadcast_in_dim3A : vector<16xi1>, vector<16xi32>
      %swap3A = arith.constant 0 : i32
      %swap3A_554 = arith.index_cast %swap3A : i32 to index
      %swap3A_555 = arith.index_cast %mul3A_503 : i32 to index
      %swap3A_556 = tpu.vector_load %arg6[%swap3A_554, %swap3A_555] {strides = array<i32>} : memref<3x3840xi32, #tpu.memory_space<vmem>>, vector<16xi32>,
      tpu.vector_store %arg6[%swap3A_554, %swap3A_555], %select_n3A {strides = array<i32>} : memref<3x3840xi32, #tpu.memory_space<vmem>>, vector<16xi32>,
      %jit3A_557 = arith.constant -1 : i32
      %broadcast_in_dim3A_558 = vector.broadcast %jit3A_557 : i32 to vector<16xi32>
      %select_n3A_559 = arith.select %and3A_553, %convert_element_type3A_532, %broadcast_in_dim3A_558 : vector<16xi1>, vector<16xi32>
      %swap3A_560 = arith.constant 1 : i32
      %swap3A_561 = arith.index_cast %swap3A_560 : i32 to index
      %swap3A_562 = arith.index_cast %mul3A_503 : i32 to index
      %swap3A_563 = tpu.vector_load %arg6[%swap3A_561, %swap3A_562] {strides = array<i32>} : memref<3x3840xi32, #tpu.memory_space<vmem>>, vector<16xi32>,
      tpu.vector_store %arg6[%swap3A_561, %swap3A_562], %select_n3A_559 {strides = array<i32>} : memref<3x3840xi32, #tpu.memory_space<vmem>>, vector<16xi32>,
      %jit3A_564 = arith.constant -1 : i32
      %broadcast_in_dim3A_565 = vector.broadcast %jit3A_564 : i32 to vector<16xi32>
      %select_n3A_566 = arith.select %and3A_553, %convert_element_type3A, %broadcast_in_dim3A_565 : vector<16xi1>, vector<16xi32>
      %swap3A_567 = arith.constant 2 : i32
      %swap3A_568 = arith.index_cast %swap3A_567 : i32 to index
      %swap3A_569 = arith.index_cast %mul3A_503 : i32 to index
      %swap3A_570 = tpu.vector_load %arg6[%swap3A_568, %swap3A_569] {strides = array<i32>} : memref<3x3840xi32, #tpu.memory_space<vmem>>, vector<16xi32>,
      tpu.vector_store %arg6[%swap3A_568, %swap3A_569], %select_n3A_566 {strides = array<i32>} : memref<3x3840xi32, #tpu.memory_space<vmem>>, vector<16xi32>,
    }
    %scan3A_230 = arith.constant 240 : i32
    %add3A_231 = arith.constant 15360 : i32
    %add3A_232 = arith.addi %multiple_of3A, %add3A_231 : i32
    %dma_start3A_233 = arith.constant 0 : i32
    %dma_start3A_234 = arith.constant 0 : i32
    %dma_start3A_235 = tpu.memref_slice %arg6[%dma_start3A_233, %dma_start3A_234] : memref<3x3840xi32, #tpu.memory_space<vmem>> -> memref<3x3840xi32, #tpu.memory_space<vmem>>
    %dma_start3A_236 = arith.constant 0 : i32
    %dma_start3A_237 = tpu.memref_slice %arg3[%dma_start3A_236, %add3A_232] : memref<3x1200000xi32, #tpu.memory_space<hbm>> -> memref<3x3840xi32, #tpu.memory_space<hbm>>
    %dma_start3A_238 = arith.constant 0 : i32
    %dma_start3A_239 = tpu.memref_slice %arg3[%dma_start3A_238, %add3A_232] : memref<3x1200000xi32, #tpu.memory_space<hbm>> -> memref<3x3840xi32, #tpu.memory_space<hbm>>
    %dma_start3A_240 = arith.constant 0 : i32
    %dma_start3A_241 = arith.constant 0 : i32
    %dma_start3A_242 = tpu.memref_slice %arg6[%dma_start3A_240, %dma_start3A_241] : memref<3x3840xi32, #tpu.memory_space<vmem>> -> memref<3x3840xi32, #tpu.memory_space<vmem>>
    tpu.enqueue_dma source(%dma_start3A_242 : memref<3x3840xi32, #tpu.memory_space<vmem>>) target(%dma_start3A_239 : memref<3x3840xi32, #tpu.memory_space<hbm>>) target_semaphore(%arg10 : memref<!tpu.dma_semaphore, #tpu.memory_space<semaphore_mem>>)
    %dma_wait3A_243 = arith.constant 0 : i32
    %dma_wait3A_244 = arith.constant 0 : i32
    %dma_wait3A_245 = tpu.memref_slice %arg7[%dma_wait3A_243, %dma_wait3A_244] : memref<3x3840xi32, #tpu.memory_space<vmem>> -> memref<3x3840xi32, #tpu.memory_space<vmem>>
    %dma_wait3A_246 = arith.constant 0 : i32
    %dma_wait3A_247 = tpu.memref_slice %arg3[%dma_wait3A_246, %add3A_182] : memref<3x1200000xi32, #tpu.memory_space<hbm>> -> memref<3x3840xi32, #tpu.memory_space<hbm>>
    %dma_wait3A_248 = arith.constant 0 : i32
    %dma_wait3A_249 = tpu.memref_slice %arg3[%dma_wait3A_248, %add3A_182] : memref<3x1200000xi32, #tpu.memory_space<hbm>> -> memref<3x3840xi32, #tpu.memory_space<hbm>>
    %dma_wait3A_250 = arith.constant 0 : i32
    %dma_wait3A_251 = arith.constant 0 : i32
    %dma_wait3A_252 = tpu.memref_slice %arg7[%dma_wait3A_250, %dma_wait3A_251] : memref<3x3840xi32, #tpu.memory_space<vmem>> -> memref<3x3840xi32, #tpu.memory_space<vmem>>
    tpu.wait_dma2 semaphore(%arg11 : memref<!tpu.dma_semaphore, #tpu.memory_space<semaphore_mem>>) src(%dma_wait3A_252 : memref<3x3840xi32, #tpu.memory_space<vmem>>) dst(%dma_wait3A_249 : memref<3x3840xi32, #tpu.memory_space<hbm>>)
    %dma_wait3A_253 = arith.constant 0 : i32
    %dma_wait3A_254 = arith.constant 0 : i32
    %dma_wait3A_255 = tpu.memref_slice %arg5[%dma_wait3A_253, %dma_wait3A_254] : memref<4x3840xf32, #tpu.memory_space<vmem>> -> memref<3x3840xf32, #tpu.memory_space<vmem>>
    %dma_wait3A_256 = arith.constant 0 : i32
    %dma_wait3A_257 = tpu.memref_slice %arg2[%dma_wait3A_256, %add3A_214] : memref<4x1200000xf32, #tpu.memory_space<hbm>> -> memref<3x3840xf32, #tpu.memory_space<hbm>>
    %dma_wait3A_258 = arith.constant 0 : i32
    %dma_wait3A_259 = arith.constant 0 : i32
    %dma_wait3A_260 = tpu.memref_slice %arg5[%dma_wait3A_258, %dma_wait3A_259] : memref<4x3840xf32, #tpu.memory_space<vmem>> -> memref<3x3840xf32, #tpu.memory_space<vmem>>
    %dma_wait3A_261 = arith.constant 0 : i32
    %dma_wait3A_262 = tpu.memref_slice %arg2[%dma_wait3A_261, %add3A_214] : memref<4x1200000xf32, #tpu.memory_space<hbm>> -> memref<3x3840xf32, #tpu.memory_space<hbm>>
    tpu.wait_dma2 semaphore(%arg9 : memref<!tpu.dma_semaphore, #tpu.memory_space<semaphore_mem>>) src(%dma_wait3A_262 : memref<3x3840xf32, #tpu.memory_space<hbm>>) dst(%dma_wait3A_260 : memref<3x3840xf32, #tpu.memory_space<vmem>>)
    %add3A_263 = arith.constant 23040 : i32
    %add3A_264 = arith.addi %multiple_of3A, %add3A_263 : i32
    %dma_start3A_265 = arith.constant 0 : i32
    %dma_start3A_266 = arith.constant 0 : i32
    %dma_start3A_267 = tpu.memref_slice %arg4[%dma_start3A_265, %dma_start3A_266] : memref<4x3840xf32, #tpu.memory_space<vmem>> -> memref<3x3840xf32, #tpu.memory_space<vmem>>
    %dma_start3A_268 = arith.constant 0 : i32
    %dma_start3A_269 = tpu.memref_slice %arg2[%dma_start3A_268, %add3A_264] : memref<4x1200000xf32, #tpu.memory_space<hbm>> -> memref<3x3840xf32, #tpu.memory_space<hbm>>
    %dma_start3A_270 = arith.constant 0 : i32
    %dma_start3A_271 = arith.constant 0 : i32
    %dma_start3A_272 = tpu.memref_slice %arg4[%dma_start3A_270, %dma_start3A_271] : memref<4x3840xf32, #tpu.memory_space<vmem>> -> memref<3x3840xf32, #tpu.memory_space<vmem>>
    %dma_start3A_273 = arith.constant 0 : i32
    %dma_start3A_274 = tpu.memref_slice %arg2[%dma_start3A_273, %add3A_264] : memref<4x1200000xf32, #tpu.memory_space<hbm>> -> memref<3x3840xf32, #tpu.memory_space<hbm>>
    tpu.enqueue_dma source(%dma_start3A_274 : memref<3x3840xf32, #tpu.memory_space<hbm>>) target(%dma_start3A_272 : memref<3x3840xf32, #tpu.memory_space<vmem>>) target_semaphore(%arg8 : memref<!tpu.dma_semaphore, #tpu.memory_space<semaphore_mem>>)
    %scan3A_275 = arith.constant 0 : i32
    %scan3A_276 = arith.constant 0 : i32
    %scan3A_277 = arith.constant 240 : i32
    %scan3A_278 = arith.addi %scan3A_276, %scan3A_277 : i32
    %scan3A_279 = arith.constant 1 : i32
    scf.for %scan3A_501 = %scan3A_276 to %scan3A_278 step %scan3A_279  : i32 {
      %mul3A_502 = arith.constant 16 : i32
      %mul3A_503 = arith.muli %scan3A_501, %mul3A_502 : i32
      %get3A = arith.constant 0 : i32
      %get3A_504 = arith.index_cast %get3A : i32 to index
      %get3A_505 = arith.index_cast %mul3A_503 : i32 to index
      %get3A_506 = tpu.vector_load %arg5[%get3A_504, %get3A_505] {strides = array<i32>} : memref<4x3840xf32, #tpu.memory_space<vmem>>, vector<16xf32>,
      %get3A_507 = arith.constant 1 : i32
      %get3A_508 = arith.index_cast %get3A_507 : i32 to index
      %get3A_509 = arith.index_cast %mul3A_503 : i32 to index
      %get3A_510 = tpu.vector_load %arg5[%get3A_508, %get3A_509] {strides = array<i32>} : memref<4x3840xf32, #tpu.memory_space<vmem>>, vector<16xf32>,
      %get3A_511 = arith.constant 2 : i32
      %get3A_512 = arith.index_cast %get3A_511 : i32 to index
      %get3A_513 = arith.index_cast %mul3A_503 : i32 to index
      %get3A_514 = tpu.vector_load %arg5[%get3A_512, %get3A_513] {strides = array<i32>} : memref<4x3840xf32, #tpu.memory_space<vmem>>, vector<16xf32>,
      %sub3A = arith.constant 0.000000e+00 : f32
      %sub3A_515 = vector.broadcast %sub3A : f32 to vector<16xf32>
      %sub3A_516 = arith.subf %get3A_506, %sub3A_515 : vector<16xf32>
      %mul3A_517 = arith.constant 2.000000e+01 : f32
      %mul3A_518 = vector.broadcast %mul3A_517 : f32 to vector<16xf32>
      %mul3A_519 = arith.mulf %sub3A_516, %mul3A_518 : vector<16xf32>
      %sub3A_520 = arith.constant -4.000000e+01 : f32
      %sub3A_521 = vector.broadcast %sub3A_520 : f32 to vector<16xf32>
      %sub3A_522 = arith.subf %get3A_510, %sub3A_521 : vector<16xf32>
      %mul3A_523 = arith.constant 2.000000e+01 : f32
      %mul3A_524 = vector.broadcast %mul3A_523 : f32 to vector<16xf32>
      %mul3A_525 = arith.mulf %sub3A_522, %mul3A_524 : vector<16xf32>
      %sub3A_526 = arith.constant -3.000000e+00 : f32
      %sub3A_527 = vector.broadcast %sub3A_526 : f32 to vector<16xf32>
      %sub3A_528 = arith.subf %get3A_514, %sub3A_527 : vector<16xf32>
      %mul3A_529 = arith.constant 1.000000e+01 : f32
      %mul3A_530 = vector.broadcast %mul3A_529 : f32 to vector<16xf32>
      %mul3A_531 = arith.mulf %sub3A_528, %mul3A_530 : vector<16xf32>
      %convert_element_type3A = arith.fptosi %mul3A_519 : vector<16xf32> to vector<16xi32>
      %convert_element_type3A_532 = arith.fptosi %mul3A_525 : vector<16xf32> to vector<16xi32>
      %convert_element_type3A_533 = arith.fptosi %mul3A_531 : vector<16xf32> to vector<16xi32>
      %ge3A = arith.constant 0.000000e+00 : f32
      %ge3A_534 = vector.broadcast %ge3A : f32 to vector<16xf32>
      %ge3A_535 = arith.cmpf oge, %mul3A_519, %ge3A_534 : vector<16xf32>
      %lt3A = arith.constant 1408 : i32
      %lt3A_536 = vector.broadcast %lt3A : i32 to vector<16xi32>
      %lt3A_537 = arith.cmpi slt, %convert_element_type3A, %lt3A_536 : vector<16xi32>
      %and3A = arith.andi %ge3A_535, %lt3A_537 : vector<16xi1>
      %ge3A_538 = arith.constant 0.000000e+00 : f32
      %ge3A_539 = vector.broadcast %ge3A_538 : f32 to vector<16xf32>
      %ge3A_540 = arith.cmpf oge, %mul3A_525, %ge3A_539 : vector<16xf32>
      %and3A_541 = arith.andi %and3A, %ge3A_540 : vector<16xi1>
      %lt3A_542 = arith.constant 1600 : i32
      %lt3A_543 = vector.broadcast %lt3A_542 : i32 to vector<16xi32>
      %lt3A_544 = arith.cmpi slt, %convert_element_type3A_532, %lt3A_543 : vector<16xi32>
      %and3A_545 = arith.andi %and3A_541, %lt3A_544 : vector<16xi1>
      %ge3A_546 = arith.constant 0.000000e+00 : f32
      %ge3A_547 = vector.broadcast %ge3A_546 : f32 to vector<16xf32>
      %ge3A_548 = arith.cmpf oge, %mul3A_531, %ge3A_547 : vector<16xf32>
      %and3A_549 = arith.andi %and3A_545, %ge3A_548 : vector<16xi1>
      %lt3A_550 = arith.constant 40 : i32
      %lt3A_551 = vector.broadcast %lt3A_550 : i32 to vector<16xi32>
      %lt3A_552 = arith.cmpi slt, %convert_element_type3A_533, %lt3A_551 : vector<16xi32>
      %and3A_553 = arith.andi %and3A_549, %lt3A_552 : vector<16xi1>
      %jit3A = arith.constant -1 : i32
      %broadcast_in_dim3A = vector.broadcast %jit3A : i32 to vector<16xi32>
      %select_n3A = arith.select %and3A_553, %convert_element_type3A_533, %broadcast_in_dim3A : vector<16xi1>, vector<16xi32>
      %swap3A = arith.constant 0 : i32
      %swap3A_554 = arith.index_cast %swap3A : i32 to index
      %swap3A_555 = arith.index_cast %mul3A_503 : i32 to index
      %swap3A_556 = tpu.vector_load %arg7[%swap3A_554, %swap3A_555] {strides = array<i32>} : memref<3x3840xi32, #tpu.memory_space<vmem>>, vector<16xi32>,
      tpu.vector_store %arg7[%swap3A_554, %swap3A_555], %select_n3A {strides = array<i32>} : memref<3x3840xi32, #tpu.memory_space<vmem>>, vector<16xi32>,
      %jit3A_557 = arith.constant -1 : i32
      %broadcast_in_dim3A_558 = vector.broadcast %jit3A_557 : i32 to vector<16xi32>
      %select_n3A_559 = arith.select %and3A_553, %convert_element_type3A_532, %broadcast_in_dim3A_558 : vector<16xi1>, vector<16xi32>
      %swap3A_560 = arith.constant 1 : i32
      %swap3A_561 = arith.index_cast %swap3A_560 : i32 to index
      %swap3A_562 = arith.index_cast %mul3A_503 : i32 to index
      %swap3A_563 = tpu.vector_load %arg7[%swap3A_561, %swap3A_562] {strides = array<i32>} : memref<3x3840xi32, #tpu.memory_space<vmem>>, vector<16xi32>,
      tpu.vector_store %arg7[%swap3A_561, %swap3A_562], %select_n3A_559 {strides = array<i32>} : memref<3x3840xi32, #tpu.memory_space<vmem>>, vector<16xi32>,
      %jit3A_564 = arith.constant -1 : i32
      %broadcast_in_dim3A_565 = vector.broadcast %jit3A_564 : i32 to vector<16xi32>
      %select_n3A_566 = arith.select %and3A_553, %convert_element_type3A, %broadcast_in_dim3A_565 : vector<16xi1>, vector<16xi32>
      %swap3A_567 = arith.constant 2 : i32
      %swap3A_568 = arith.index_cast %swap3A_567 : i32 to index
      %swap3A_569 = arith.index_cast %mul3A_503 : i32 to index
      %swap3A_570 = tpu.vector_load %arg7[%swap3A_568, %swap3A_569] {strides = array<i32>} : memref<3x3840xi32, #tpu.memory_space<vmem>>, vector<16xi32>,
      tpu.vector_store %arg7[%swap3A_568, %swap3A_569], %select_n3A_566 {strides = array<i32>} : memref<3x3840xi32, #tpu.memory_space<vmem>>, vector<16xi32>,
    }
    %scan3A_280 = arith.constant 240 : i32
    %add3A_281 = arith.constant 19200 : i32
    %add3A_282 = arith.addi %multiple_of3A, %add3A_281 : i32
    %dma_start3A_283 = arith.constant 0 : i32
    %dma_start3A_284 = arith.constant 0 : i32
    %dma_start3A_285 = tpu.memref_slice %arg7[%dma_start3A_283, %dma_start3A_284] : memref<3x3840xi32, #tpu.memory_space<vmem>> -> memref<3x3840xi32, #tpu.memory_space<vmem>>
    %dma_start3A_286 = arith.constant 0 : i32
    %dma_start3A_287 = tpu.memref_slice %arg3[%dma_start3A_286, %add3A_282] : memref<3x1200000xi32, #tpu.memory_space<hbm>> -> memref<3x3840xi32, #tpu.memory_space<hbm>>
    %dma_start3A_288 = arith.constant 0 : i32
    %dma_start3A_289 = tpu.memref_slice %arg3[%dma_start3A_288, %add3A_282] : memref<3x1200000xi32, #tpu.memory_space<hbm>> -> memref<3x3840xi32, #tpu.memory_space<hbm>>
    %dma_start3A_290 = arith.constant 0 : i32
    %dma_start3A_291 = arith.constant 0 : i32
    %dma_start3A_292 = tpu.memref_slice %arg7[%dma_start3A_290, %dma_start3A_291] : memref<3x3840xi32, #tpu.memory_space<vmem>> -> memref<3x3840xi32, #tpu.memory_space<vmem>>
    tpu.enqueue_dma source(%dma_start3A_292 : memref<3x3840xi32, #tpu.memory_space<vmem>>) target(%dma_start3A_289 : memref<3x3840xi32, #tpu.memory_space<hbm>>) target_semaphore(%arg11 : memref<!tpu.dma_semaphore, #tpu.memory_space<semaphore_mem>>)
    %dma_wait3A_293 = arith.constant 0 : i32
    %dma_wait3A_294 = arith.constant 0 : i32
    %dma_wait3A_295 = tpu.memref_slice %arg6[%dma_wait3A_293, %dma_wait3A_294] : memref<3x3840xi32, #tpu.memory_space<vmem>> -> memref<3x3840xi32, #tpu.memory_space<vmem>>
    %dma_wait3A_296 = arith.constant 0 : i32
    %dma_wait3A_297 = tpu.memref_slice %arg3[%dma_wait3A_296, %add3A_232] : memref<3x1200000xi32, #tpu.memory_space<hbm>> -> memref<3x3840xi32, #tpu.memory_space<hbm>>
    %dma_wait3A_298 = arith.constant 0 : i32
    %dma_wait3A_299 = tpu.memref_slice %arg3[%dma_wait3A_298, %add3A_232] : memref<3x1200000xi32, #tpu.memory_space<hbm>> -> memref<3x3840xi32, #tpu.memory_space<hbm>>
    %dma_wait3A_300 = arith.constant 0 : i32
    %dma_wait3A_301 = arith.constant 0 : i32
    %dma_wait3A_302 = tpu.memref_slice %arg6[%dma_wait3A_300, %dma_wait3A_301] : memref<3x3840xi32, #tpu.memory_space<vmem>> -> memref<3x3840xi32, #tpu.memory_space<vmem>>
    tpu.wait_dma2 semaphore(%arg10 : memref<!tpu.dma_semaphore, #tpu.memory_space<semaphore_mem>>) src(%dma_wait3A_302 : memref<3x3840xi32, #tpu.memory_space<vmem>>) dst(%dma_wait3A_299 : memref<3x3840xi32, #tpu.memory_space<hbm>>)
    %dma_wait3A_303 = arith.constant 0 : i32
    %dma_wait3A_304 = arith.constant 0 : i32
    %dma_wait3A_305 = tpu.memref_slice %arg4[%dma_wait3A_303, %dma_wait3A_304] : memref<4x3840xf32, #tpu.memory_space<vmem>> -> memref<3x3840xf32, #tpu.memory_space<vmem>>
    %dma_wait3A_306 = arith.constant 0 : i32
    %dma_wait3A_307 = tpu.memref_slice %arg2[%dma_wait3A_306, %add3A_264] : memref<4x1200000xf32, #tpu.memory_space<hbm>> -> memref<3x3840xf32, #tpu.memory_space<hbm>>
    %dma_wait3A_308 = arith.constant 0 : i32
    %dma_wait3A_309 = arith.constant 0 : i32
    %dma_wait3A_310 = tpu.memref_slice %arg4[%dma_wait3A_308, %dma_wait3A_309] : memref<4x3840xf32, #tpu.memory_space<vmem>> -> memref<3x3840xf32, #tpu.memory_space<vmem>>
    %dma_wait3A_311 = arith.constant 0 : i32
    %dma_wait3A_312 = tpu.memref_slice %arg2[%dma_wait3A_311, %add3A_264] : memref<4x1200000xf32, #tpu.memory_space<hbm>> -> memref<3x3840xf32, #tpu.memory_space<hbm>>
    tpu.wait_dma2 semaphore(%arg8 : memref<!tpu.dma_semaphore, #tpu.memory_space<semaphore_mem>>) src(%dma_wait3A_312 : memref<3x3840xf32, #tpu.memory_space<hbm>>) dst(%dma_wait3A_310 : memref<3x3840xf32, #tpu.memory_space<vmem>>)
    %add3A_313 = arith.constant 26880 : i32
    %add3A_314 = arith.addi %multiple_of3A, %add3A_313 : i32
    %dma_start3A_315 = arith.constant 0 : i32
    %dma_start3A_316 = arith.constant 0 : i32
    %dma_start3A_317 = tpu.memref_slice %arg5[%dma_start3A_315, %dma_start3A_316] : memref<4x3840xf32, #tpu.memory_space<vmem>> -> memref<3x3840xf32, #tpu.memory_space<vmem>>
    %dma_start3A_318 = arith.constant 0 : i32
    %dma_start3A_319 = tpu.memref_slice %arg2[%dma_start3A_318, %add3A_314] : memref<4x1200000xf32, #tpu.memory_space<hbm>> -> memref<3x3840xf32, #tpu.memory_space<hbm>>
    %dma_start3A_320 = arith.constant 0 : i32
    %dma_start3A_321 = arith.constant 0 : i32
    %dma_start3A_322 = tpu.memref_slice %arg5[%dma_start3A_320, %dma_start3A_321] : memref<4x3840xf32, #tpu.memory_space<vmem>> -> memref<3x3840xf32, #tpu.memory_space<vmem>>
    %dma_start3A_323 = arith.constant 0 : i32
    %dma_start3A_324 = tpu.memref_slice %arg2[%dma_start3A_323, %add3A_314] : memref<4x1200000xf32, #tpu.memory_space<hbm>> -> memref<3x3840xf32, #tpu.memory_space<hbm>>
    tpu.enqueue_dma source(%dma_start3A_324 : memref<3x3840xf32, #tpu.memory_space<hbm>>) target(%dma_start3A_322 : memref<3x3840xf32, #tpu.memory_space<vmem>>) target_semaphore(%arg9 : memref<!tpu.dma_semaphore, #tpu.memory_space<semaphore_mem>>)
    %scan3A_325 = arith.constant 0 : i32
    %scan3A_326 = arith.constant 0 : i32
    %scan3A_327 = arith.constant 240 : i32
    %scan3A_328 = arith.addi %scan3A_326, %scan3A_327 : i32
    %scan3A_329 = arith.constant 1 : i32
    scf.for %scan3A_501 = %scan3A_326 to %scan3A_328 step %scan3A_329  : i32 {
      %mul3A_502 = arith.constant 16 : i32
      %mul3A_503 = arith.muli %scan3A_501, %mul3A_502 : i32
      %get3A = arith.constant 0 : i32
      %get3A_504 = arith.index_cast %get3A : i32 to index
      %get3A_505 = arith.index_cast %mul3A_503 : i32 to index
      %get3A_506 = tpu.vector_load %arg4[%get3A_504, %get3A_505] {strides = array<i32>} : memref<4x3840xf32, #tpu.memory_space<vmem>>, vector<16xf32>,
      %get3A_507 = arith.constant 1 : i32
      %get3A_508 = arith.index_cast %get3A_507 : i32 to index
      %get3A_509 = arith.index_cast %mul3A_503 : i32 to index
      %get3A_510 = tpu.vector_load %arg4[%get3A_508, %get3A_509] {strides = array<i32>} : memref<4x3840xf32, #tpu.memory_space<vmem>>, vector<16xf32>,
      %get3A_511 = arith.constant 2 : i32
      %get3A_512 = arith.index_cast %get3A_511 : i32 to index
      %get3A_513 = arith.index_cast %mul3A_503 : i32 to index
      %get3A_514 = tpu.vector_load %arg4[%get3A_512, %get3A_513] {strides = array<i32>} : memref<4x3840xf32, #tpu.memory_space<vmem>>, vector<16xf32>,
      %sub3A = arith.constant 0.000000e+00 : f32
      %sub3A_515 = vector.broadcast %sub3A : f32 to vector<16xf32>
      %sub3A_516 = arith.subf %get3A_506, %sub3A_515 : vector<16xf32>
      %mul3A_517 = arith.constant 2.000000e+01 : f32
      %mul3A_518 = vector.broadcast %mul3A_517 : f32 to vector<16xf32>
      %mul3A_519 = arith.mulf %sub3A_516, %mul3A_518 : vector<16xf32>
      %sub3A_520 = arith.constant -4.000000e+01 : f32
      %sub3A_521 = vector.broadcast %sub3A_520 : f32 to vector<16xf32>
      %sub3A_522 = arith.subf %get3A_510, %sub3A_521 : vector<16xf32>
      %mul3A_523 = arith.constant 2.000000e+01 : f32
      %mul3A_524 = vector.broadcast %mul3A_523 : f32 to vector<16xf32>
      %mul3A_525 = arith.mulf %sub3A_522, %mul3A_524 : vector<16xf32>
      %sub3A_526 = arith.constant -3.000000e+00 : f32
      %sub3A_527 = vector.broadcast %sub3A_526 : f32 to vector<16xf32>
      %sub3A_528 = arith.subf %get3A_514, %sub3A_527 : vector<16xf32>
      %mul3A_529 = arith.constant 1.000000e+01 : f32
      %mul3A_530 = vector.broadcast %mul3A_529 : f32 to vector<16xf32>
      %mul3A_531 = arith.mulf %sub3A_528, %mul3A_530 : vector<16xf32>
      %convert_element_type3A = arith.fptosi %mul3A_519 : vector<16xf32> to vector<16xi32>
      %convert_element_type3A_532 = arith.fptosi %mul3A_525 : vector<16xf32> to vector<16xi32>
      %convert_element_type3A_533 = arith.fptosi %mul3A_531 : vector<16xf32> to vector<16xi32>
      %ge3A = arith.constant 0.000000e+00 : f32
      %ge3A_534 = vector.broadcast %ge3A : f32 to vector<16xf32>
      %ge3A_535 = arith.cmpf oge, %mul3A_519, %ge3A_534 : vector<16xf32>
      %lt3A = arith.constant 1408 : i32
      %lt3A_536 = vector.broadcast %lt3A : i32 to vector<16xi32>
      %lt3A_537 = arith.cmpi slt, %convert_element_type3A, %lt3A_536 : vector<16xi32>
      %and3A = arith.andi %ge3A_535, %lt3A_537 : vector<16xi1>
      %ge3A_538 = arith.constant 0.000000e+00 : f32
      %ge3A_539 = vector.broadcast %ge3A_538 : f32 to vector<16xf32>
      %ge3A_540 = arith.cmpf oge, %mul3A_525, %ge3A_539 : vector<16xf32>
      %and3A_541 = arith.andi %and3A, %ge3A_540 : vector<16xi1>
      %lt3A_542 = arith.constant 1600 : i32
      %lt3A_543 = vector.broadcast %lt3A_542 : i32 to vector<16xi32>
      %lt3A_544 = arith.cmpi slt, %convert_element_type3A_532, %lt3A_543 : vector<16xi32>
      %and3A_545 = arith.andi %and3A_541, %lt3A_544 : vector<16xi1>
      %ge3A_546 = arith.constant 0.000000e+00 : f32
      %ge3A_547 = vector.broadcast %ge3A_546 : f32 to vector<16xf32>
      %ge3A_548 = arith.cmpf oge, %mul3A_531, %ge3A_547 : vector<16xf32>
      %and3A_549 = arith.andi %and3A_545, %ge3A_548 : vector<16xi1>
      %lt3A_550 = arith.constant 40 : i32
      %lt3A_551 = vector.broadcast %lt3A_550 : i32 to vector<16xi32>
      %lt3A_552 = arith.cmpi slt, %convert_element_type3A_533, %lt3A_551 : vector<16xi32>
      %and3A_553 = arith.andi %and3A_549, %lt3A_552 : vector<16xi1>
      %jit3A = arith.constant -1 : i32
      %broadcast_in_dim3A = vector.broadcast %jit3A : i32 to vector<16xi32>
      %select_n3A = arith.select %and3A_553, %convert_element_type3A_533, %broadcast_in_dim3A : vector<16xi1>, vector<16xi32>
      %swap3A = arith.constant 0 : i32
      %swap3A_554 = arith.index_cast %swap3A : i32 to index
      %swap3A_555 = arith.index_cast %mul3A_503 : i32 to index
      %swap3A_556 = tpu.vector_load %arg6[%swap3A_554, %swap3A_555] {strides = array<i32>} : memref<3x3840xi32, #tpu.memory_space<vmem>>, vector<16xi32>,
      tpu.vector_store %arg6[%swap3A_554, %swap3A_555], %select_n3A {strides = array<i32>} : memref<3x3840xi32, #tpu.memory_space<vmem>>, vector<16xi32>,
      %jit3A_557 = arith.constant -1 : i32
      %broadcast_in_dim3A_558 = vector.broadcast %jit3A_557 : i32 to vector<16xi32>
      %select_n3A_559 = arith.select %and3A_553, %convert_element_type3A_532, %broadcast_in_dim3A_558 : vector<16xi1>, vector<16xi32>
      %swap3A_560 = arith.constant 1 : i32
      %swap3A_561 = arith.index_cast %swap3A_560 : i32 to index
      %swap3A_562 = arith.index_cast %mul3A_503 : i32 to index
      %swap3A_563 = tpu.vector_load %arg6[%swap3A_561, %swap3A_562] {strides = array<i32>} : memref<3x3840xi32, #tpu.memory_space<vmem>>, vector<16xi32>,
      tpu.vector_store %arg6[%swap3A_561, %swap3A_562], %select_n3A_559 {strides = array<i32>} : memref<3x3840xi32, #tpu.memory_space<vmem>>, vector<16xi32>,
      %jit3A_564 = arith.constant -1 : i32
      %broadcast_in_dim3A_565 = vector.broadcast %jit3A_564 : i32 to vector<16xi32>
      %select_n3A_566 = arith.select %and3A_553, %convert_element_type3A, %broadcast_in_dim3A_565 : vector<16xi1>, vector<16xi32>
      %swap3A_567 = arith.constant 2 : i32
      %swap3A_568 = arith.index_cast %swap3A_567 : i32 to index
      %swap3A_569 = arith.index_cast %mul3A_503 : i32 to index
      %swap3A_570 = tpu.vector_load %arg6[%swap3A_568, %swap3A_569] {strides = array<i32>} : memref<3x3840xi32, #tpu.memory_space<vmem>>, vector<16xi32>,
      tpu.vector_store %arg6[%swap3A_568, %swap3A_569], %select_n3A_566 {strides = array<i32>} : memref<3x3840xi32, #tpu.memory_space<vmem>>, vector<16xi32>,
    }
    %scan3A_330 = arith.constant 240 : i32
    %add3A_331 = arith.constant 23040 : i32
    %add3A_332 = arith.addi %multiple_of3A, %add3A_331 : i32
    %dma_start3A_333 = arith.constant 0 : i32
    %dma_start3A_334 = arith.constant 0 : i32
    %dma_start3A_335 = tpu.memref_slice %arg6[%dma_start3A_333, %dma_start3A_334] : memref<3x3840xi32, #tpu.memory_space<vmem>> -> memref<3x3840xi32, #tpu.memory_space<vmem>>
    %dma_start3A_336 = arith.constant 0 : i32
    %dma_start3A_337 = tpu.memref_slice %arg3[%dma_start3A_336, %add3A_332] : memref<3x1200000xi32, #tpu.memory_space<hbm>> -> memref<3x3840xi32, #tpu.memory_space<hbm>>
    %dma_start3A_338 = arith.constant 0 : i32
    %dma_start3A_339 = tpu.memref_slice %arg3[%dma_start3A_338, %add3A_332] : memref<3x1200000xi32, #tpu.memory_space<hbm>> -> memref<3x3840xi32, #tpu.memory_space<hbm>>
    %dma_start3A_340 = arith.constant 0 : i32
    %dma_start3A_341 = arith.constant 0 : i32
    %dma_start3A_342 = tpu.memref_slice %arg6[%dma_start3A_340, %dma_start3A_341] : memref<3x3840xi32, #tpu.memory_space<vmem>> -> memref<3x3840xi32, #tpu.memory_space<vmem>>
    tpu.enqueue_dma source(%dma_start3A_342 : memref<3x3840xi32, #tpu.memory_space<vmem>>) target(%dma_start3A_339 : memref<3x3840xi32, #tpu.memory_space<hbm>>) target_semaphore(%arg10 : memref<!tpu.dma_semaphore, #tpu.memory_space<semaphore_mem>>)
    %dma_wait3A_343 = arith.constant 0 : i32
    %dma_wait3A_344 = arith.constant 0 : i32
    %dma_wait3A_345 = tpu.memref_slice %arg7[%dma_wait3A_343, %dma_wait3A_344] : memref<3x3840xi32, #tpu.memory_space<vmem>> -> memref<3x3840xi32, #tpu.memory_space<vmem>>
    %dma_wait3A_346 = arith.constant 0 : i32
    %dma_wait3A_347 = tpu.memref_slice %arg3[%dma_wait3A_346, %add3A_282] : memref<3x1200000xi32, #tpu.memory_space<hbm>> -> memref<3x3840xi32, #tpu.memory_space<hbm>>
    %dma_wait3A_348 = arith.constant 0 : i32
    %dma_wait3A_349 = tpu.memref_slice %arg3[%dma_wait3A_348, %add3A_282] : memref<3x1200000xi32, #tpu.memory_space<hbm>> -> memref<3x3840xi32, #tpu.memory_space<hbm>>
    %dma_wait3A_350 = arith.constant 0 : i32
    %dma_wait3A_351 = arith.constant 0 : i32
    %dma_wait3A_352 = tpu.memref_slice %arg7[%dma_wait3A_350, %dma_wait3A_351] : memref<3x3840xi32, #tpu.memory_space<vmem>> -> memref<3x3840xi32, #tpu.memory_space<vmem>>
    tpu.wait_dma2 semaphore(%arg11 : memref<!tpu.dma_semaphore, #tpu.memory_space<semaphore_mem>>) src(%dma_wait3A_352 : memref<3x3840xi32, #tpu.memory_space<vmem>>) dst(%dma_wait3A_349 : memref<3x3840xi32, #tpu.memory_space<hbm>>)
    %dma_wait3A_353 = arith.constant 0 : i32
    %dma_wait3A_354 = arith.constant 0 : i32
    %dma_wait3A_355 = tpu.memref_slice %arg5[%dma_wait3A_353, %dma_wait3A_354] : memref<4x3840xf32, #tpu.memory_space<vmem>> -> memref<3x3840xf32, #tpu.memory_space<vmem>>
    %dma_wait3A_356 = arith.constant 0 : i32
    %dma_wait3A_357 = tpu.memref_slice %arg2[%dma_wait3A_356, %add3A_314] : memref<4x1200000xf32, #tpu.memory_space<hbm>> -> memref<3x3840xf32, #tpu.memory_space<hbm>>
    %dma_wait3A_358 = arith.constant 0 : i32
    %dma_wait3A_359 = arith.constant 0 : i32
    %dma_wait3A_360 = tpu.memref_slice %arg5[%dma_wait3A_358, %dma_wait3A_359] : memref<4x3840xf32, #tpu.memory_space<vmem>> -> memref<3x3840xf32, #tpu.memory_space<vmem>>
    %dma_wait3A_361 = arith.constant 0 : i32
    %dma_wait3A_362 = tpu.memref_slice %arg2[%dma_wait3A_361, %add3A_314] : memref<4x1200000xf32, #tpu.memory_space<hbm>> -> memref<3x3840xf32, #tpu.memory_space<hbm>>
    tpu.wait_dma2 semaphore(%arg9 : memref<!tpu.dma_semaphore, #tpu.memory_space<semaphore_mem>>) src(%dma_wait3A_362 : memref<3x3840xf32, #tpu.memory_space<hbm>>) dst(%dma_wait3A_360 : memref<3x3840xf32, #tpu.memory_space<vmem>>)
    %add3A_363 = arith.constant 30720 : i32
    %add3A_364 = arith.addi %multiple_of3A, %add3A_363 : i32
    %dma_start3A_365 = arith.constant 0 : i32
    %dma_start3A_366 = arith.constant 0 : i32
    %dma_start3A_367 = tpu.memref_slice %arg4[%dma_start3A_365, %dma_start3A_366] : memref<4x3840xf32, #tpu.memory_space<vmem>> -> memref<3x3840xf32, #tpu.memory_space<vmem>>
    %dma_start3A_368 = arith.constant 0 : i32
    %dma_start3A_369 = tpu.memref_slice %arg2[%dma_start3A_368, %add3A_364] : memref<4x1200000xf32, #tpu.memory_space<hbm>> -> memref<3x3840xf32, #tpu.memory_space<hbm>>
    %dma_start3A_370 = arith.constant 0 : i32
    %dma_start3A_371 = arith.constant 0 : i32
    %dma_start3A_372 = tpu.memref_slice %arg4[%dma_start3A_370, %dma_start3A_371] : memref<4x3840xf32, #tpu.memory_space<vmem>> -> memref<3x3840xf32, #tpu.memory_space<vmem>>
    %dma_start3A_373 = arith.constant 0 : i32
    %dma_start3A_374 = tpu.memref_slice %arg2[%dma_start3A_373, %add3A_364] : memref<4x1200000xf32, #tpu.memory_space<hbm>> -> memref<3x3840xf32, #tpu.memory_space<hbm>>
    tpu.enqueue_dma source(%dma_start3A_374 : memref<3x3840xf32, #tpu.memory_space<hbm>>) target(%dma_start3A_372 : memref<3x3840xf32, #tpu.memory_space<vmem>>) target_semaphore(%arg8 : memref<!tpu.dma_semaphore, #tpu.memory_space<semaphore_mem>>)
    %scan3A_375 = arith.constant 0 : i32
    %scan3A_376 = arith.constant 0 : i32
    %scan3A_377 = arith.constant 240 : i32
    %scan3A_378 = arith.addi %scan3A_376, %scan3A_377 : i32
    %scan3A_379 = arith.constant 1 : i32
    scf.for %scan3A_501 = %scan3A_376 to %scan3A_378 step %scan3A_379  : i32 {
      %mul3A_502 = arith.constant 16 : i32
      %mul3A_503 = arith.muli %scan3A_501, %mul3A_502 : i32
      %get3A = arith.constant 0 : i32
      %get3A_504 = arith.index_cast %get3A : i32 to index
      %get3A_505 = arith.index_cast %mul3A_503 : i32 to index
      %get3A_506 = tpu.vector_load %arg5[%get3A_504, %get3A_505] {strides = array<i32>} : memref<4x3840xf32, #tpu.memory_space<vmem>>, vector<16xf32>,
      %get3A_507 = arith.constant 1 : i32
      %get3A_508 = arith.index_cast %get3A_507 : i32 to index
      %get3A_509 = arith.index_cast %mul3A_503 : i32 to index
      %get3A_510 = tpu.vector_load %arg5[%get3A_508, %get3A_509] {strides = array<i32>} : memref<4x3840xf32, #tpu.memory_space<vmem>>, vector<16xf32>,
      %get3A_511 = arith.constant 2 : i32
      %get3A_512 = arith.index_cast %get3A_511 : i32 to index
      %get3A_513 = arith.index_cast %mul3A_503 : i32 to index
      %get3A_514 = tpu.vector_load %arg5[%get3A_512, %get3A_513] {strides = array<i32>} : memref<4x3840xf32, #tpu.memory_space<vmem>>, vector<16xf32>,
      %sub3A = arith.constant 0.000000e+00 : f32
      %sub3A_515 = vector.broadcast %sub3A : f32 to vector<16xf32>
      %sub3A_516 = arith.subf %get3A_506, %sub3A_515 : vector<16xf32>
      %mul3A_517 = arith.constant 2.000000e+01 : f32
      %mul3A_518 = vector.broadcast %mul3A_517 : f32 to vector<16xf32>
      %mul3A_519 = arith.mulf %sub3A_516, %mul3A_518 : vector<16xf32>
      %sub3A_520 = arith.constant -4.000000e+01 : f32
      %sub3A_521 = vector.broadcast %sub3A_520 : f32 to vector<16xf32>
      %sub3A_522 = arith.subf %get3A_510, %sub3A_521 : vector<16xf32>
      %mul3A_523 = arith.constant 2.000000e+01 : f32
      %mul3A_524 = vector.broadcast %mul3A_523 : f32 to vector<16xf32>
      %mul3A_525 = arith.mulf %sub3A_522, %mul3A_524 : vector<16xf32>
      %sub3A_526 = arith.constant -3.000000e+00 : f32
      %sub3A_527 = vector.broadcast %sub3A_526 : f32 to vector<16xf32>
      %sub3A_528 = arith.subf %get3A_514, %sub3A_527 : vector<16xf32>
      %mul3A_529 = arith.constant 1.000000e+01 : f32
      %mul3A_530 = vector.broadcast %mul3A_529 : f32 to vector<16xf32>
      %mul3A_531 = arith.mulf %sub3A_528, %mul3A_530 : vector<16xf32>
      %convert_element_type3A = arith.fptosi %mul3A_519 : vector<16xf32> to vector<16xi32>
      %convert_element_type3A_532 = arith.fptosi %mul3A_525 : vector<16xf32> to vector<16xi32>
      %convert_element_type3A_533 = arith.fptosi %mul3A_531 : vector<16xf32> to vector<16xi32>
      %ge3A = arith.constant 0.000000e+00 : f32
      %ge3A_534 = vector.broadcast %ge3A : f32 to vector<16xf32>
      %ge3A_535 = arith.cmpf oge, %mul3A_519, %ge3A_534 : vector<16xf32>
      %lt3A = arith.constant 1408 : i32
      %lt3A_536 = vector.broadcast %lt3A : i32 to vector<16xi32>
      %lt3A_537 = arith.cmpi slt, %convert_element_type3A, %lt3A_536 : vector<16xi32>
      %and3A = arith.andi %ge3A_535, %lt3A_537 : vector<16xi1>
      %ge3A_538 = arith.constant 0.000000e+00 : f32
      %ge3A_539 = vector.broadcast %ge3A_538 : f32 to vector<16xf32>
      %ge3A_540 = arith.cmpf oge, %mul3A_525, %ge3A_539 : vector<16xf32>
      %and3A_541 = arith.andi %and3A, %ge3A_540 : vector<16xi1>
      %lt3A_542 = arith.constant 1600 : i32
      %lt3A_543 = vector.broadcast %lt3A_542 : i32 to vector<16xi32>
      %lt3A_544 = arith.cmpi slt, %convert_element_type3A_532, %lt3A_543 : vector<16xi32>
      %and3A_545 = arith.andi %and3A_541, %lt3A_544 : vector<16xi1>
      %ge3A_546 = arith.constant 0.000000e+00 : f32
      %ge3A_547 = vector.broadcast %ge3A_546 : f32 to vector<16xf32>
      %ge3A_548 = arith.cmpf oge, %mul3A_531, %ge3A_547 : vector<16xf32>
      %and3A_549 = arith.andi %and3A_545, %ge3A_548 : vector<16xi1>
      %lt3A_550 = arith.constant 40 : i32
      %lt3A_551 = vector.broadcast %lt3A_550 : i32 to vector<16xi32>
      %lt3A_552 = arith.cmpi slt, %convert_element_type3A_533, %lt3A_551 : vector<16xi32>
      %and3A_553 = arith.andi %and3A_549, %lt3A_552 : vector<16xi1>
      %jit3A = arith.constant -1 : i32
      %broadcast_in_dim3A = vector.broadcast %jit3A : i32 to vector<16xi32>
      %select_n3A = arith.select %and3A_553, %convert_element_type3A_533, %broadcast_in_dim3A : vector<16xi1>, vector<16xi32>
      %swap3A = arith.constant 0 : i32
      %swap3A_554 = arith.index_cast %swap3A : i32 to index
      %swap3A_555 = arith.index_cast %mul3A_503 : i32 to index
      %swap3A_556 = tpu.vector_load %arg7[%swap3A_554, %swap3A_555] {strides = array<i32>} : memref<3x3840xi32, #tpu.memory_space<vmem>>, vector<16xi32>,
      tpu.vector_store %arg7[%swap3A_554, %swap3A_555], %select_n3A {strides = array<i32>} : memref<3x3840xi32, #tpu.memory_space<vmem>>, vector<16xi32>,
      %jit3A_557 = arith.constant -1 : i32
      %broadcast_in_dim3A_558 = vector.broadcast %jit3A_557 : i32 to vector<16xi32>
      %select_n3A_559 = arith.select %and3A_553, %convert_element_type3A_532, %broadcast_in_dim3A_558 : vector<16xi1>, vector<16xi32>
      %swap3A_560 = arith.constant 1 : i32
      %swap3A_561 = arith.index_cast %swap3A_560 : i32 to index
      %swap3A_562 = arith.index_cast %mul3A_503 : i32 to index
      %swap3A_563 = tpu.vector_load %arg7[%swap3A_561, %swap3A_562] {strides = array<i32>} : memref<3x3840xi32, #tpu.memory_space<vmem>>, vector<16xi32>,
      tpu.vector_store %arg7[%swap3A_561, %swap3A_562], %select_n3A_559 {strides = array<i32>} : memref<3x3840xi32, #tpu.memory_space<vmem>>, vector<16xi32>,
      %jit3A_564 = arith.constant -1 : i32
      %broadcast_in_dim3A_565 = vector.broadcast %jit3A_564 : i32 to vector<16xi32>
      %select_n3A_566 = arith.select %and3A_553, %convert_element_type3A, %broadcast_in_dim3A_565 : vector<16xi1>, vector<16xi32>
      %swap3A_567 = arith.constant 2 : i32
      %swap3A_568 = arith.index_cast %swap3A_567 : i32 to index
      %swap3A_569 = arith.index_cast %mul3A_503 : i32 to index
      %swap3A_570 = tpu.vector_load %arg7[%swap3A_568, %swap3A_569] {strides = array<i32>} : memref<3x3840xi32, #tpu.memory_space<vmem>>, vector<16xi32>,
      tpu.vector_store %arg7[%swap3A_568, %swap3A_569], %select_n3A_566 {strides = array<i32>} : memref<3x3840xi32, #tpu.memory_space<vmem>>, vector<16xi32>,
    }
    %scan3A_380 = arith.constant 240 : i32
    %add3A_381 = arith.constant 26880 : i32
    %add3A_382 = arith.addi %multiple_of3A, %add3A_381 : i32
    %dma_start3A_383 = arith.constant 0 : i32
    %dma_start3A_384 = arith.constant 0 : i32
    %dma_start3A_385 = tpu.memref_slice %arg7[%dma_start3A_383, %dma_start3A_384] : memref<3x3840xi32, #tpu.memory_space<vmem>> -> memref<3x3840xi32, #tpu.memory_space<vmem>>
    %dma_start3A_386 = arith.constant 0 : i32
    %dma_start3A_387 = tpu.memref_slice %arg3[%dma_start3A_386, %add3A_382] : memref<3x1200000xi32, #tpu.memory_space<hbm>> -> memref<3x3840xi32, #tpu.memory_space<hbm>>
    %dma_start3A_388 = arith.constant 0 : i32
    %dma_start3A_389 = tpu.memref_slice %arg3[%dma_start3A_388, %add3A_382] : memref<3x1200000xi32, #tpu.memory_space<hbm>> -> memref<3x3840xi32, #tpu.memory_space<hbm>>
    %dma_start3A_390 = arith.constant 0 : i32
    %dma_start3A_391 = arith.constant 0 : i32
    %dma_start3A_392 = tpu.memref_slice %arg7[%dma_start3A_390, %dma_start3A_391] : memref<3x3840xi32, #tpu.memory_space<vmem>> -> memref<3x3840xi32, #tpu.memory_space<vmem>>
    tpu.enqueue_dma source(%dma_start3A_392 : memref<3x3840xi32, #tpu.memory_space<vmem>>) target(%dma_start3A_389 : memref<3x3840xi32, #tpu.memory_space<hbm>>) target_semaphore(%arg11 : memref<!tpu.dma_semaphore, #tpu.memory_space<semaphore_mem>>)
    %dma_wait3A_393 = arith.constant 0 : i32
    %dma_wait3A_394 = arith.constant 0 : i32
    %dma_wait3A_395 = tpu.memref_slice %arg6[%dma_wait3A_393, %dma_wait3A_394] : memref<3x3840xi32, #tpu.memory_space<vmem>> -> memref<3x3840xi32, #tpu.memory_space<vmem>>
    %dma_wait3A_396 = arith.constant 0 : i32
    %dma_wait3A_397 = tpu.memref_slice %arg3[%dma_wait3A_396, %add3A_332] : memref<3x1200000xi32, #tpu.memory_space<hbm>> -> memref<3x3840xi32, #tpu.memory_space<hbm>>
    %dma_wait3A_398 = arith.constant 0 : i32
    %dma_wait3A_399 = tpu.memref_slice %arg3[%dma_wait3A_398, %add3A_332] : memref<3x1200000xi32, #tpu.memory_space<hbm>> -> memref<3x3840xi32, #tpu.memory_space<hbm>>
    %dma_wait3A_400 = arith.constant 0 : i32
    %dma_wait3A_401 = arith.constant 0 : i32
    %dma_wait3A_402 = tpu.memref_slice %arg6[%dma_wait3A_400, %dma_wait3A_401] : memref<3x3840xi32, #tpu.memory_space<vmem>> -> memref<3x3840xi32, #tpu.memory_space<vmem>>
    tpu.wait_dma2 semaphore(%arg10 : memref<!tpu.dma_semaphore, #tpu.memory_space<semaphore_mem>>) src(%dma_wait3A_402 : memref<3x3840xi32, #tpu.memory_space<vmem>>) dst(%dma_wait3A_399 : memref<3x3840xi32, #tpu.memory_space<hbm>>)
    %dma_wait3A_403 = arith.constant 0 : i32
    %dma_wait3A_404 = arith.constant 0 : i32
    %dma_wait3A_405 = tpu.memref_slice %arg4[%dma_wait3A_403, %dma_wait3A_404] : memref<4x3840xf32, #tpu.memory_space<vmem>> -> memref<3x3840xf32, #tpu.memory_space<vmem>>
    %dma_wait3A_406 = arith.constant 0 : i32
    %dma_wait3A_407 = tpu.memref_slice %arg2[%dma_wait3A_406, %add3A_364] : memref<4x1200000xf32, #tpu.memory_space<hbm>> -> memref<3x3840xf32, #tpu.memory_space<hbm>>
    %dma_wait3A_408 = arith.constant 0 : i32
    %dma_wait3A_409 = arith.constant 0 : i32
    %dma_wait3A_410 = tpu.memref_slice %arg4[%dma_wait3A_408, %dma_wait3A_409] : memref<4x3840xf32, #tpu.memory_space<vmem>> -> memref<3x3840xf32, #tpu.memory_space<vmem>>
    %dma_wait3A_411 = arith.constant 0 : i32
    %dma_wait3A_412 = tpu.memref_slice %arg2[%dma_wait3A_411, %add3A_364] : memref<4x1200000xf32, #tpu.memory_space<hbm>> -> memref<3x3840xf32, #tpu.memory_space<hbm>>
    tpu.wait_dma2 semaphore(%arg8 : memref<!tpu.dma_semaphore, #tpu.memory_space<semaphore_mem>>) src(%dma_wait3A_412 : memref<3x3840xf32, #tpu.memory_space<hbm>>) dst(%dma_wait3A_410 : memref<3x3840xf32, #tpu.memory_space<vmem>>)
    %add3A_413 = arith.constant 34560 : i32
    %add3A_414 = arith.addi %multiple_of3A, %add3A_413 : i32
    %dma_start3A_415 = arith.constant 0 : i32
    %dma_start3A_416 = arith.constant 0 : i32
    %dma_start3A_417 = tpu.memref_slice %arg5[%dma_start3A_415, %dma_start3A_416] : memref<4x3840xf32, #tpu.memory_space<vmem>> -> memref<3x2944xf32, #tpu.memory_space<vmem>>
    %dma_start3A_418 = arith.constant 0 : i32
    %dma_start3A_419 = tpu.memref_slice %arg2[%dma_start3A_418, %add3A_414] : memref<4x1200000xf32, #tpu.memory_space<hbm>> -> memref<3x2944xf32, #tpu.memory_space<hbm>>
    %dma_start3A_420 = arith.constant 0 : i32
    %dma_start3A_421 = arith.constant 0 : i32
    %dma_start3A_422 = tpu.memref_slice %arg5[%dma_start3A_420, %dma_start3A_421] : memref<4x3840xf32, #tpu.memory_space<vmem>> -> memref<3x2944xf32, #tpu.memory_space<vmem>>
    %dma_start3A_423 = arith.constant 0 : i32
    %dma_start3A_424 = tpu.memref_slice %arg2[%dma_start3A_423, %add3A_414] : memref<4x1200000xf32, #tpu.memory_space<hbm>> -> memref<3x2944xf32, #tpu.memory_space<hbm>>
    tpu.enqueue_dma source(%dma_start3A_424 : memref<3x2944xf32, #tpu.memory_space<hbm>>) target(%dma_start3A_422 : memref<3x2944xf32, #tpu.memory_space<vmem>>) target_semaphore(%arg9 : memref<!tpu.dma_semaphore, #tpu.memory_space<semaphore_mem>>)
    %scan3A_425 = arith.constant 0 : i32
    %scan3A_426 = arith.constant 0 : i32
    %scan3A_427 = arith.constant 240 : i32
    %scan3A_428 = arith.addi %scan3A_426, %scan3A_427 : i32
    %scan3A_429 = arith.constant 1 : i32
    scf.for %scan3A_501 = %scan3A_426 to %scan3A_428 step %scan3A_429  : i32 {
      %mul3A_502 = arith.constant 16 : i32
      %mul3A_503 = arith.muli %scan3A_501, %mul3A_502 : i32
      %get3A = arith.constant 0 : i32
      %get3A_504 = arith.index_cast %get3A : i32 to index
      %get3A_505 = arith.index_cast %mul3A_503 : i32 to index
      %get3A_506 = tpu.vector_load %arg4[%get3A_504, %get3A_505] {strides = array<i32>} : memref<4x3840xf32, #tpu.memory_space<vmem>>, vector<16xf32>,
      %get3A_507 = arith.constant 1 : i32
      %get3A_508 = arith.index_cast %get3A_507 : i32 to index
      %get3A_509 = arith.index_cast %mul3A_503 : i32 to index
      %get3A_510 = tpu.vector_load %arg4[%get3A_508, %get3A_509] {strides = array<i32>} : memref<4x3840xf32, #tpu.memory_space<vmem>>, vector<16xf32>,
      %get3A_511 = arith.constant 2 : i32
      %get3A_512 = arith.index_cast %get3A_511 : i32 to index
      %get3A_513 = arith.index_cast %mul3A_503 : i32 to index
      %get3A_514 = tpu.vector_load %arg4[%get3A_512, %get3A_513] {strides = array<i32>} : memref<4x3840xf32, #tpu.memory_space<vmem>>, vector<16xf32>,
      %sub3A = arith.constant 0.000000e+00 : f32
      %sub3A_515 = vector.broadcast %sub3A : f32 to vector<16xf32>
      %sub3A_516 = arith.subf %get3A_506, %sub3A_515 : vector<16xf32>
      %mul3A_517 = arith.constant 2.000000e+01 : f32
      %mul3A_518 = vector.broadcast %mul3A_517 : f32 to vector<16xf32>
      %mul3A_519 = arith.mulf %sub3A_516, %mul3A_518 : vector<16xf32>
      %sub3A_520 = arith.constant -4.000000e+01 : f32
      %sub3A_521 = vector.broadcast %sub3A_520 : f32 to vector<16xf32>
      %sub3A_522 = arith.subf %get3A_510, %sub3A_521 : vector<16xf32>
      %mul3A_523 = arith.constant 2.000000e+01 : f32
      %mul3A_524 = vector.broadcast %mul3A_523 : f32 to vector<16xf32>
      %mul3A_525 = arith.mulf %sub3A_522, %mul3A_524 : vector<16xf32>
      %sub3A_526 = arith.constant -3.000000e+00 : f32
      %sub3A_527 = vector.broadcast %sub3A_526 : f32 to vector<16xf32>
      %sub3A_528 = arith.subf %get3A_514, %sub3A_527 : vector<16xf32>
      %mul3A_529 = arith.constant 1.000000e+01 : f32
      %mul3A_530 = vector.broadcast %mul3A_529 : f32 to vector<16xf32>
      %mul3A_531 = arith.mulf %sub3A_528, %mul3A_530 : vector<16xf32>
      %convert_element_type3A = arith.fptosi %mul3A_519 : vector<16xf32> to vector<16xi32>
      %convert_element_type3A_532 = arith.fptosi %mul3A_525 : vector<16xf32> to vector<16xi32>
      %convert_element_type3A_533 = arith.fptosi %mul3A_531 : vector<16xf32> to vector<16xi32>
      %ge3A = arith.constant 0.000000e+00 : f32
      %ge3A_534 = vector.broadcast %ge3A : f32 to vector<16xf32>
      %ge3A_535 = arith.cmpf oge, %mul3A_519, %ge3A_534 : vector<16xf32>
      %lt3A = arith.constant 1408 : i32
      %lt3A_536 = vector.broadcast %lt3A : i32 to vector<16xi32>
      %lt3A_537 = arith.cmpi slt, %convert_element_type3A, %lt3A_536 : vector<16xi32>
      %and3A = arith.andi %ge3A_535, %lt3A_537 : vector<16xi1>
      %ge3A_538 = arith.constant 0.000000e+00 : f32
      %ge3A_539 = vector.broadcast %ge3A_538 : f32 to vector<16xf32>
      %ge3A_540 = arith.cmpf oge, %mul3A_525, %ge3A_539 : vector<16xf32>
      %and3A_541 = arith.andi %and3A, %ge3A_540 : vector<16xi1>
      %lt3A_542 = arith.constant 1600 : i32
      %lt3A_543 = vector.broadcast %lt3A_542 : i32 to vector<16xi32>
      %lt3A_544 = arith.cmpi slt, %convert_element_type3A_532, %lt3A_543 : vector<16xi32>
      %and3A_545 = arith.andi %and3A_541, %lt3A_544 : vector<16xi1>
      %ge3A_546 = arith.constant 0.000000e+00 : f32
      %ge3A_547 = vector.broadcast %ge3A_546 : f32 to vector<16xf32>
      %ge3A_548 = arith.cmpf oge, %mul3A_531, %ge3A_547 : vector<16xf32>
      %and3A_549 = arith.andi %and3A_545, %ge3A_548 : vector<16xi1>
      %lt3A_550 = arith.constant 40 : i32
      %lt3A_551 = vector.broadcast %lt3A_550 : i32 to vector<16xi32>
      %lt3A_552 = arith.cmpi slt, %convert_element_type3A_533, %lt3A_551 : vector<16xi32>
      %and3A_553 = arith.andi %and3A_549, %lt3A_552 : vector<16xi1>
      %jit3A = arith.constant -1 : i32
      %broadcast_in_dim3A = vector.broadcast %jit3A : i32 to vector<16xi32>
      %select_n3A = arith.select %and3A_553, %convert_element_type3A_533, %broadcast_in_dim3A : vector<16xi1>, vector<16xi32>
      %swap3A = arith.constant 0 : i32
      %swap3A_554 = arith.index_cast %swap3A : i32 to index
      %swap3A_555 = arith.index_cast %mul3A_503 : i32 to index
      %swap3A_556 = tpu.vector_load %arg6[%swap3A_554, %swap3A_555] {strides = array<i32>} : memref<3x3840xi32, #tpu.memory_space<vmem>>, vector<16xi32>,
      tpu.vector_store %arg6[%swap3A_554, %swap3A_555], %select_n3A {strides = array<i32>} : memref<3x3840xi32, #tpu.memory_space<vmem>>, vector<16xi32>,
      %jit3A_557 = arith.constant -1 : i32
      %broadcast_in_dim3A_558 = vector.broadcast %jit3A_557 : i32 to vector<16xi32>
      %select_n3A_559 = arith.select %and3A_553, %convert_element_type3A_532, %broadcast_in_dim3A_558 : vector<16xi1>, vector<16xi32>
      %swap3A_560 = arith.constant 1 : i32
      %swap3A_561 = arith.index_cast %swap3A_560 : i32 to index
      %swap3A_562 = arith.index_cast %mul3A_503 : i32 to index
      %swap3A_563 = tpu.vector_load %arg6[%swap3A_561, %swap3A_562] {strides = array<i32>} : memref<3x3840xi32, #tpu.memory_space<vmem>>, vector<16xi32>,
      tpu.vector_store %arg6[%swap3A_561, %swap3A_562], %select_n3A_559 {strides = array<i32>} : memref<3x3840xi32, #tpu.memory_space<vmem>>, vector<16xi32>,
      %jit3A_564 = arith.constant -1 : i32
      %broadcast_in_dim3A_565 = vector.broadcast %jit3A_564 : i32 to vector<16xi32>
      %select_n3A_566 = arith.select %and3A_553, %convert_element_type3A, %broadcast_in_dim3A_565 : vector<16xi1>, vector<16xi32>
      %swap3A_567 = arith.constant 2 : i32
      %swap3A_568 = arith.index_cast %swap3A_567 : i32 to index
      %swap3A_569 = arith.index_cast %mul3A_503 : i32 to index
      %swap3A_570 = tpu.vector_load %arg6[%swap3A_568, %swap3A_569] {strides = array<i32>} : memref<3x3840xi32, #tpu.memory_space<vmem>>, vector<16xi32>,
      tpu.vector_store %arg6[%swap3A_568, %swap3A_569], %select_n3A_566 {strides = array<i32>} : memref<3x3840xi32, #tpu.memory_space<vmem>>, vector<16xi32>,
    }
    %scan3A_430 = arith.constant 240 : i32
    %add3A_431 = arith.constant 30720 : i32
    %add3A_432 = arith.addi %multiple_of3A, %add3A_431 : i32
    %dma_start3A_433 = arith.constant 0 : i32
    %dma_start3A_434 = arith.constant 0 : i32
    %dma_start3A_435 = tpu.memref_slice %arg6[%dma_start3A_433, %dma_start3A_434] : memref<3x3840xi32, #tpu.memory_space<vmem>> -> memref<3x3840xi32, #tpu.memory_space<vmem>>
    %dma_start3A_436 = arith.constant 0 : i32
    %dma_start3A_437 = tpu.memref_slice %arg3[%dma_start3A_436, %add3A_432] : memref<3x1200000xi32, #tpu.memory_space<hbm>> -> memref<3x3840xi32, #tpu.memory_space<hbm>>
    %dma_start3A_438 = arith.constant 0 : i32
    %dma_start3A_439 = tpu.memref_slice %arg3[%dma_start3A_438, %add3A_432] : memref<3x1200000xi32, #tpu.memory_space<hbm>> -> memref<3x3840xi32, #tpu.memory_space<hbm>>
    %dma_start3A_440 = arith.constant 0 : i32
    %dma_start3A_441 = arith.constant 0 : i32
    %dma_start3A_442 = tpu.memref_slice %arg6[%dma_start3A_440, %dma_start3A_441] : memref<3x3840xi32, #tpu.memory_space<vmem>> -> memref<3x3840xi32, #tpu.memory_space<vmem>>
    tpu.enqueue_dma source(%dma_start3A_442 : memref<3x3840xi32, #tpu.memory_space<vmem>>) target(%dma_start3A_439 : memref<3x3840xi32, #tpu.memory_space<hbm>>) target_semaphore(%arg10 : memref<!tpu.dma_semaphore, #tpu.memory_space<semaphore_mem>>)
    %dma_wait3A_443 = arith.constant 0 : i32
    %dma_wait3A_444 = arith.constant 0 : i32
    %dma_wait3A_445 = tpu.memref_slice %arg7[%dma_wait3A_443, %dma_wait3A_444] : memref<3x3840xi32, #tpu.memory_space<vmem>> -> memref<3x3840xi32, #tpu.memory_space<vmem>>
    %dma_wait3A_446 = arith.constant 0 : i32
    %dma_wait3A_447 = tpu.memref_slice %arg3[%dma_wait3A_446, %add3A_382] : memref<3x1200000xi32, #tpu.memory_space<hbm>> -> memref<3x3840xi32, #tpu.memory_space<hbm>>
    %dma_wait3A_448 = arith.constant 0 : i32
    %dma_wait3A_449 = tpu.memref_slice %arg3[%dma_wait3A_448, %add3A_382] : memref<3x1200000xi32, #tpu.memory_space<hbm>> -> memref<3x3840xi32, #tpu.memory_space<hbm>>
    %dma_wait3A_450 = arith.constant 0 : i32
    %dma_wait3A_451 = arith.constant 0 : i32
    %dma_wait3A_452 = tpu.memref_slice %arg7[%dma_wait3A_450, %dma_wait3A_451] : memref<3x3840xi32, #tpu.memory_space<vmem>> -> memref<3x3840xi32, #tpu.memory_space<vmem>>
    tpu.wait_dma2 semaphore(%arg11 : memref<!tpu.dma_semaphore, #tpu.memory_space<semaphore_mem>>) src(%dma_wait3A_452 : memref<3x3840xi32, #tpu.memory_space<vmem>>) dst(%dma_wait3A_449 : memref<3x3840xi32, #tpu.memory_space<hbm>>)
    %dma_wait3A_453 = arith.constant 0 : i32
    %dma_wait3A_454 = arith.constant 0 : i32
    %dma_wait3A_455 = tpu.memref_slice %arg5[%dma_wait3A_453, %dma_wait3A_454] : memref<4x3840xf32, #tpu.memory_space<vmem>> -> memref<3x2944xf32, #tpu.memory_space<vmem>>
    %dma_wait3A_456 = arith.constant 0 : i32
    %dma_wait3A_457 = tpu.memref_slice %arg2[%dma_wait3A_456, %add3A_414] : memref<4x1200000xf32, #tpu.memory_space<hbm>> -> memref<3x2944xf32, #tpu.memory_space<hbm>>
    %dma_wait3A_458 = arith.constant 0 : i32
    %dma_wait3A_459 = arith.constant 0 : i32
    %dma_wait3A_460 = tpu.memref_slice %arg5[%dma_wait3A_458, %dma_wait3A_459] : memref<4x3840xf32, #tpu.memory_space<vmem>> -> memref<3x2944xf32, #tpu.memory_space<vmem>>
    %dma_wait3A_461 = arith.constant 0 : i32
    %dma_wait3A_462 = tpu.memref_slice %arg2[%dma_wait3A_461, %add3A_414] : memref<4x1200000xf32, #tpu.memory_space<hbm>> -> memref<3x2944xf32, #tpu.memory_space<hbm>>
    tpu.wait_dma2 semaphore(%arg9 : memref<!tpu.dma_semaphore, #tpu.memory_space<semaphore_mem>>) src(%dma_wait3A_462 : memref<3x2944xf32, #tpu.memory_space<hbm>>) dst(%dma_wait3A_460 : memref<3x2944xf32, #tpu.memory_space<vmem>>)
    %scan3A_463 = arith.constant 0 : i32
    %scan3A_464 = arith.constant 0 : i32
    %scan3A_465 = arith.constant 184 : i32
    %scan3A_466 = arith.addi %scan3A_464, %scan3A_465 : i32
    %scan3A_467 = arith.constant 1 : i32
    scf.for %scan3A_501 = %scan3A_464 to %scan3A_466 step %scan3A_467  : i32 {
      %mul3A_502 = arith.constant 16 : i32
      %mul3A_503 = arith.muli %scan3A_501, %mul3A_502 : i32
      %get3A = arith.constant 0 : i32
      %get3A_504 = arith.index_cast %get3A : i32 to index
      %get3A_505 = arith.index_cast %mul3A_503 : i32 to index
      %get3A_506 = tpu.vector_load %arg5[%get3A_504, %get3A_505] {strides = array<i32>} : memref<4x3840xf32, #tpu.memory_space<vmem>>, vector<16xf32>,
      %get3A_507 = arith.constant 1 : i32
      %get3A_508 = arith.index_cast %get3A_507 : i32 to index
      %get3A_509 = arith.index_cast %mul3A_503 : i32 to index
      %get3A_510 = tpu.vector_load %arg5[%get3A_508, %get3A_509] {strides = array<i32>} : memref<4x3840xf32, #tpu.memory_space<vmem>>, vector<16xf32>,
      %get3A_511 = arith.constant 2 : i32
      %get3A_512 = arith.index_cast %get3A_511 : i32 to index
      %get3A_513 = arith.index_cast %mul3A_503 : i32 to index
      %get3A_514 = tpu.vector_load %arg5[%get3A_512, %get3A_513] {strides = array<i32>} : memref<4x3840xf32, #tpu.memory_space<vmem>>, vector<16xf32>,
      %sub3A = arith.constant 0.000000e+00 : f32
      %sub3A_515 = vector.broadcast %sub3A : f32 to vector<16xf32>
      %sub3A_516 = arith.subf %get3A_506, %sub3A_515 : vector<16xf32>
      %mul3A_517 = arith.constant 2.000000e+01 : f32
      %mul3A_518 = vector.broadcast %mul3A_517 : f32 to vector<16xf32>
      %mul3A_519 = arith.mulf %sub3A_516, %mul3A_518 : vector<16xf32>
      %sub3A_520 = arith.constant -4.000000e+01 : f32
      %sub3A_521 = vector.broadcast %sub3A_520 : f32 to vector<16xf32>
      %sub3A_522 = arith.subf %get3A_510, %sub3A_521 : vector<16xf32>
      %mul3A_523 = arith.constant 2.000000e+01 : f32
      %mul3A_524 = vector.broadcast %mul3A_523 : f32 to vector<16xf32>
      %mul3A_525 = arith.mulf %sub3A_522, %mul3A_524 : vector<16xf32>
      %sub3A_526 = arith.constant -3.000000e+00 : f32
      %sub3A_527 = vector.broadcast %sub3A_526 : f32 to vector<16xf32>
      %sub3A_528 = arith.subf %get3A_514, %sub3A_527 : vector<16xf32>
      %mul3A_529 = arith.constant 1.000000e+01 : f32
      %mul3A_530 = vector.broadcast %mul3A_529 : f32 to vector<16xf32>
      %mul3A_531 = arith.mulf %sub3A_528, %mul3A_530 : vector<16xf32>
      %convert_element_type3A = arith.fptosi %mul3A_519 : vector<16xf32> to vector<16xi32>
      %convert_element_type3A_532 = arith.fptosi %mul3A_525 : vector<16xf32> to vector<16xi32>
      %convert_element_type3A_533 = arith.fptosi %mul3A_531 : vector<16xf32> to vector<16xi32>
      %ge3A = arith.constant 0.000000e+00 : f32
      %ge3A_534 = vector.broadcast %ge3A : f32 to vector<16xf32>
      %ge3A_535 = arith.cmpf oge, %mul3A_519, %ge3A_534 : vector<16xf32>
      %lt3A = arith.constant 1408 : i32
      %lt3A_536 = vector.broadcast %lt3A : i32 to vector<16xi32>
      %lt3A_537 = arith.cmpi slt, %convert_element_type3A, %lt3A_536 : vector<16xi32>
      %and3A = arith.andi %ge3A_535, %lt3A_537 : vector<16xi1>
      %ge3A_538 = arith.constant 0.000000e+00 : f32
      %ge3A_539 = vector.broadcast %ge3A_538 : f32 to vector<16xf32>
      %ge3A_540 = arith.cmpf oge, %mul3A_525, %ge3A_539 : vector<16xf32>
      %and3A_541 = arith.andi %and3A, %ge3A_540 : vector<16xi1>
      %lt3A_542 = arith.constant 1600 : i32
      %lt3A_543 = vector.broadcast %lt3A_542 : i32 to vector<16xi32>
      %lt3A_544 = arith.cmpi slt, %convert_element_type3A_532, %lt3A_543 : vector<16xi32>
      %and3A_545 = arith.andi %and3A_541, %lt3A_544 : vector<16xi1>
      %ge3A_546 = arith.constant 0.000000e+00 : f32
      %ge3A_547 = vector.broadcast %ge3A_546 : f32 to vector<16xf32>
      %ge3A_548 = arith.cmpf oge, %mul3A_531, %ge3A_547 : vector<16xf32>
      %and3A_549 = arith.andi %and3A_545, %ge3A_548 : vector<16xi1>
      %lt3A_550 = arith.constant 40 : i32
      %lt3A_551 = vector.broadcast %lt3A_550 : i32 to vector<16xi32>
      %lt3A_552 = arith.cmpi slt, %convert_element_type3A_533, %lt3A_551 : vector<16xi32>
      %and3A_553 = arith.andi %and3A_549, %lt3A_552 : vector<16xi1>
      %jit3A = arith.constant -1 : i32
      %broadcast_in_dim3A = vector.broadcast %jit3A : i32 to vector<16xi32>
      %select_n3A = arith.select %and3A_553, %convert_element_type3A_533, %broadcast_in_dim3A : vector<16xi1>, vector<16xi32>
      %swap3A = arith.constant 0 : i32
      %swap3A_554 = arith.index_cast %swap3A : i32 to index
      %swap3A_555 = arith.index_cast %mul3A_503 : i32 to index
      %swap3A_556 = tpu.vector_load %arg7[%swap3A_554, %swap3A_555] {strides = array<i32>} : memref<3x3840xi32, #tpu.memory_space<vmem>>, vector<16xi32>,
      tpu.vector_store %arg7[%swap3A_554, %swap3A_555], %select_n3A {strides = array<i32>} : memref<3x3840xi32, #tpu.memory_space<vmem>>, vector<16xi32>,
      %jit3A_557 = arith.constant -1 : i32
      %broadcast_in_dim3A_558 = vector.broadcast %jit3A_557 : i32 to vector<16xi32>
      %select_n3A_559 = arith.select %and3A_553, %convert_element_type3A_532, %broadcast_in_dim3A_558 : vector<16xi1>, vector<16xi32>
      %swap3A_560 = arith.constant 1 : i32
      %swap3A_561 = arith.index_cast %swap3A_560 : i32 to index
      %swap3A_562 = arith.index_cast %mul3A_503 : i32 to index
      %swap3A_563 = tpu.vector_load %arg7[%swap3A_561, %swap3A_562] {strides = array<i32>} : memref<3x3840xi32, #tpu.memory_space<vmem>>, vector<16xi32>,
      tpu.vector_store %arg7[%swap3A_561, %swap3A_562], %select_n3A_559 {strides = array<i32>} : memref<3x3840xi32, #tpu.memory_space<vmem>>, vector<16xi32>,
      %jit3A_564 = arith.constant -1 : i32
      %broadcast_in_dim3A_565 = vector.broadcast %jit3A_564 : i32 to vector<16xi32>
      %select_n3A_566 = arith.select %and3A_553, %convert_element_type3A, %broadcast_in_dim3A_565 : vector<16xi1>, vector<16xi32>
      %swap3A_567 = arith.constant 2 : i32
      %swap3A_568 = arith.index_cast %swap3A_567 : i32 to index
      %swap3A_569 = arith.index_cast %mul3A_503 : i32 to index
      %swap3A_570 = tpu.vector_load %arg7[%swap3A_568, %swap3A_569] {strides = array<i32>} : memref<3x3840xi32, #tpu.memory_space<vmem>>, vector<16xi32>,
      tpu.vector_store %arg7[%swap3A_568, %swap3A_569], %select_n3A_566 {strides = array<i32>} : memref<3x3840xi32, #tpu.memory_space<vmem>>, vector<16xi32>,
    }
    %scan3A_468 = arith.constant 184 : i32
    %add3A_469 = arith.constant 34560 : i32
    %add3A_470 = arith.addi %multiple_of3A, %add3A_469 : i32
    %dma_start3A_471 = arith.constant 0 : i32
    %dma_start3A_472 = arith.constant 0 : i32
    %dma_start3A_473 = tpu.memref_slice %arg7[%dma_start3A_471, %dma_start3A_472] : memref<3x3840xi32, #tpu.memory_space<vmem>> -> memref<3x2944xi32, #tpu.memory_space<vmem>>
    %dma_start3A_474 = arith.constant 0 : i32
    %dma_start3A_475 = tpu.memref_slice %arg3[%dma_start3A_474, %add3A_470] : memref<3x1200000xi32, #tpu.memory_space<hbm>> -> memref<3x2944xi32, #tpu.memory_space<hbm>>
    %dma_start3A_476 = arith.constant 0 : i32
    %dma_start3A_477 = tpu.memref_slice %arg3[%dma_start3A_476, %add3A_470] : memref<3x1200000xi32, #tpu.memory_space<hbm>> -> memref<3x2944xi32, #tpu.memory_space<hbm>>
    %dma_start3A_478 = arith.constant 0 : i32
    %dma_start3A_479 = arith.constant 0 : i32
    %dma_start3A_480 = tpu.memref_slice %arg7[%dma_start3A_478, %dma_start3A_479] : memref<3x3840xi32, #tpu.memory_space<vmem>> -> memref<3x2944xi32, #tpu.memory_space<vmem>>
    tpu.enqueue_dma source(%dma_start3A_480 : memref<3x2944xi32, #tpu.memory_space<vmem>>) target(%dma_start3A_477 : memref<3x2944xi32, #tpu.memory_space<hbm>>) target_semaphore(%arg11 : memref<!tpu.dma_semaphore, #tpu.memory_space<semaphore_mem>>)
    %dma_wait3A_481 = arith.constant 0 : i32
    %dma_wait3A_482 = arith.constant 0 : i32
    %dma_wait3A_483 = tpu.memref_slice %arg6[%dma_wait3A_481, %dma_wait3A_482] : memref<3x3840xi32, #tpu.memory_space<vmem>> -> memref<3x3840xi32, #tpu.memory_space<vmem>>
    %dma_wait3A_484 = arith.constant 0 : i32
    %dma_wait3A_485 = tpu.memref_slice %arg3[%dma_wait3A_484, %add3A_432] : memref<3x1200000xi32, #tpu.memory_space<hbm>> -> memref<3x3840xi32, #tpu.memory_space<hbm>>
    %dma_wait3A_486 = arith.constant 0 : i32
    %dma_wait3A_487 = tpu.memref_slice %arg3[%dma_wait3A_486, %add3A_432] : memref<3x1200000xi32, #tpu.memory_space<hbm>> -> memref<3x3840xi32, #tpu.memory_space<hbm>>
    %dma_wait3A_488 = arith.constant 0 : i32
    %dma_wait3A_489 = arith.constant 0 : i32
    %dma_wait3A_490 = tpu.memref_slice %arg6[%dma_wait3A_488, %dma_wait3A_489] : memref<3x3840xi32, #tpu.memory_space<vmem>> -> memref<3x3840xi32, #tpu.memory_space<vmem>>
    tpu.wait_dma2 semaphore(%arg10 : memref<!tpu.dma_semaphore, #tpu.memory_space<semaphore_mem>>) src(%dma_wait3A_490 : memref<3x3840xi32, #tpu.memory_space<vmem>>) dst(%dma_wait3A_487 : memref<3x3840xi32, #tpu.memory_space<hbm>>)
    %dma_wait3A_491 = arith.constant 0 : i32
    %dma_wait3A_492 = arith.constant 0 : i32
    %dma_wait3A_493 = tpu.memref_slice %arg7[%dma_wait3A_491, %dma_wait3A_492] : memref<3x3840xi32, #tpu.memory_space<vmem>> -> memref<3x2944xi32, #tpu.memory_space<vmem>>
    %dma_wait3A_494 = arith.constant 0 : i32
    %dma_wait3A_495 = tpu.memref_slice %arg3[%dma_wait3A_494, %add3A_470] : memref<3x1200000xi32, #tpu.memory_space<hbm>> -> memref<3x2944xi32, #tpu.memory_space<hbm>>
    %dma_wait3A_496 = arith.constant 0 : i32
    %dma_wait3A_497 = tpu.memref_slice %arg3[%dma_wait3A_496, %add3A_470] : memref<3x1200000xi32, #tpu.memory_space<hbm>> -> memref<3x2944xi32, #tpu.memory_space<hbm>>
    %dma_wait3A_498 = arith.constant 0 : i32
    %dma_wait3A_499 = arith.constant 0 : i32
    %dma_wait3A_500 = tpu.memref_slice %arg7[%dma_wait3A_498, %dma_wait3A_499] : memref<3x3840xi32, #tpu.memory_space<vmem>> -> memref<3x2944xi32, #tpu.memory_space<vmem>>
    tpu.wait_dma2 semaphore(%arg11 : memref<!tpu.dma_semaphore, #tpu.memory_space<semaphore_mem>>) src(%dma_wait3A_500 : memref<3x2944xi32, #tpu.memory_space<vmem>>) dst(%dma_wait3A_497 : memref<3x2944xi32, #tpu.memory_space<hbm>>)
    return
  }
}

</mosaic_0001>

<sc_bundles>
// kernel: kernel.3.cloned.1.call-start
scs
__scs_entry_jumppad:
0x0: {  	(pc) =	sbr.rel $0x88, $3  }
0x1: {  	(tag) =	ssettag $0x0;
	lr =	simm.s32 $0x1  }
0x2: {  	[smem:$0x3FA0] =	sst lr;
	_ =	strace $0xD0000000  }
0x3: {  	_ = 	snop  }
0x4: {  	_ = 	snop  }
0x5: {  	_ = 	snop  }
0x6: {  	_ = 	snop  }
0x7: {  	_ = 	snop  }
__scs_overlays_trampoline_lowered:
0x8: {  	[smem:$0x3FAF] =	sst s0  }
0x9: {  	[smem:$0x3FB0] =	sst s1  }
0xa: {  	[smem:$0x3FB1] =	sst s2  }
0xb: {  	[smem:$0x3FB2] =	sst s3  }
0xc: {  	[smem:$0x3FB3] =	sst s4  }
0xd: {  	[smem:$0x3FB4] =	sst s5  }
0xe: {  	[smem:$0x3FB5] =	sst s6  }
0xf: {  	[smem:$0x3FB6] =	sst s7  }
0x10: {  	[smem:$0x3FB7] =	sst s8  }
0x11: {  	[smem:$0x3FB8] =	sst s9;
	s0 =	simm.s32 @!p0 $0x0  }
0x12: {  	s1 =	sld [smem:$0x3F9E];
	s0 =	simm.s32 @p0 $0x1  }
0x13: {  	[smem:$0x3FB9] =	sst s0;
	s0 =	simm.s32 @!p1 $0x0  }
0x14: {  	s2 =	sld [smem:$0x3F9D];
	s0 =	simm.s32 @p1 $0x1  }
0x15: {  	[smem:$0x3FBA] =	sst s0;
	s0 =	simm.s32 @!p2 $0x0  }
0x16: {  	s3 =	sld [smem:$0x3FDB];
	s0 =	simm.s32 @p2 $0x1  }
0x17: {  	s4 =	simm.s32 $0x1BF5;
	[smem:$0x3FBC] =	sst s0  }
0x18: {  	s0 =	sld [smem:$0x3F9F];
	_ =	swait.ge [sflag:s4], $0x0  }
0x19: {  	s7 =	sld [smem:$0x3FA0]  }
0x1a: {  	s8 =	sadd.s32 $0xFFFFE003, lr  }
0x1b: {  	s9 =	sadd.s32 $0xFFFFFEF7, lr;
	s5 =	simm.s32 $0xFFFFFFFF;
	p2 =	slt.u32 s8, $0xFFFFF086  }
0x1c: {  	p1 =	slt.u32 s9, $0xF7A;
	s5 =	simm.s32 @!p2 $0x0  }
0x1d: {  	s5 =	simm.s32 @p1 $0x1;
	p0 =	seq.s32 s7, s2  }
0x1e: {  	s7 =	smul.u32 @!p0 $0xF7A, s2;
	p2 =	seq.s32 @!p0 s5, $0x0  }
0x1f: {  	s9 =	smul.u32 $0xF7A, s1;
	s8 =	simm.s32 @!p0 $0x1BF5;
	p2 =	por !p2, p0  }
0x20: {  	[sflag:s8] =	ssyncset.s32 @!p0 $0xFFFFF086;
	s6 =	sadd.s32 @!p0 s3, s7;
	s7 =	simm.s32 @!p0 $0x108  }
0x21: {  	s3 =	sadd.s32 s3, s9;
	s6 =	sadd.s32 @!p0 $0x88, s6;
	s7 =	simm.s32 @p2 $0x1082  }
0x22: {  	[simem:s7], [sflag:s8] =	dma.local @!p0 [hbm:s6], $0xF7A  }
0x23: {  	s9 =	sor.u32 $0xD0000000, s2;
	s6 =	simm.s32 $0x108;
	_ =	swait.ge @!p0 [sflag:s8], $0x0  }
0x24: {  	s3 =	sadd.s32 $0x88, s3;
	s6 =	simm.s32 @!p1 $0x1082;
	[sflag:s4] =	ssyncset.s32 $0xFFFFF086  }
0x25: {  	[simem:s6], [sflag:s4] =	dma.local [hbm:s3], $0xF7A  }
0x26: {  	[smem:$0x3FA0] =	sst s1;
	(tag) =	ssettag s2;
	_ =	strace s9  }
0x27: {  	s1 =	sld [smem:$0x3FB0]  }
0x28: {  	s2 =	sld [smem:$0x3FB1]  }
0x29: {  	s4 =	sld [smem:$0x3FB3]  }
0x2a: {  	p0 =	seq.s32 s5, $0x0;
	s5 =	sld [smem:$0x3FB4]  }
0x2b: {  	s6 =	sld [smem:$0x3FB5]  }
0x2c: {  	s7 =	sld [smem:$0x3FB6]  }
0x2d: {  	s3 =	simm.s32 $0x108;
	s8 =	sld [smem:$0x3FB7]  }
0x2e: {  	s3 =	simm.s32 @!p0 $0x1082;
	s9 =	sld [smem:$0x3FB8]  }
0x2f: {  	lr =	sadd.s32 s0, s3;
	s0 =	sld [smem:$0x3FAF]  }
0x30: {  	s3 =	sld [smem:$0x3FB2]  }
0x31: {  	[smem:$0x3FBB] =	sst s10  }
0x32: {  	s10 =	sld [smem:$0x3FB9];
	_ =	sdelay $0x3  }
0x33: {  	p0 =	seq.s32 s10, $0x1;
	s10 =	sld [smem:$0x3FBB];
	_ =	sdelay $0x3  }
0x34: {  	[smem:$0x3FBB] =	sst s10  }
0x35: {  	s10 =	sld [smem:$0x3FBA];
	_ =	sdelay $0x3  }
0x36: {  	p1 =	seq.s32 s10, $0x1;
	s10 =	sld [smem:$0x3FBB];
	_ =	sdelay $0x3  }
0x37: {  	[smem:$0x3FBB] =	sst s10  }
0x38: {  	s10 =	sld [smem:$0x3FBC]  }
0x39: {  	_ = 	snop;
	(pc) =	sbr.ind lr, $3  }
0x3a: {  	_ = 	snop  }
0x3b: {  	_ = 	snop  }
0x3c: {  	p2 =	seq.s32 s10, $0x1;
	s10 =	sld [smem:$0x3FBB]  }
0x3d: {  	_ =	shalt  }
0x3e: {  	_ =	shalt  }
0x3f: {  	_ =	shalt  }
0x40: {  	_ =	shalt  }
0x41: {  	_ =	shalt  }
0x42: {  	_ =	shalt  }
0x43: {  	_ =	shalt  }
0x44: {  	_ =	shalt  }
0x45: {  	_ =	shalt  }
0x46: {  	_ =	shalt  }
0x47: {  	_ =	shalt  }
0x48: {  	_ =	shalt  }
0x49: {  	_ =	shalt  }
0x4a: {  	_ =	shalt  }
0x4b: {  	_ =	shalt  }
0x4c: {  	_ =	shalt  }
0x4d: {  	_ =	shalt  }
0x4e: {  	_ =	shalt  }
0x4f: {  	_ =	shalt  }
0x50: {  	_ =	shalt  }
0x51: {  	_ =	shalt  }
0x52: {  	_ =	shalt  }
0x53: {  	_ =	shalt  }
0x54: {  	_ =	shalt  }
0x55: {  	_ =	shalt  }
0x56: {  	_ =	shalt  }
0x57: {  	_ =	shalt  }
0x58: {  	_ =	shalt  }
0x59: {  	_ =	shalt  }
0x5a: {  	_ =	shalt  }
0x5b: {  	_ =	shalt  }
0x5c: {  	_ =	shalt  }
0x5d: {  	_ =	shalt  }
0x5e: {  	_ =	shalt  }
0x5f: {  	_ =	shalt  }
0x60: {  	_ =	shalt  }
0x61: {  	_ =	shalt  }
0x62: {  	_ =	shalt  }
0x63: {  	_ =	shalt  }
0x64: {  	_ =	shalt  }
0x65: {  	_ =	shalt  }
0x66: {  	_ =	shalt  }
0x67: {  	_ =	shalt  }
0x68: {  	_ =	shalt  }
0x69: {  	_ =	shalt  }
0x6a: {  	_ =	shalt  }
0x6b: {  	_ =	shalt  }
0x6c: {  	_ =	shalt  }
0x6d: {  	_ =	shalt  }
0x6e: {  	_ =	shalt  }
0x6f: {  	_ =	shalt  }
0x70: {  	_ =	shalt  }
0x71: {  	_ =	shalt  }
0x72: {  	_ =	shalt  }
0x73: {  	_ =	shalt  }
0x74: {  	_ =	shalt  }
0x75: {  	_ =	shalt  }
0x76: {  	_ =	shalt  }
0x77: {  	_ =	shalt  }
0x78: {  	_ =	shalt  }
0x79: {  	_ =	shalt  }
0x7a: {  	_ =	shalt  }
0x7b: {  	_ =	shalt  }
0x7c: {  	_ =	shalt  }
0x7d: {  	_ =	shalt  }
0x7e: {  	_ =	shalt  }
0x7f: {  	_ =	shalt  }
0x80: {  	_ =	shalt  }
0x81: {  	_ =	shalt  }
0x82: {  	_ =	shalt  }
0x83: {  	_ =	shalt  }
0x84: {  	_ =	shalt  }
0x85: {  	_ =	shalt  }
0x86: {  	_ =	shalt  }
0x87: {  	_ =	shalt  }
.Lfunc_end0:
.L_simem_size_0:
called_computation_lowered:
.L_overlay_start_0:
0x88: {  	s2 =	sld [smem:$0x3FD9]  }
0x89: {  	s3 =	sld [smem:$0x3FFE];
	_ =	sdelay $0x1  }
0x8a: {  	s1 =	srdreg.scid  }
0x8b: {  	s0 =	sand.u32 $0x1, s1  }
0x8c: {  	s18 =	sshll.u32 s0, $0xA;
	s2 =	sadd.s32 s3, s2  }
0x8d: {  	s2 =	sadd.s32 s2, s18  }
0x8e: {  	[smem:$0x3FC7] =	sst s2  }
0x8f: {  	_ = 	snop  }
0x90: {  	s2 =	sld [smem:$0x3FC9]  }
0x91: {  	s19 =	sld [smem:$0x3FD0];
	(tm) =	ssettm $0x1  }
0x92: {  	s4 =	sld [smem:$0x3FFB];
	_ =	sdelay $0x3  }
0x93: {  	_ =	strace s4  }
0x94: {  	s4 =	sld [smem:$0x3FFC];
	_ =	sdelay $0x3  }
0x95: {  	_ =	strace s4  }
0x96: {  	s4 =	sld [smem:$0x3FFD];
	_ =	sdelay $0x3  }
0x97: {  	_ =	strace s4  }
0x98: {  	_ =	strace $0x8FFFFFFF  }
0x99: {  	s20 =	sld [smem:$0x3FDB];
	_ =	sdelay $0x1  }
0x9a: {  	s5 =	simm.s32 $_scs_section_size  }
0x9b: {  	s6 =	simm.s32 $_size__tile_overlayer_lowered;
	s7 =	simm.s32 $_tile_overlayer_lowered  }
0x9c: {  	s23 =	simm.s32 $0x1BFF;
	s22 =	sshll.u32 s7, $0x1;
	s4 =	sadd.s32 s5, s20  }
0x9d: {  	s8 =	simm.s32 $0x0;
	s21 =	sshll.u32 s6, $0x1;
	s6 =	sadd.s32 s22, s4  }
0x9e: {  	[timem:s8], [sflag:s23] =	dma.local [hbm:s6], s21  }
0x9f: {  	_ =	swait.ge [sflag:s23], s21  }
0xa0: {  	s5 =	ssub.s32 $0x0, s21;
	[sflag:s23] =	ssyncset.done $0x0  }
0xa1: {  	[sflag:s23] =	ssyncadd.s32 s5;
	_ =	sdelay $0x1  }
0xa2: {  	s24 =	simm.s32 $0x1B8B  }
0xa3: {  	_ =	swait.ge [sflag:s24], $0x1  }
0xa4: {  	[sflag:s24] =	ssyncset.done $0x0  }
0xa5: {  	s25 =	simm.s32 $0x1B8E;
	[sflag:s24] =	ssyncadd.s32 $0xFFFFFFFF  }
0xa6: {  	s26 =	simm.s32 $execute0_lowered;
	[smem:$0x3FD2] =	sst s25  }
0xa7: {  	s5 =	sshll.u32 s26, $0x1;
	_ =	strace $0x80000046;
	[dreg:$0x1] =	wrdreg $0xFFFFFFFF  }
0xa8: {  	s28 =	simm.s32 $_size_execute0_lowered;
	s4 =	sadd.s32 s4, s5;
	[dreg:$0x0] =	wrdreg $0x0  }
0xa9: {  	s5 =	sshll.u32 s28, $0x1;
	[dreg:$0x2] =	wrdreg s4  }
0xaa: {  	[dreg:$0x3] =	wrdreg s5  }
0xab: {  	[dreg:$0x4] =	wrdreg $0xC0  }
0xac: {  	_ =	task [dreg:s8], $0x5FFFF  }
0xad: {  	[dreg:$0x1] =	wrdreg $0xFFFFFFFF  }
0xae: {  	[dreg:$0x0] =	wrdreg $0x60  }
0xaf: {  	[dreg:$0x2] =	wrdreg s2  }
0xb0: {  	[dreg:$0x3] =	wrdreg s19  }
0xb1: {  	[dreg:$0x4] =	wrdreg $0x9  }
0xb2: {  	_ =	task.clear_ibuf [dreg:s8], $0x5FFFF;
	_ =	strace $0x90000046  }
0xb3: {  	s29 =	simm.s32 $0x9;
	_ =	strace $0x80000048  }
0xb4: {  	_ =	swait.ge [sflag:s29], $0x1  }
0xb5: {  	[sflag:s29] =	ssyncadd.s32 $0xFFFFFFFF  }
0xb6: {  	_ =	strace $0x90000048  }
0xb7: {  	_ =	sfence  }
0xb8: {  	s30 =	sld [smem:$0x0];
	_ =	sdelay $0x2  }
0xb9: {  	s31 =	sshll.u32 s1, $0xD;
	s1 =	sshrl.u32 s1, $0x2  }
0xba: {  	s3 =	sand.u32 $0x4000, s31;
	s1 =	sadd.s32 s1, s30  }
0xbb: {  	s0 =	sor.u32 s3, s0;
	s1 =	sshll.u32 s1, $0x11  }
0xbc: {  	s0 =	sor.u32 s1, s0  }
0xbd: {  	s0 =	sadd.s32 $0x8F2B, s0  }
0xbe: {  	[sflag:s0] =	ssyncadd.remote.s32 $0x1  }
0xbf: {  	_ =	sfence.sel $0xFFFF  }
0xc0: {  	[dreg:$0x0] =	wrdreg $0xFFFFFFFF;
	(pc) =	sbr.abs _section_cstart, $3  }
0xc1: {  	[dreg:$0x1] =	wrdreg $0xFFFFFFFF  }
0xc2: {  	_ =	task.clear_ibuf [dreg:s8], $0x2FFFF;
	_ =	strace $0x9FFFFFFF  }
0xc3: {  	(tm) =	ssettm $0x7FFFFFFF  }
tec
execute0_lowered:
.L_overlay_start_1:
0x0: {  	(tag) =	ssettag $0x1  }
0x1: {  	s0 =	srdreg.scid  }
0x2: {  	s1 =	stileid.u32;
	s5 =	rddreg [dreg:$0x0]  }
0x3: {  	s7 =	rddreg [dreg:$0x1];
	s0 =	sand.u32 $0x1, s0;
	s1 =	sshll.u32 s1, $0x1  }
0x4: {  	s2 =	simm.s32 $0x0;
	s24 =	simm.s32 $0x1;
	s1 =	sor.u32 s0, s1  }
0x5: {  	s28 =	simm.s32 $0xB400;
	s29 =	simm.s32 $0x3;
	s1 =	smul.u32 $0x9280, s1  }
0x6: {  	s30 =	simm.s32 $0x4;
	s31 =	simm.s32 $0x0;
	s0 =	ssub.s32 $0x2, s0  }
0x7: {  	[smem:$0x7FF] =	sst s2;
	s3 =	sshrl.u32 s0, $0x1;
	s1 =	smin.u32 s1, $0x11BD00  }
0x8: {  	_ =	strace $0x80000047;
	s0 =	ssub.s32 s0, s3;
	s1 =	sshrl.u32 s1, $0x1  }
0x9: {  	s23 =	smax.u32 s0, $0x1;
	s8 =	sadd.s32 $0x780, s1;
	s3 =	sadd.s32 s5, s1  }
0xa: {  	s9 =	sadd.s32 $0xF00, s1;
	s6 =	sadd.s32 s7, s1;
	s11 =	sadd.s32 $0x1680, s1  }
0xb: {  	s13 =	sadd.s32 $0x1E00, s1;
	s25 =	sadd.s32 $0x2580, s1;
	s17 =	sadd.s32 $0x2D00, s1  }
0xc: {  	s19 =	sadd.s32 $0x3480, s1;
	s26 =	sadd.s32 $0x3C00, s1;
	s1 =	sadd.s32 $0x4380, s1  }
0xd: {  	s4 =	sadd.s32 s5, s8;
	[dreg:$0x3] =	wrdreg s6;
	s6 =	sadd.s32 s5, s9  }
0xe: {  	s8 =	sadd.s32 s7, s8;
	s9 =	sadd.s32 s7, s9;
	s10 =	sadd.s32 s5, s13  }
0xf: {  	s12 =	sadd.s32 s5, s25;
	s13 =	sadd.s32 s7, s13;
	s14 =	sadd.s32 s5, s17  }
0x10: {  	s15 =	sadd.s32 s7, s25;
	s16 =	sadd.s32 s5, s19;
	s17 =	sadd.s32 s7, s17  }
0x11: {  	s18 =	sadd.s32 s5, s26;
	s19 =	sadd.s32 s7, s19;
	s20 =	sadd.s32 s5, s1  }
0x12: {  	s21 =	sadd.s32 s7, s26;
	s22 =	sadd.s32 s7, s1;
	[dreg:$0x4] =	wrdreg s8  }
0x13: {  	s8 =	sadd.s32 s5, s11;
	[dreg:$0x5] =	wrdreg s9;
	s11 =	sadd.s32 s7, s11  }
0x14: {  	s25 =	simm.s32 $0x7800;
	s26 =	simm.s32 $0x2;
	[dreg:$0x6] =	wrdreg s11  }
.LBB2_1:
0x15: {  	s0 =	simm.s32 $0x40  }
0x16: {  	s7 =	sadd.s32 $0x0, s3;
	s1 =	simm.s32 $0x200;
	s5 =	simm.s32 $0x0  }
.LBB2_2:
0x17: {  	[tilespmem:s5], [sflag:$0x1] =	stream.linear.gather [hbm4b:s7+s2], $0x180, $0x38;
	[tilespmem:$0xF000] =	vst v63  }
0x18: {  	s7 =	smov.u32 s0;
	s5 =	smov.u32 s1;
	p0 =	sne.s32 s0, $0x740  }
.Ltmp0:
0x19: {  	s0 =	sadd.s32 $0x40, s0;
	(pc) =	sbr.rel @p0 .LBB2_2-.Ltmp0, $2  }
0x1a: {  	_ =	sdelay $0x2  }
0x1b: {  	s1 =	sadd.s32 $0x200, s1;
	s7 =	sadd.s32 s7, s3  }
0x1c: {  	[tilespmem:s5], [sflag:$0x1] =	stream.linear.gather [hbm4b:s7+s2], $0x180, $0x38;
	[tilespmem:$0xF000] =	vst v63  }
0x1d: {  	s0 =	simm.s32 $0x0;
	_ =	swait.ge [sflag:s24], $0x2D00  }
0x1e: {  	s1 =	simm.s32 $0x3C00;
	s5 =	simm.s32 $0x40;
	[sflag:s24] =	ssyncset.done $0x0  }
0x1f: {  	s9 =	sadd.s32 $0x0, s4;
	s7 =	simm.s32 $0x3E00;
	[sflag:s24] =	ssyncadd.s32 $0xFFFFD300  }
.LBB2_4:
0x20: {  	[tilespmem:s1], [sflag:$0x2] =	stream.linear.gather [hbm4b:s9+s0], $0x180, $0x38;
	[tilespmem:$0xF000] =	vst v63  }
0x21: {  	s9 =	smov.u32 s5;
	s1 =	smov.u32 s7;
	p0 =	sne.s32 s5, $0x740  }
.Ltmp1:
0x22: {  	s5 =	sadd.s32 $0x40, s5;
	(pc) =	sbr.rel @p0 .LBB2_4-.Ltmp1, $2  }
0x23: {  	_ =	sdelay $0x2  }
0x24: {  	s7 =	sadd.s32 $0x200, s7;
	s9 =	sadd.s32 s9, s4  }
0x25: {  	[tilespmem:s1], [sflag:$0x2] =	stream.linear.gather [hbm4b:s9+s0], $0x180, $0x38;
	[tilespmem:$0xF000] =	vst v63  }
0x26: {  	s11 =	sand.u32 $0x70, s0;
	s5 =	sand.u32 $0x3E00, s0  }
0x27: {  	s1 =	sor.u32 s11, s5  }
0x28: {  	v0 =	vld [tilespmem:s1+$0x100]  }
0x29: {  	v1 =	vld [tilespmem:s1+$0x80]  }
0x2a: {  	v2 =	vld [tilespmem:s1+$0x0];
	_ =	sdelay $0x3  }
0x2b: {  	s7 =	simm.s32 $0x10;
	s5 =	simm.s32 $0x40;
	v1 =	vadd.f32 $4.000000000e+01, v1  }
0x2c: {  	s0 =	sand.u32 $0x70, s7;
	s5 =	sand.u32 $0x3E00, s5;
	v2 =	vmul.f32 $2.000000000e+01, v2;
	v0 =	vadd.f32 $3.000000000e+00, v0  }
0x2d: {  	s0 =	sor.u32 s0, s5;
	v1 =	vmul.f32 $2.000000000e+01, v1  }
0x2e: {  	v3 =	vld [tilespmem:s0+$0x100];
	v4 =	vmul.f32 $1.000000000e+01, v0;
	v0 =	vtrunc.f32 v2  }
0x2f: {  	v5 =	vld [tilespmem:s0+$0x80];
	v6 =	vcvt.f32.s32 v0;
	v0 =	vtrunc.f32 v1  }
0x30: {  	v7 =	vld [tilespmem:s0+$0x0];
	vm0 =	vge.f32 v2, $0.0e+00;
	vm1 =	vge.f32 v1, $0.0e+00;
	v0 =	vcvt.f32.s32 v0  }
0x31: {  	v1 =	vtrunc.f32 v4;
	vm2 =	vlt.s32 v6, $0x580;
	vm0 =	vmand vm0, vm1  }
0x32: {  	v8 =	vcvt.f32.s32 v1;
	vm0 =	vmand vm0, vm2;
	vm1 =	vlt.s32 v0, $0x640  }
0x33: {  	vm0 =	vmand vm0, vm1;
	vm1 =	vge.f32 v4, $0.0e+00  }
0x34: {  	s9 =	simm.s32 $0x20;
	s7 =	simm.s32 $0x80;
	v2 =	vadd.f32 $4.000000000e+01, v5;
	vm0 =	vmand vm1, vm0;
	vm1 =	vlt.s32 v8, $0x28  }
0x35: {  	s11 =	sand.u32 $0x3E00, s7;
	s5 =	sand.u32 $0x70, s9;
	v3 =	vadd.f32 $3.000000000e+00, v3;
	v1 =	vmul.f32 $2.000000000e+01, v7;
	vm0 =	vmand vm1, vm0  }
0x36: {  	s9 =	simm.s32 $0x30;
	s5 =	sor.u32 s5, s11;
	v2 =	vmul.f32 $2.000000000e+01, v2;
	v4 =	vnsel vm0, $0xFFFFFFFF, v8;
	v5 =	vnsel vm0, $0xFFFFFFFF, v6  }
.LBB2_6:
0x37: {  	p0 =	sne.s32 s9, $0xEF0;
	v6 =	vld [tilespmem:s5+$0x100];
	v3 =	vmul.f32 $1.000000000e+01, v3;
	v7 =	vtrunc.f32 v1;
	v8 =	vnsel vm0, $0xFFFFFFFF, v0;
	[tilespmem:s1+$0x7900] =	vst v5  }
0x38: {  	v5 =	vld [tilespmem:s5+$0x80];
	v7 =	vcvt.f32.s32 v7;
	v0 =	vtrunc.f32 v2;
	[tilespmem:s1+$0x7800] =	vst v4  }
0x39: {  	vm0 =	vge.f32 v1, $0.0e+00;
	vm1 =	vge.f32 v2, $0.0e+00;
	v4 =	vld [tilespmem:s5+$0x0];
	v0 =	vcvt.f32.s32 v0;
	[tilespmem:s1+$0x7880] =	vst v8;
	s1 =	smov.u32 s0;
	s0 =	smov.u32 s5  }
0x3a: {  	v1 =	vtrunc.f32 v3;
	vm0 =	vmand vm0, vm1;
	vm2 =	vlt.s32 v7, $0x580  }
.Ltmp2:
0x3b: {  	v8 =	vcvt.f32.s32 v1;
	vm0 =	vmand vm0, vm2;
	vm1 =	vlt.s32 v0, $0x640;
	(pc) =	sbr.rel @p0 .LBB2_6-.Ltmp2, $4  }
0x3c: {  	vm0 =	vmand vm0, vm1;
	vm1 =	vge.f32 v3, $0.0e+00  }
0x3d: {  	s7 =	sadd.s32 $0x40, s7;
	v2 =	vadd.f32 $4.000000000e+01, v5;
	vm0 =	vmand vm1, vm0;
	vm1 =	vlt.s32 v8, $0x28  }
0x3e: {  	s11 =	sand.u32 $0x3E00, s7;
	s5 =	sand.u32 $0x70, s9;
	v3 =	vadd.f32 $3.000000000e+00, v6;
	v1 =	vmul.f32 $2.000000000e+01, v4;
	vm0 =	vmand vm1, vm0  }
0x3f: {  	s9 =	sadd.s32 $0x10, s9;
	s5 =	sor.u32 s5, s11;
	v2 =	vmul.f32 $2.000000000e+01, v2;
	v4 =	vnsel vm0, $0xFFFFFFFF, v8;
	v5 =	vnsel vm0, $0xFFFFFFFF, v7  }
0x40: {  	v6 =	vld [tilespmem:s5+$0x100];
	[tilespmem:s1+$0x7900] =	vst v5  }
0x41: {  	v5 =	vld [tilespmem:s5+$0x80];
	[tilespmem:s1+$0x7800] =	vst v4  }
0x42: {  	v3 =	vmul.f32 $1.000000000e+01, v3;
	v7 =	vtrunc.f32 v1;
	vm1 =	vge.f32 v1, $0.0e+00;
	v8 =	vld [tilespmem:s5+$0x0]  }
0x43: {  	v50 =	vcvt.f32.s32 v7;
	v51 =	vtrunc.f32 v2;
	vm2 =	vge.f32 v2, $0.0e+00  }
0x44: {  	v0 =	vnsel vm0, $0xFFFFFFFF, v0;
	v7 =	vcvt.f32.s32 v51;
	vm1 =	vmand vm1, vm2  }
0x45: {  	v52 =	vtrunc.f32 v3;
	vm6 =	vge.f32 v3, $0.0e+00;
	vm4 =	vlt.s32 v50, $0x580  }
0x46: {  	v1 =	vcvt.f32.s32 v52;
	vm1 =	vmand vm1, vm4;
	v53 =	vadd.f32 $4.000000000e+01, v5  }
0x47: {  	vm5 =	vlt.s32 v7, $0x640;
	v55 =	vadd.f32 $3.000000000e+00, v6;
	v54 =	vmul.f32 $2.000000000e+01, v8  }
0x48: {  	vm1 =	vmand vm1, vm5;
	vm8 =	vlt.s32 v1, $0x28;
	v2 =	vmul.f32 $2.000000000e+01, v53  }
0x49: {  	vm7 =	vmand vm6, vm1;
	v5 =	vmul.f32 $1.000000000e+01, v55;
	v56 =	vtrunc.f32 v54  }
0x4a: {  	vm0 =	vmand vm8, vm7;
	v6 =	vcvt.f32.s32 v56;
	v57 =	vtrunc.f32 v2  }
0x4b: {  	vm9 =	vge.f32 v54, $0.0e+00;
	vm10 =	vge.f32 v2, $0.0e+00;
	v8 =	vcvt.f32.s32 v57  }
0x4c: {  	v58 =	vtrunc.f32 v5;
	vm1 =	vmand vm9, vm10;
	vm11 =	vlt.s32 v6, $0x580  }
0x4d: {  	v2 =	vcvt.f32.s32 v58;
	vm1 =	vmand vm1, vm11;
	vm12 =	vlt.s32 v8, $0x640  }
0x4e: {  	[tilespmem:s1+$0x7880] =	vst v0;
	v59 =	vnsel vm0, $0xFFFFFFFF, v50;
	vm13 =	vge.f32 v5, $0.0e+00;
	vm1 =	vmand vm1, vm12  }
0x4f: {  	v1 =	vnsel vm0, $0xFFFFFFFF, v1;
	[tilespmem:s0+$0x7900] =	vst v59;
	vm14 =	vlt.s32 v2, $0x28;
	vm1 =	vmand vm13, vm1  }
0x50: {  	v60 =	vnsel vm0, $0xFFFFFFFF, v7;
	[tilespmem:s0+$0x7800] =	vst v1;
	vm15 =	vmand vm14, vm1  }
0x51: {  	[tilespmem:s0+$0x7880] =	vst v60;
	v61 =	vnsel vm15, $0xFFFFFFFF, v6  }
0x52: {  	v62 =	vnsel vm15, $0xFFFFFFFF, v2;
	[tilespmem:s5+$0x7900] =	vst v61  }
0x53: {  	v63 =	vnsel vm15, $0xFFFFFFFF, v8;
	[tilespmem:s5+$0x7800] =	vst v62  }
0x54: {  	s11 =	rddreg [dreg:$0x3];
	s0 =	simm.s32 $0x0;
	[tilespmem:s5+$0x7880] =	vst v63  }
0x55: {  	[hbm4b:s11+s0] =	stream.linear.scatter [tilespmem:s25], [sflag:$0x3], $0x3C00, $0x38;
	[tilespmem:$0xF000] =	vst v63  }
0x56: {  	_ =	swait.ge [sflag:s26], $0x2D00  }
0x57: {  	s9 =	sadd.s32 $0x0, s6;
	s7 =	simm.s32 $0x0;
	[sflag:s26] =	ssyncset.done $0x0  }
0x58: {  	s1 =	simm.s32 $0x40;
	s5 =	simm.s32 $0x200;
	[sflag:s26] =	ssyncadd.s32 $0xFFFFD300  }
.LBB2_8:
0x59: {  	[tilespmem:s7], [sflag:$0x1] =	stream.linear.gather [hbm4b:s9+s0], $0x180, $0x38;
	[tilespmem:$0xF000] =	vst v63  }
0x5a: {  	s9 =	smov.u32 s1;
	s7 =	smov.u32 s5;
	p0 =	sne.s32 s1, $0x740  }
.Ltmp3:
0x5b: {  	s1 =	sadd.s32 $0x40, s1;
	(pc) =	sbr.rel @p0 .LBB2_8-.Ltmp3, $2  }
0x5c: {  	_ =	sdelay $0x2  }
0x5d: {  	s5 =	sadd.s32 $0x200, s5;
	s9 =	sadd.s32 s9, s6  }
0x5e: {  	[tilespmem:s7], [sflag:$0x1] =	stream.linear.gather [hbm4b:s9+s0], $0x180, $0x38;
	[tilespmem:$0xF000] =	vst v63  }
0x5f: {  	s1 =	sand.u32 $0x70, s0;
	s5 =	sand.u32 $0x3E00, s0  }
0x60: {  	s0 =	sor.u32 s1, s5  }
0x61: {  	v0 =	vld [tilespmem:s0+$0x3D00]  }
0x62: {  	v1 =	vld [tilespmem:s0+$0x3C80]  }
0x63: {  	v2 =	vld [tilespmem:s0+$0x3C00];
	_ =	sdelay $0x3  }
0x64: {  	s7 =	simm.s32 $0x10;
	s5 =	simm.s32 $0x40;
	v1 =	vadd.f32 $4.000000000e+01, v1  }
0x65: {  	s1 =	sand.u32 $0x70, s7;
	s5 =	sand.u32 $0x3E00, s5;
	v2 =	vmul.f32 $2.000000000e+01, v2;
	v0 =	vadd.f32 $3.000000000e+00, v0  }
0x66: {  	s1 =	sor.u32 s1, s5;
	v1 =	vmul.f32 $2.000000000e+01, v1  }
0x67: {  	v3 =	vld [tilespmem:s1+$0x3D00];
	v4 =	vmul.f32 $1.000000000e+01, v0;
	v0 =	vtrunc.f32 v2  }
0x68: {  	v5 =	vld [tilespmem:s1+$0x3C80];
	v6 =	vcvt.f32.s32 v0;
	v0 =	vtrunc.f32 v1  }
0x69: {  	v7 =	vld [tilespmem:s1+$0x3C00];
	vm0 =	vge.f32 v2, $0.0e+00;
	vm1 =	vge.f32 v1, $0.0e+00;
	v0 =	vcvt.f32.s32 v0  }
0x6a: {  	v1 =	vtrunc.f32 v4;
	vm2 =	vlt.s32 v6, $0x580;
	vm0 =	vmand vm0, vm1  }
0x6b: {  	v8 =	vcvt.f32.s32 v1;
	vm0 =	vmand vm0, vm2;
	vm1 =	vlt.s32 v0, $0x640  }
0x6c: {  	vm0 =	vmand vm0, vm1;
	vm1 =	vge.f32 v4, $0.0e+00  }
0x6d: {  	s9 =	simm.s32 $0x20;
	s7 =	simm.s32 $0x80;
	v2 =	vadd.f32 $4.000000000e+01, v5;
	vm0 =	vmand vm1, vm0;
	vm1 =	vlt.s32 v8, $0x28  }
0x6e: {  	s11 =	sand.u32 $0x3E00, s7;
	s5 =	sand.u32 $0x70, s9;
	v3 =	vadd.f32 $3.000000000e+00, v3;
	v1 =	vmul.f32 $2.000000000e+01, v7;
	vm0 =	vmand vm1, vm0  }
0x6f: {  	s9 =	simm.s32 $0x30;
	s5 =	sor.u32 s5, s11;
	v2 =	vmul.f32 $2.000000000e+01, v2;
	v4 =	vnsel vm0, $0xFFFFFFFF, v8;
	v5 =	vnsel vm0, $0xFFFFFFFF, v6  }
.LBB2_10:
0x70: {  	p0 =	sne.s32 s9, $0xEF0;
	v6 =	vld [tilespmem:s5+$0x3D00];
	v3 =	vmul.f32 $1.000000000e+01, v3;
	v7 =	vtrunc.f32 v1;
	v8 =	vnsel vm0, $0xFFFFFFFF, v0;
	[tilespmem:s0+$0xB500] =	vst v5  }
0x71: {  	v5 =	vld [tilespmem:s5+$0x3C80];
	v7 =	vcvt.f32.s32 v7;
	v0 =	vtrunc.f32 v2;
	[tilespmem:s0+$0xB400] =	vst v4  }
0x72: {  	vm0 =	vge.f32 v1, $0.0e+00;
	vm1 =	vge.f32 v2, $0.0e+00;
	v4 =	vld [tilespmem:s5+$0x3C00];
	v0 =	vcvt.f32.s32 v0;
	[tilespmem:s0+$0xB480] =	vst v8;
	s0 =	smov.u32 s1;
	s1 =	smov.u32 s5  }
0x73: {  	v1 =	vtrunc.f32 v3;
	vm0 =	vmand vm0, vm1;
	vm2 =	vlt.s32 v7, $0x580  }
.Ltmp4:
0x74: {  	v8 =	vcvt.f32.s32 v1;
	vm0 =	vmand vm0, vm2;
	vm1 =	vlt.s32 v0, $0x640;
	(pc) =	sbr.rel @p0 .LBB2_10-.Ltmp4, $4  }
0x75: {  	vm0 =	vmand vm0, vm1;
	vm1 =	vge.f32 v3, $0.0e+00  }
0x76: {  	s7 =	sadd.s32 $0x40, s7;
	v2 =	vadd.f32 $4.000000000e+01, v5;
	vm0 =	vmand vm1, vm0;
	vm1 =	vlt.s32 v8, $0x28  }
0x77: {  	s11 =	sand.u32 $0x3E00, s7;
	s5 =	sand.u32 $0x70, s9;
	v3 =	vadd.f32 $3.000000000e+00, v6;
	v1 =	vmul.f32 $2.000000000e+01, v4;
	vm0 =	vmand vm1, vm0  }
0x78: {  	s9 =	sadd.s32 $0x10, s9;
	s5 =	sor.u32 s5, s11;
	v2 =	vmul.f32 $2.000000000e+01, v2;
	v4 =	vnsel vm0, $0xFFFFFFFF, v8;
	v5 =	vnsel vm0, $0xFFFFFFFF, v7  }
0x79: {  	v6 =	vld [tilespmem:s5+$0x3D00];
	[tilespmem:s0+$0xB500] =	vst v5  }
0x7a: {  	v5 =	vld [tilespmem:s5+$0x3C80];
	[tilespmem:s0+$0xB400] =	vst v4  }
0x7b: {  	v3 =	vmul.f32 $1.000000000e+01, v3;
	v7 =	vtrunc.f32 v1;
	vm1 =	vge.f32 v1, $0.0e+00;
	v8 =	vld [tilespmem:s5+$0x3C00]  }
0x7c: {  	v50 =	vcvt.f32.s32 v7;
	v51 =	vtrunc.f32 v2;
	vm2 =	vge.f32 v2, $0.0e+00  }
0x7d: {  	v0 =	vnsel vm0, $0xFFFFFFFF, v0;
	v7 =	vcvt.f32.s32 v51;
	vm1 =	vmand vm1, vm2  }
0x7e: {  	v52 =	vtrunc.f32 v3;
	vm6 =	vge.f32 v3, $0.0e+00;
	vm4 =	vlt.s32 v50, $0x580  }
0x7f: {  	v1 =	vcvt.f32.s32 v52;
	vm1 =	vmand vm1, vm4;
	v53 =	vadd.f32 $4.000000000e+01, v5  }
0x80: {  	vm5 =	vlt.s32 v7, $0x640;
	v55 =	vadd.f32 $3.000000000e+00, v6;
	v54 =	vmul.f32 $2.000000000e+01, v8  }
0x81: {  	vm1 =	vmand vm1, vm5;
	vm8 =	vlt.s32 v1, $0x28;
	v2 =	vmul.f32 $2.000000000e+01, v53  }
0x82: {  	vm7 =	vmand vm6, vm1;
	v5 =	vmul.f32 $1.000000000e+01, v55;
	v56 =	vtrunc.f32 v54  }
0x83: {  	vm0 =	vmand vm8, vm7;
	v6 =	vcvt.f32.s32 v56;
	v57 =	vtrunc.f32 v2  }
0x84: {  	vm9 =	vge.f32 v54, $0.0e+00;
	vm10 =	vge.f32 v2, $0.0e+00;
	v8 =	vcvt.f32.s32 v57  }
0x85: {  	v58 =	vtrunc.f32 v5;
	vm1 =	vmand vm9, vm10;
	vm11 =	vlt.s32 v6, $0x580  }
0x86: {  	v2 =	vcvt.f32.s32 v58;
	vm1 =	vmand vm1, vm11;
	vm12 =	vlt.s32 v8, $0x640  }
0x87: {  	[tilespmem:s0+$0xB480] =	vst v0;
	v59 =	vnsel vm0, $0xFFFFFFFF, v50;
	vm13 =	vge.f32 v5, $0.0e+00;
	vm1 =	vmand vm1, vm12  }
0x88: {  	v1 =	vnsel vm0, $0xFFFFFFFF, v1;
	[tilespmem:s1+$0xB500] =	vst v59;
	vm14 =	vlt.s32 v2, $0x28;
	vm1 =	vmand vm13, vm1  }
0x89: {  	v60 =	vnsel vm0, $0xFFFFFFFF, v7;
	[tilespmem:s1+$0xB400] =	vst v1;
	vm15 =	vmand vm14, vm1  }
0x8a: {  	[tilespmem:s1+$0xB480] =	vst v60;
	v61 =	vnsel vm15, $0xFFFFFFFF, v6  }
0x8b: {  	v62 =	vnsel vm15, $0xFFFFFFFF, v2;
	[tilespmem:s5+$0xB500] =	vst v61  }
0x8c: {  	v63 =	vnsel vm15, $0xFFFFFFFF, v8;
	[tilespmem:s5+$0xB400] =	vst v62  }
0x8d: {  	s11 =	rddreg [dreg:$0x4];
	s0 =	simm.s32 $0x0;
	[tilespmem:s5+$0xB480] =	vst v63  }
0x8e: {  	[hbm4b:s11+s0] =	stream.linear.scatter [tilespmem:s28], [sflag:$0x4], $0x3C00, $0x38;
	[tilespmem:$0xF000] =	vst v63  }
0x8f: {  	_ =	swait.ge [sflag:s29], $0x3C00  }
0x90: {  	[sflag:s29] =	ssyncset.done $0x0  }
0x91: {  	[sflag:s29] =	ssyncadd.s32 $0xFFFFC400  }
0x92: {  	_ =	swait.ge [sflag:s24], $0x2D00  }
0x93: {  	s9 =	sadd.s32 $0x0, s8;
	s7 =	simm.s32 $0x3E00;
	[sflag:s24] =	ssyncset.done $0x0  }
0x94: {  	s1 =	simm.s32 $0x3C00;
	s5 =	simm.s32 $0x40;
	[sflag:s24] =	ssyncadd.s32 $0xFFFFD300  }
.LBB2_12:
0x95: {  	[tilespmem:s1], [sflag:$0x2] =	stream.linear.gather [hbm4b:s9+s0], $0x180, $0x38;
	[tilespmem:$0xF000] =	vst v63  }
0x96: {  	s9 =	smov.u32 s5;
	s1 =	smov.u32 s7;
	p0 =	sne.s32 s5, $0x740  }
.Ltmp5:
0x97: {  	s5 =	sadd.s32 $0x40, s5;
	(pc) =	sbr.rel @p0 .LBB2_12-.Ltmp5, $2  }
0x98: {  	_ =	sdelay $0x2  }
0x99: {  	s7 =	sadd.s32 $0x200, s7;
	s9 =	sadd.s32 s9, s8  }
0x9a: {  	[tilespmem:s1], [sflag:$0x2] =	stream.linear.gather [hbm4b:s9+s0], $0x180, $0x38;
	[tilespmem:$0xF000] =	vst v63  }
0x9b: {  	s11 =	sand.u32 $0x70, s0;
	s5 =	sand.u32 $0x3E00, s0  }
0x9c: {  	s0 =	sor.u32 s11, s5  }
0x9d: {  	v0 =	vld [tilespmem:s0+$0x100]  }
0x9e: {  	v1 =	vld [tilespmem:s0+$0x80]  }
0x9f: {  	v2 =	vld [tilespmem:s0+$0x0];
	_ =	sdelay $0x3  }
0xa0: {  	s7 =	simm.s32 $0x10;
	s5 =	simm.s32 $0x40;
	v1 =	vadd.f32 $4.000000000e+01, v1  }
0xa1: {  	s1 =	sand.u32 $0x70, s7;
	s5 =	sand.u32 $0x3E00, s5;
	v2 =	vmul.f32 $2.000000000e+01, v2;
	v0 =	vadd.f32 $3.000000000e+00, v0  }
0xa2: {  	s1 =	sor.u32 s1, s5;
	v1 =	vmul.f32 $2.000000000e+01, v1  }
0xa3: {  	v3 =	vld [tilespmem:s1+$0x100];
	v4 =	vmul.f32 $1.000000000e+01, v0;
	v0 =	vtrunc.f32 v2  }
0xa4: {  	v5 =	vld [tilespmem:s1+$0x80];
	v6 =	vcvt.f32.s32 v0;
	v0 =	vtrunc.f32 v1  }
0xa5: {  	v7 =	vld [tilespmem:s1+$0x0];
	vm0 =	vge.f32 v2, $0.0e+00;
	vm1 =	vge.f32 v1, $0.0e+00;
	v0 =	vcvt.f32.s32 v0  }
0xa6: {  	v1 =	vtrunc.f32 v4;
	vm2 =	vlt.s32 v6, $0x580;
	vm0 =	vmand vm0, vm1  }
0xa7: {  	v8 =	vcvt.f32.s32 v1;
	vm0 =	vmand vm0, vm2;
	vm1 =	vlt.s32 v0, $0x640  }
0xa8: {  	vm0 =	vmand vm0, vm1;
	vm1 =	vge.f32 v4, $0.0e+00  }
0xa9: {  	s9 =	simm.s32 $0x20;
	s7 =	simm.s32 $0x80;
	v2 =	vadd.f32 $4.000000000e+01, v5;
	vm0 =	vmand vm1, vm0;
	vm1 =	vlt.s32 v8, $0x28  }
0xaa: {  	s11 =	sand.u32 $0x3E00, s7;
	s5 =	sand.u32 $0x70, s9;
	v3 =	vadd.f32 $3.000000000e+00, v3;
	v1 =	vmul.f32 $2.000000000e+01, v7;
	vm0 =	vmand vm1, vm0  }
0xab: {  	s9 =	simm.s32 $0x30;
	s5 =	sor.u32 s5, s11;
	v2 =	vmul.f32 $2.000000000e+01, v2;
	v4 =	vnsel vm0, $0xFFFFFFFF, v8;
	v5 =	vnsel vm0, $0xFFFFFFFF, v6  }
.LBB2_14:
0xac: {  	p0 =	sne.s32 s9, $0xEF0;
	v6 =	vld [tilespmem:s5+$0x100];
	v3 =	vmul.f32 $1.000000000e+01, v3;
	v7 =	vtrunc.f32 v1;
	v8 =	vnsel vm0, $0xFFFFFFFF, v0;
	[tilespmem:s0+$0x7900] =	vst v5  }
0xad: {  	v5 =	vld [tilespmem:s5+$0x80];
	v7 =	vcvt.f32.s32 v7;
	v0 =	vtrunc.f32 v2;
	[tilespmem:s0+$0x7800] =	vst v4  }
0xae: {  	vm0 =	vge.f32 v1, $0.0e+00;
	vm1 =	vge.f32 v2, $0.0e+00;
	v4 =	vld [tilespmem:s5+$0x0];
	v0 =	vcvt.f32.s32 v0;
	[tilespmem:s0+$0x7880] =	vst v8;
	s0 =	smov.u32 s1;
	s1 =	smov.u32 s5  }
0xaf: {  	v1 =	vtrunc.f32 v3;
	vm0 =	vmand vm0, vm1;
	vm2 =	vlt.s32 v7, $0x580  }
.Ltmp6:
0xb0: {  	v8 =	vcvt.f32.s32 v1;
	vm0 =	vmand vm0, vm2;
	vm1 =	vlt.s32 v0, $0x640;
	(pc) =	sbr.rel @p0 .LBB2_14-.Ltmp6, $4  }
0xb1: {  	vm0 =	vmand vm0, vm1;
	vm1 =	vge.f32 v3, $0.0e+00  }
0xb2: {  	s7 =	sadd.s32 $0x40, s7;
	v2 =	vadd.f32 $4.000000000e+01, v5;
	vm0 =	vmand vm1, vm0;
	vm1 =	vlt.s32 v8, $0x28  }
0xb3: {  	s11 =	sand.u32 $0x3E00, s7;
	s5 =	sand.u32 $0x70, s9;
	v3 =	vadd.f32 $3.000000000e+00, v6;
	v1 =	vmul.f32 $2.000000000e+01, v4;
	vm0 =	vmand vm1, vm0  }
0xb4: {  	s9 =	sadd.s32 $0x10, s9;
	s5 =	sor.u32 s5, s11;
	v2 =	vmul.f32 $2.000000000e+01, v2;
	v4 =	vnsel vm0, $0xFFFFFFFF, v8;
	v5 =	vnsel vm0, $0xFFFFFFFF, v7  }
0xb5: {  	v6 =	vld [tilespmem:s5+$0x100];
	[tilespmem:s0+$0x7900] =	vst v5  }
0xb6: {  	v5 =	vld [tilespmem:s5+$0x80];
	[tilespmem:s0+$0x7800] =	vst v4  }
0xb7: {  	v3 =	vmul.f32 $1.000000000e+01, v3;
	v7 =	vtrunc.f32 v1;
	vm1 =	vge.f32 v1, $0.0e+00;
	v8 =	vld [tilespmem:s5+$0x0]  }
0xb8: {  	v50 =	vcvt.f32.s32 v7;
	v51 =	vtrunc.f32 v2;
	vm2 =	vge.f32 v2, $0.0e+00  }
0xb9: {  	v0 =	vnsel vm0, $0xFFFFFFFF, v0;
	v7 =	vcvt.f32.s32 v51;
	vm1 =	vmand vm1, vm2  }
0xba: {  	v52 =	vtrunc.f32 v3;
	vm6 =	vge.f32 v3, $0.0e+00;
	vm4 =	vlt.s32 v50, $0x580  }
0xbb: {  	v1 =	vcvt.f32.s32 v52;
	vm1 =	vmand vm1, vm4;
	v53 =	vadd.f32 $4.000000000e+01, v5  }
0xbc: {  	vm5 =	vlt.s32 v7, $0x640;
	v55 =	vadd.f32 $3.000000000e+00, v6;
	v54 =	vmul.f32 $2.000000000e+01, v8  }
0xbd: {  	vm1 =	vmand vm1, vm5;
	vm8 =	vlt.s32 v1, $0x28;
	v2 =	vmul.f32 $2.000000000e+01, v53  }
0xbe: {  	vm7 =	vmand vm6, vm1;
	v5 =	vmul.f32 $1.000000000e+01, v55;
	v56 =	vtrunc.f32 v54  }
0xbf: {  	vm0 =	vmand vm8, vm7;
	v6 =	vcvt.f32.s32 v56;
	v57 =	vtrunc.f32 v2  }
0xc0: {  	vm9 =	vge.f32 v54, $0.0e+00;
	vm10 =	vge.f32 v2, $0.0e+00;
	v8 =	vcvt.f32.s32 v57  }
0xc1: {  	v58 =	vtrunc.f32 v5;
	vm1 =	vmand vm9, vm10;
	vm11 =	vlt.s32 v6, $0x580  }
0xc2: {  	v2 =	vcvt.f32.s32 v58;
	vm1 =	vmand vm1, vm11;
	vm12 =	vlt.s32 v8, $0x640  }
0xc3: {  	[tilespmem:s0+$0x7880] =	vst v0;
	v59 =	vnsel vm0, $0xFFFFFFFF, v50;
	vm13 =	vge.f32 v5, $0.0e+00;
	vm1 =	vmand vm1, vm12  }
0xc4: {  	v1 =	vnsel vm0, $0xFFFFFFFF, v1;
	[tilespmem:s1+$0x7900] =	vst v59;
	vm14 =	vlt.s32 v2, $0x28;
	vm1 =	vmand vm13, vm1  }
0xc5: {  	v60 =	vnsel vm0, $0xFFFFFFFF, v7;
	[tilespmem:s1+$0x7800] =	vst v1;
	vm15 =	vmand vm14, vm1  }
0xc6: {  	[tilespmem:s1+$0x7880] =	vst v60;
	v61 =	vnsel vm15, $0xFFFFFFFF, v6  }
0xc7: {  	v62 =	vnsel vm15, $0xFFFFFFFF, v2;
	[tilespmem:s5+$0x7900] =	vst v61  }
0xc8: {  	v63 =	vnsel vm15, $0xFFFFFFFF, v8;
	[tilespmem:s5+$0x7800] =	vst v62  }
0xc9: {  	s11 =	rddreg [dreg:$0x5];
	s0 =	simm.s32 $0x0;
	[tilespmem:s5+$0x7880] =	vst v63  }
0xca: {  	[hbm4b:s11+s0] =	stream.linear.scatter [tilespmem:s25], [sflag:$0x3], $0x3C00, $0x38;
	[tilespmem:$0xF000] =	vst v63  }
0xcb: {  	_ =	swait.ge [sflag:s30], $0x3C00  }
0xcc: {  	[sflag:s30] =	ssyncset.done $0x0  }
0xcd: {  	[sflag:s30] =	ssyncadd.s32 $0xFFFFC400  }
0xce: {  	_ =	swait.ge [sflag:s26], $0x2D00  }
0xcf: {  	s9 =	sadd.s32 $0x0, s10;
	s7 =	simm.s32 $0x0;
	[sflag:s26] =	ssyncset.done $0x0  }
0xd0: {  	s1 =	simm.s32 $0x40;
	s5 =	simm.s32 $0x200;
	[sflag:s26] =	ssyncadd.s32 $0xFFFFD300  }
.LBB2_16:
0xd1: {  	[tilespmem:s7], [sflag:$0x1] =	stream.linear.gather [hbm4b:s9+s0], $0x180, $0x38;
	[tilespmem:$0xF000] =	vst v63  }
0xd2: {  	s9 =	smov.u32 s1;
	s7 =	smov.u32 s5;
	p0 =	sne.s32 s1, $0x740  }
.Ltmp7:
0xd3: {  	s1 =	sadd.s32 $0x40, s1;
	(pc) =	sbr.rel @p0 .LBB2_16-.Ltmp7, $2  }
0xd4: {  	_ =	sdelay $0x2  }
0xd5: {  	s5 =	sadd.s32 $0x200, s5;
	s9 =	sadd.s32 s9, s10  }
0xd6: {  	[tilespmem:s7], [sflag:$0x1] =	stream.linear.gather [hbm4b:s9+s0], $0x180, $0x38;
	[tilespmem:$0xF000] =	vst v63  }
0xd7: {  	s1 =	sand.u32 $0x70, s0;
	s5 =	sand.u32 $0x3E00, s0  }
0xd8: {  	s0 =	sor.u32 s1, s5  }
0xd9: {  	v0 =	vld [tilespmem:s0+$0x3D00]  }
0xda: {  	v1 =	vld [tilespmem:s0+$0x3C80]  }
0xdb: {  	v2 =	vld [tilespmem:s0+$0x3C00];
	_ =	sdelay $0x3  }
0xdc: {  	s7 =	simm.s32 $0x10;
	s5 =	simm.s32 $0x40;
	v1 =	vadd.f32 $4.000000000e+01, v1  }
0xdd: {  	s1 =	sand.u32 $0x70, s7;
	s5 =	sand.u32 $0x3E00, s5;
	v2 =	vmul.f32 $2.000000000e+01, v2;
	v0 =	vadd.f32 $3.000000000e+00, v0  }
0xde: {  	s1 =	sor.u32 s1, s5;
	v1 =	vmul.f32 $2.000000000e+01, v1  }
0xdf: {  	v3 =	vld [tilespmem:s1+$0x3D00];
	v4 =	vmul.f32 $1.000000000e+01, v0;
	v0 =	vtrunc.f32 v2  }
0xe0: {  	v5 =	vld [tilespmem:s1+$0x3C80];
	v6 =	vcvt.f32.s32 v0;
	v0 =	vtrunc.f32 v1  }
0xe1: {  	v7 =	vld [tilespmem:s1+$0x3C00];
	vm0 =	vge.f32 v2, $0.0e+00;
	vm1 =	vge.f32 v1, $0.0e+00;
	v0 =	vcvt.f32.s32 v0  }
0xe2: {  	v1 =	vtrunc.f32 v4;
	vm2 =	vlt.s32 v6, $0x580;
	vm0 =	vmand vm0, vm1  }
0xe3: {  	v8 =	vcvt.f32.s32 v1;
	vm0 =	vmand vm0, vm2;
	vm1 =	vlt.s32 v0, $0x640  }
0xe4: {  	vm0 =	vmand vm0, vm1;
	vm1 =	vge.f32 v4, $0.0e+00  }
0xe5: {  	s9 =	simm.s32 $0x20;
	s7 =	simm.s32 $0x80;
	v2 =	vadd.f32 $4.000000000e+01, v5;
	vm0 =	vmand vm1, vm0;
	vm1 =	vlt.s32 v8, $0x28  }
0xe6: {  	s11 =	sand.u32 $0x3E00, s7;
	s5 =	sand.u32 $0x70, s9;
	v3 =	vadd.f32 $3.000000000e+00, v3;
	v1 =	vmul.f32 $2.000000000e+01, v7;
	vm0 =	vmand vm1, vm0  }
0xe7: {  	s9 =	simm.s32 $0x30;
	s5 =	sor.u32 s5, s11;
	v2 =	vmul.f32 $2.000000000e+01, v2;
	v4 =	vnsel vm0, $0xFFFFFFFF, v8;
	v5 =	vnsel vm0, $0xFFFFFFFF, v6  }
.LBB2_18:
0xe8: {  	p0 =	sne.s32 s9, $0xEF0;
	v6 =	vld [tilespmem:s5+$0x3D00];
	v3 =	vmul.f32 $1.000000000e+01, v3;
	v7 =	vtrunc.f32 v1;
	v8 =	vnsel vm0, $0xFFFFFFFF, v0;
	[tilespmem:s0+$0xB500] =	vst v5  }
0xe9: {  	v5 =	vld [tilespmem:s5+$0x3C80];
	v7 =	vcvt.f32.s32 v7;
	v0 =	vtrunc.f32 v2;
	[tilespmem:s0+$0xB400] =	vst v4  }
0xea: {  	vm0 =	vge.f32 v1, $0.0e+00;
	vm1 =	vge.f32 v2, $0.0e+00;
	v4 =	vld [tilespmem:s5+$0x3C00];
	v0 =	vcvt.f32.s32 v0;
	[tilespmem:s0+$0xB480] =	vst v8;
	s0 =	smov.u32 s1;
	s1 =	smov.u32 s5  }
0xeb: {  	v1 =	vtrunc.f32 v3;
	vm0 =	vmand vm0, vm1;
	vm2 =	vlt.s32 v7, $0x580  }
.Ltmp8:
0xec: {  	v8 =	vcvt.f32.s32 v1;
	vm0 =	vmand vm0, vm2;
	vm1 =	vlt.s32 v0, $0x640;
	(pc) =	sbr.rel @p0 .LBB2_18-.Ltmp8, $4  }
0xed: {  	vm0 =	vmand vm0, vm1;
	vm1 =	vge.f32 v3, $0.0e+00  }
0xee: {  	s7 =	sadd.s32 $0x40, s7;
	v2 =	vadd.f32 $4.000000000e+01, v5;
	vm0 =	vmand vm1, vm0;
	vm1 =	vlt.s32 v8, $0x28  }
0xef: {  	s11 =	sand.u32 $0x3E00, s7;
	s5 =	sand.u32 $0x70, s9;
	v3 =	vadd.f32 $3.000000000e+00, v6;
	v1 =	vmul.f32 $2.000000000e+01, v4;
	vm0 =	vmand vm1, vm0  }
0xf0: {  	s9 =	sadd.s32 $0x10, s9;
	s5 =	sor.u32 s5, s11;
	v2 =	vmul.f32 $2.000000000e+01, v2;
	v4 =	vnsel vm0, $0xFFFFFFFF, v8;
	v5 =	vnsel vm0, $0xFFFFFFFF, v7  }
0xf1: {  	v6 =	vld [tilespmem:s5+$0x3D00];
	[tilespmem:s0+$0xB500] =	vst v5  }
0xf2: {  	v5 =	vld [tilespmem:s5+$0x3C80];
	[tilespmem:s0+$0xB400] =	vst v4  }
0xf3: {  	v3 =	vmul.f32 $1.000000000e+01, v3;
	v7 =	vtrunc.f32 v1;
	vm1 =	vge.f32 v1, $0.0e+00;
	v8 =	vld [tilespmem:s5+$0x3C00]  }
0xf4: {  	v50 =	vcvt.f32.s32 v7;
	v51 =	vtrunc.f32 v2;
	vm2 =	vge.f32 v2, $0.0e+00  }
0xf5: {  	v0 =	vnsel vm0, $0xFFFFFFFF, v0;
	v7 =	vcvt.f32.s32 v51;
	vm1 =	vmand vm1, vm2  }
0xf6: {  	v52 =	vtrunc.f32 v3;
	vm6 =	vge.f32 v3, $0.0e+00;
	vm4 =	vlt.s32 v50, $0x580  }
0xf7: {  	v1 =	vcvt.f32.s32 v52;
	vm1 =	vmand vm1, vm4;
	v53 =	vadd.f32 $4.000000000e+01, v5  }
0xf8: {  	vm5 =	vlt.s32 v7, $0x640;
	v55 =	vadd.f32 $3.000000000e+00, v6;
	v54 =	vmul.f32 $2.000000000e+01, v8  }
0xf9: {  	vm1 =	vmand vm1, vm5;
	vm8 =	vlt.s32 v1, $0x28;
	v2 =	vmul.f32 $2.000000000e+01, v53  }
0xfa: {  	vm7 =	vmand vm6, vm1;
	v5 =	vmul.f32 $1.000000000e+01, v55;
	v56 =	vtrunc.f32 v54  }
0xfb: {  	vm0 =	vmand vm8, vm7;
	v6 =	vcvt.f32.s32 v56;
	v57 =	vtrunc.f32 v2  }
0xfc: {  	vm9 =	vge.f32 v54, $0.0e+00;
	vm10 =	vge.f32 v2, $0.0e+00;
	v8 =	vcvt.f32.s32 v57  }
0xfd: {  	v58 =	vtrunc.f32 v5;
	vm1 =	vmand vm9, vm10;
	vm11 =	vlt.s32 v6, $0x580  }
0xfe: {  	v2 =	vcvt.f32.s32 v58;
	vm1 =	vmand vm1, vm11;
	vm12 =	vlt.s32 v8, $0x640  }
0xff: {  	[tilespmem:s0+$0xB480] =	vst v0;
	v59 =	vnsel vm0, $0xFFFFFFFF, v50;
	vm13 =	vge.f32 v5, $0.0e+00;
	vm1 =	vmand vm1, vm12  }
0x100: {  	v1 =	vnsel vm0, $0xFFFFFFFF, v1;
	[tilespmem:s1+$0xB500] =	vst v59;
	vm14 =	vlt.s32 v2, $0x28;
	vm1 =	vmand vm13, vm1  }
0x101: {  	v60 =	vnsel vm0, $0xFFFFFFFF, v7;
	[tilespmem:s1+$0xB400] =	vst v1;
	vm15 =	vmand vm14, vm1  }
0x102: {  	[tilespmem:s1+$0xB480] =	vst v60;
	v61 =	vnsel vm15, $0xFFFFFFFF, v6  }
0x103: {  	v62 =	vnsel vm15, $0xFFFFFFFF, v2;
	[tilespmem:s5+$0xB500] =	vst v61  }
0x104: {  	v63 =	vnsel vm15, $0xFFFFFFFF, v8;
	[tilespmem:s5+$0xB400] =	vst v62  }
0x105: {  	s11 =	rddreg [dreg:$0x6];
	s0 =	simm.s32 $0x0;
	[tilespmem:s5+$0xB480] =	vst v63  }
0x106: {  	[hbm4b:s11+s0] =	stream.linear.scatter [tilespmem:s28], [sflag:$0x4], $0x3C00, $0x38;
	[tilespmem:$0xF000] =	vst v63  }
0x107: {  	_ =	swait.ge [sflag:s29], $0x3C00  }
0x108: {  	[sflag:s29] =	ssyncset.done $0x0  }
0x109: {  	[sflag:s29] =	ssyncadd.s32 $0xFFFFC400  }
0x10a: {  	_ =	swait.ge [sflag:s24], $0x2D00  }
0x10b: {  	s9 =	sadd.s32 $0x0, s12;
	s7 =	simm.s32 $0x3E00;
	[sflag:s24] =	ssyncset.done $0x0  }
0x10c: {  	s1 =	simm.s32 $0x3C00;
	s5 =	simm.s32 $0x40;
	[sflag:s24] =	ssyncadd.s32 $0xFFFFD300  }
.LBB2_20:
0x10d: {  	[tilespmem:s1], [sflag:$0x2] =	stream.linear.gather [hbm4b:s9+s0], $0x180, $0x38;
	[tilespmem:$0xF000] =	vst v63  }
0x10e: {  	s9 =	smov.u32 s5;
	s1 =	smov.u32 s7;
	p0 =	sne.s32 s5, $0x740  }
.Ltmp9:
0x10f: {  	s5 =	sadd.s32 $0x40, s5;
	(pc) =	sbr.rel @p0 .LBB2_20-.Ltmp9, $2  }
0x110: {  	_ =	sdelay $0x2  }
0x111: {  	s7 =	sadd.s32 $0x200, s7;
	s9 =	sadd.s32 s9, s12  }
0x112: {  	[tilespmem:s1], [sflag:$0x2] =	stream.linear.gather [hbm4b:s9+s0], $0x180, $0x38;
	[tilespmem:$0xF000] =	vst v63  }
0x113: {  	s11 =	sand.u32 $0x70, s0;
	s5 =	sand.u32 $0x3E00, s0  }
0x114: {  	s0 =	sor.u32 s11, s5  }
0x115: {  	v0 =	vld [tilespmem:s0+$0x100]  }
0x116: {  	v1 =	vld [tilespmem:s0+$0x80]  }
0x117: {  	v2 =	vld [tilespmem:s0+$0x0];
	_ =	sdelay $0x3  }
0x118: {  	s7 =	simm.s32 $0x10;
	s5 =	simm.s32 $0x40;
	v1 =	vadd.f32 $4.000000000e+01, v1  }
0x119: {  	s1 =	sand.u32 $0x70, s7;
	s5 =	sand.u32 $0x3E00, s5;
	v2 =	vmul.f32 $2.000000000e+01, v2;
	v0 =	vadd.f32 $3.000000000e+00, v0  }
0x11a: {  	s1 =	sor.u32 s1, s5;
	v1 =	vmul.f32 $2.000000000e+01, v1  }
0x11b: {  	v3 =	vld [tilespmem:s1+$0x100];
	v4 =	vmul.f32 $1.000000000e+01, v0;
	v0 =	vtrunc.f32 v2  }
0x11c: {  	v5 =	vld [tilespmem:s1+$0x80];
	v6 =	vcvt.f32.s32 v0;
	v0 =	vtrunc.f32 v1  }
0x11d: {  	v7 =	vld [tilespmem:s1+$0x0];
	vm0 =	vge.f32 v2, $0.0e+00;
	vm1 =	vge.f32 v1, $0.0e+00;
	v0 =	vcvt.f32.s32 v0  }
0x11e: {  	v1 =	vtrunc.f32 v4;
	vm2 =	vlt.s32 v6, $0x580;
	vm0 =	vmand vm0, vm1  }
0x11f: {  	v8 =	vcvt.f32.s32 v1;
	vm0 =	vmand vm0, vm2;
	vm1 =	vlt.s32 v0, $0x640  }
0x120: {  	vm0 =	vmand vm0, vm1;
	vm1 =	vge.f32 v4, $0.0e+00  }
0x121: {  	s9 =	simm.s32 $0x20;
	s7 =	simm.s32 $0x80;
	v2 =	vadd.f32 $4.000000000e+01, v5;
	vm0 =	vmand vm1, vm0;
	vm1 =	vlt.s32 v8, $0x28  }
0x122: {  	s11 =	sand.u32 $0x3E00, s7;
	s5 =	sand.u32 $0x70, s9;
	v3 =	vadd.f32 $3.000000000e+00, v3;
	v1 =	vmul.f32 $2.000000000e+01, v7;
	vm0 =	vmand vm1, vm0  }
0x123: {  	s9 =	simm.s32 $0x30;
	s5 =	sor.u32 s5, s11;
	v2 =	vmul.f32 $2.000000000e+01, v2;
	v4 =	vnsel vm0, $0xFFFFFFFF, v8;
	v5 =	vnsel vm0, $0xFFFFFFFF, v6  }
.LBB2_22:
0x124: {  	p0 =	sne.s32 s9, $0xEF0;
	v6 =	vld [tilespmem:s5+$0x100];
	v3 =	vmul.f32 $1.000000000e+01, v3;
	v7 =	vtrunc.f32 v1;
	v8 =	vnsel vm0, $0xFFFFFFFF, v0;
	[tilespmem:s0+$0x7900] =	vst v5  }
0x125: {  	v5 =	vld [tilespmem:s5+$0x80];
	v7 =	vcvt.f32.s32 v7;
	v0 =	vtrunc.f32 v2;
	[tilespmem:s0+$0x7800] =	vst v4  }
0x126: {  	vm0 =	vge.f32 v1, $0.0e+00;
	vm1 =	vge.f32 v2, $0.0e+00;
	v4 =	vld [tilespmem:s5+$0x0];
	v0 =	vcvt.f32.s32 v0;
	[tilespmem:s0+$0x7880] =	vst v8;
	s0 =	smov.u32 s1;
	s1 =	smov.u32 s5  }
0x127: {  	v1 =	vtrunc.f32 v3;
	vm0 =	vmand vm0, vm1;
	vm2 =	vlt.s32 v7, $0x580  }
.Ltmp10:
0x128: {  	v8 =	vcvt.f32.s32 v1;
	vm0 =	vmand vm0, vm2;
	vm1 =	vlt.s32 v0, $0x640;
	(pc) =	sbr.rel @p0 .LBB2_22-.Ltmp10, $4  }
0x129: {  	vm0 =	vmand vm0, vm1;
	vm1 =	vge.f32 v3, $0.0e+00  }
0x12a: {  	s7 =	sadd.s32 $0x40, s7;
	v2 =	vadd.f32 $4.000000000e+01, v5;
	vm0 =	vmand vm1, vm0;
	vm1 =	vlt.s32 v8, $0x28  }
0x12b: {  	s11 =	sand.u32 $0x3E00, s7;
	s5 =	sand.u32 $0x70, s9;
	v3 =	vadd.f32 $3.000000000e+00, v6;
	v1 =	vmul.f32 $2.000000000e+01, v4;
	vm0 =	vmand vm1, vm0  }
0x12c: {  	s9 =	sadd.s32 $0x10, s9;
	s5 =	sor.u32 s5, s11;
	v2 =	vmul.f32 $2.000000000e+01, v2;
	v4 =	vnsel vm0, $0xFFFFFFFF, v8;
	v5 =	vnsel vm0, $0xFFFFFFFF, v7  }
0x12d: {  	v6 =	vld [tilespmem:s5+$0x100];
	[tilespmem:s0+$0x7900] =	vst v5  }
0x12e: {  	v5 =	vld [tilespmem:s5+$0x80];
	[tilespmem:s0+$0x7800] =	vst v4  }
0x12f: {  	v3 =	vmul.f32 $1.000000000e+01, v3;
	v7 =	vtrunc.f32 v1;
	vm1 =	vge.f32 v1, $0.0e+00;
	v8 =	vld [tilespmem:s5+$0x0]  }
0x130: {  	v50 =	vcvt.f32.s32 v7;
	v51 =	vtrunc.f32 v2;
	vm2 =	vge.f32 v2, $0.0e+00  }
0x131: {  	v0 =	vnsel vm0, $0xFFFFFFFF, v0;
	v7 =	vcvt.f32.s32 v51;
	vm1 =	vmand vm1, vm2  }
0x132: {  	v52 =	vtrunc.f32 v3;
	vm6 =	vge.f32 v3, $0.0e+00;
	vm4 =	vlt.s32 v50, $0x580  }
0x133: {  	v1 =	vcvt.f32.s32 v52;
	vm1 =	vmand vm1, vm4;
	v53 =	vadd.f32 $4.000000000e+01, v5  }
0x134: {  	vm5 =	vlt.s32 v7, $0x640;
	v55 =	vadd.f32 $3.000000000e+00, v6;
	v54 =	vmul.f32 $2.000000000e+01, v8  }
0x135: {  	vm1 =	vmand vm1, vm5;
	vm8 =	vlt.s32 v1, $0x28;
	v2 =	vmul.f32 $2.000000000e+01, v53  }
0x136: {  	vm7 =	vmand vm6, vm1;
	v5 =	vmul.f32 $1.000000000e+01, v55;
	v56 =	vtrunc.f32 v54  }
0x137: {  	vm0 =	vmand vm8, vm7;
	v6 =	vcvt.f32.s32 v56;
	v57 =	vtrunc.f32 v2  }
0x138: {  	vm9 =	vge.f32 v54, $0.0e+00;
	vm10 =	vge.f32 v2, $0.0e+00;
	v8 =	vcvt.f32.s32 v57  }
0x139: {  	v58 =	vtrunc.f32 v5;
	vm1 =	vmand vm9, vm10;
	vm11 =	vlt.s32 v6, $0x580  }
0x13a: {  	v2 =	vcvt.f32.s32 v58;
	vm1 =	vmand vm1, vm11;
	vm12 =	vlt.s32 v8, $0x640  }
0x13b: {  	[tilespmem:s0+$0x7880] =	vst v0;
	v59 =	vnsel vm0, $0xFFFFFFFF, v50;
	vm13 =	vge.f32 v5, $0.0e+00;
	vm1 =	vmand vm1, vm12  }
0x13c: {  	v1 =	vnsel vm0, $0xFFFFFFFF, v1;
	[tilespmem:s1+$0x7900] =	vst v59;
	vm14 =	vlt.s32 v2, $0x28;
	vm1 =	vmand vm13, vm1  }
0x13d: {  	v60 =	vnsel vm0, $0xFFFFFFFF, v7;
	[tilespmem:s1+$0x7800] =	vst v1;
	vm15 =	vmand vm14, vm1  }
0x13e: {  	[tilespmem:s1+$0x7880] =	vst v60;
	v61 =	vnsel vm15, $0xFFFFFFFF, v6  }
0x13f: {  	v62 =	vnsel vm15, $0xFFFFFFFF, v2;
	[tilespmem:s5+$0x7900] =	vst v61  }
0x140: {  	v63 =	vnsel vm15, $0xFFFFFFFF, v8;
	[tilespmem:s5+$0x7800] =	vst v62  }
0x141: {  	s0 =	simm.s32 $0x0;
	[tilespmem:s5+$0x7880] =	vst v63  }
0x142: {  	[hbm4b:s13+s0] =	stream.linear.scatter [tilespmem:s25], [sflag:$0x3], $0x3C00, $0x38;
	[tilespmem:$0xF000] =	vst v63  }
0x143: {  	_ =	swait.ge [sflag:s30], $0x3C00  }
0x144: {  	[sflag:s30] =	ssyncset.done $0x0  }
0x145: {  	[sflag:s30] =	ssyncadd.s32 $0xFFFFC400  }
0x146: {  	_ =	swait.ge [sflag:s26], $0x2D00  }
0x147: {  	s9 =	sadd.s32 $0x0, s14;
	s7 =	simm.s32 $0x0;
	[sflag:s26] =	ssyncset.done $0x0  }
0x148: {  	s1 =	simm.s32 $0x40;
	s5 =	simm.s32 $0x200;
	[sflag:s26] =	ssyncadd.s32 $0xFFFFD300  }
.LBB2_24:
0x149: {  	[tilespmem:s7], [sflag:$0x1] =	stream.linear.gather [hbm4b:s9+s0], $0x180, $0x38;
	[tilespmem:$0xF000] =	vst v63  }
0x14a: {  	s9 =	smov.u32 s1;
	s7 =	smov.u32 s5;
	p0 =	sne.s32 s1, $0x740  }
.Ltmp11:
0x14b: {  	s1 =	sadd.s32 $0x40, s1;
	(pc) =	sbr.rel @p0 .LBB2_24-.Ltmp11, $2  }
0x14c: {  	_ =	sdelay $0x2  }
0x14d: {  	s5 =	sadd.s32 $0x200, s5;
	s9 =	sadd.s32 s9, s14  }
0x14e: {  	[tilespmem:s7], [sflag:$0x1] =	stream.linear.gather [hbm4b:s9+s0], $0x180, $0x38;
	[tilespmem:$0xF000] =	vst v63  }
0x14f: {  	s1 =	sand.u32 $0x70, s0;
	s5 =	sand.u32 $0x3E00, s0  }
0x150: {  	s0 =	sor.u32 s1, s5  }
0x151: {  	v0 =	vld [tilespmem:s0+$0x3D00]  }
0x152: {  	v1 =	vld [tilespmem:s0+$0x3C80]  }
0x153: {  	v2 =	vld [tilespmem:s0+$0x3C00];
	_ =	sdelay $0x3  }
0x154: {  	s7 =	simm.s32 $0x10;
	s5 =	simm.s32 $0x40;
	v1 =	vadd.f32 $4.000000000e+01, v1  }
0x155: {  	s1 =	sand.u32 $0x70, s7;
	s5 =	sand.u32 $0x3E00, s5;
	v2 =	vmul.f32 $2.000000000e+01, v2;
	v0 =	vadd.f32 $3.000000000e+00, v0  }
0x156: {  	s1 =	sor.u32 s1, s5;
	v1 =	vmul.f32 $2.000000000e+01, v1  }
0x157: {  	v3 =	vld [tilespmem:s1+$0x3D00];
	v4 =	vmul.f32 $1.000000000e+01, v0;
	v0 =	vtrunc.f32 v2  }
0x158: {  	v5 =	vld [tilespmem:s1+$0x3C80];
	v6 =	vcvt.f32.s32 v0;
	v0 =	vtrunc.f32 v1  }
0x159: {  	v7 =	vld [tilespmem:s1+$0x3C00];
	vm0 =	vge.f32 v2, $0.0e+00;
	vm1 =	vge.f32 v1, $0.0e+00;
	v0 =	vcvt.f32.s32 v0  }
0x15a: {  	v1 =	vtrunc.f32 v4;
	vm2 =	vlt.s32 v6, $0x580;
	vm0 =	vmand vm0, vm1  }
0x15b: {  	v8 =	vcvt.f32.s32 v1;
	vm0 =	vmand vm0, vm2;
	vm1 =	vlt.s32 v0, $0x640  }
0x15c: {  	vm0 =	vmand vm0, vm1;
	vm1 =	vge.f32 v4, $0.0e+00  }
0x15d: {  	s9 =	simm.s32 $0x20;
	s7 =	simm.s32 $0x80;
	v2 =	vadd.f32 $4.000000000e+01, v5;
	vm0 =	vmand vm1, vm0;
	vm1 =	vlt.s32 v8, $0x28  }
0x15e: {  	s11 =	sand.u32 $0x3E00, s7;
	s5 =	sand.u32 $0x70, s9;
	v3 =	vadd.f32 $3.000000000e+00, v3;
	v1 =	vmul.f32 $2.000000000e+01, v7;
	vm0 =	vmand vm1, vm0  }
0x15f: {  	s9 =	simm.s32 $0x30;
	s5 =	sor.u32 s5, s11;
	v2 =	vmul.f32 $2.000000000e+01, v2;
	v4 =	vnsel vm0, $0xFFFFFFFF, v8;
	v5 =	vnsel vm0, $0xFFFFFFFF, v6  }
.LBB2_26:
0x160: {  	p0 =	sne.s32 s9, $0xEF0;
	v6 =	vld [tilespmem:s5+$0x3D00];
	v3 =	vmul.f32 $1.000000000e+01, v3;
	v7 =	vtrunc.f32 v1;
	v8 =	vnsel vm0, $0xFFFFFFFF, v0;
	[tilespmem:s0+$0xB500] =	vst v5  }
0x161: {  	v5 =	vld [tilespmem:s5+$0x3C80];
	v7 =	vcvt.f32.s32 v7;
	v0 =	vtrunc.f32 v2;
	[tilespmem:s0+$0xB400] =	vst v4  }
0x162: {  	vm0 =	vge.f32 v1, $0.0e+00;
	vm1 =	vge.f32 v2, $0.0e+00;
	v4 =	vld [tilespmem:s5+$0x3C00];
	v0 =	vcvt.f32.s32 v0;
	[tilespmem:s0+$0xB480] =	vst v8;
	s0 =	smov.u32 s1;
	s1 =	smov.u32 s5  }
0x163: {  	v1 =	vtrunc.f32 v3;
	vm0 =	vmand vm0, vm1;
	vm2 =	vlt.s32 v7, $0x580  }
.Ltmp12:
0x164: {  	v8 =	vcvt.f32.s32 v1;
	vm0 =	vmand vm0, vm2;
	vm1 =	vlt.s32 v0, $0x640;
	(pc) =	sbr.rel @p0 .LBB2_26-.Ltmp12, $4  }
0x165: {  	vm0 =	vmand vm0, vm1;
	vm1 =	vge.f32 v3, $0.0e+00  }
0x166: {  	s7 =	sadd.s32 $0x40, s7;
	v2 =	vadd.f32 $4.000000000e+01, v5;
	vm0 =	vmand vm1, vm0;
	vm1 =	vlt.s32 v8, $0x28  }
0x167: {  	s11 =	sand.u32 $0x3E00, s7;
	s5 =	sand.u32 $0x70, s9;
	v3 =	vadd.f32 $3.000000000e+00, v6;
	v1 =	vmul.f32 $2.000000000e+01, v4;
	vm0 =	vmand vm1, vm0  }
0x168: {  	s9 =	sadd.s32 $0x10, s9;
	s5 =	sor.u32 s5, s11;
	v2 =	vmul.f32 $2.000000000e+01, v2;
	v4 =	vnsel vm0, $0xFFFFFFFF, v8;
	v5 =	vnsel vm0, $0xFFFFFFFF, v7  }
0x169: {  	v6 =	vld [tilespmem:s5+$0x3D00];
	[tilespmem:s0+$0xB500] =	vst v5  }
0x16a: {  	v5 =	vld [tilespmem:s5+$0x3C80];
	[tilespmem:s0+$0xB400] =	vst v4  }
0x16b: {  	v3 =	vmul.f32 $1.000000000e+01, v3;
	v7 =	vtrunc.f32 v1;
	vm1 =	vge.f32 v1, $0.0e+00;
	v8 =	vld [tilespmem:s5+$0x3C00]  }
0x16c: {  	v50 =	vcvt.f32.s32 v7;
	v51 =	vtrunc.f32 v2;
	vm2 =	vge.f32 v2, $0.0e+00  }
0x16d: {  	v0 =	vnsel vm0, $0xFFFFFFFF, v0;
	v7 =	vcvt.f32.s32 v51;
	vm1 =	vmand vm1, vm2  }
0x16e: {  	v52 =	vtrunc.f32 v3;
	vm6 =	vge.f32 v3, $0.0e+00;
	vm4 =	vlt.s32 v50, $0x580  }
0x16f: {  	v1 =	vcvt.f32.s32 v52;
	vm1 =	vmand vm1, vm4;
	v53 =	vadd.f32 $4.000000000e+01, v5  }
0x170: {  	vm5 =	vlt.s32 v7, $0x640;
	v55 =	vadd.f32 $3.000000000e+00, v6;
	v54 =	vmul.f32 $2.000000000e+01, v8  }
0x171: {  	vm1 =	vmand vm1, vm5;
	vm8 =	vlt.s32 v1, $0x28;
	v2 =	vmul.f32 $2.000000000e+01, v53  }
0x172: {  	vm7 =	vmand vm6, vm1;
	v5 =	vmul.f32 $1.000000000e+01, v55;
	v56 =	vtrunc.f32 v54  }
0x173: {  	vm0 =	vmand vm8, vm7;
	v6 =	vcvt.f32.s32 v56;
	v57 =	vtrunc.f32 v2  }
0x174: {  	vm9 =	vge.f32 v54, $0.0e+00;
	vm10 =	vge.f32 v2, $0.0e+00;
	v8 =	vcvt.f32.s32 v57  }
0x175: {  	v58 =	vtrunc.f32 v5;
	vm1 =	vmand vm9, vm10;
	vm11 =	vlt.s32 v6, $0x580  }
0x176: {  	v2 =	vcvt.f32.s32 v58;
	vm1 =	vmand vm1, vm11;
	vm12 =	vlt.s32 v8, $0x640  }
0x177: {  	[tilespmem:s0+$0xB480] =	vst v0;
	v59 =	vnsel vm0, $0xFFFFFFFF, v50;
	vm13 =	vge.f32 v5, $0.0e+00;
	vm1 =	vmand vm1, vm12  }
0x178: {  	v1 =	vnsel vm0, $0xFFFFFFFF, v1;
	[tilespmem:s1+$0xB500] =	vst v59;
	vm14 =	vlt.s32 v2, $0x28;
	vm1 =	vmand vm13, vm1  }
0x179: {  	v60 =	vnsel vm0, $0xFFFFFFFF, v7;
	[tilespmem:s1+$0xB400] =	vst v1;
	vm15 =	vmand vm14, vm1  }
0x17a: {  	[tilespmem:s1+$0xB480] =	vst v60;
	v61 =	vnsel vm15, $0xFFFFFFFF, v6  }
0x17b: {  	v62 =	vnsel vm15, $0xFFFFFFFF, v2;
	[tilespmem:s5+$0xB500] =	vst v61  }
0x17c: {  	v63 =	vnsel vm15, $0xFFFFFFFF, v8;
	[tilespmem:s5+$0xB400] =	vst v62  }
0x17d: {  	s0 =	simm.s32 $0x0;
	[tilespmem:s5+$0xB480] =	vst v63  }
0x17e: {  	[hbm4b:s15+s0] =	stream.linear.scatter [tilespmem:s28], [sflag:$0x4], $0x3C00, $0x38;
	[tilespmem:$0xF000] =	vst v63  }
0x17f: {  	_ =	swait.ge [sflag:s29], $0x3C00  }
0x180: {  	[sflag:s29] =	ssyncset.done $0x0  }
0x181: {  	[sflag:s29] =	ssyncadd.s32 $0xFFFFC400  }
0x182: {  	_ =	swait.ge [sflag:s24], $0x2D00  }
0x183: {  	s9 =	sadd.s32 $0x0, s16;
	s7 =	simm.s32 $0x3E00;
	[sflag:s24] =	ssyncset.done $0x0  }
0x184: {  	s1 =	simm.s32 $0x3C00;
	s5 =	simm.s32 $0x40;
	[sflag:s24] =	ssyncadd.s32 $0xFFFFD300  }
.LBB2_28:
0x185: {  	[tilespmem:s1], [sflag:$0x2] =	stream.linear.gather [hbm4b:s9+s0], $0x180, $0x38;
	[tilespmem:$0xF000] =	vst v63  }
0x186: {  	s9 =	smov.u32 s5;
	s1 =	smov.u32 s7;
	p0 =	sne.s32 s5, $0x740  }
.Ltmp13:
0x187: {  	s5 =	sadd.s32 $0x40, s5;
	(pc) =	sbr.rel @p0 .LBB2_28-.Ltmp13, $2  }
0x188: {  	_ =	sdelay $0x2  }
0x189: {  	s7 =	sadd.s32 $0x200, s7;
	s9 =	sadd.s32 s9, s16  }
0x18a: {  	[tilespmem:s1], [sflag:$0x2] =	stream.linear.gather [hbm4b:s9+s0], $0x180, $0x38;
	[tilespmem:$0xF000] =	vst v63  }
0x18b: {  	s11 =	sand.u32 $0x70, s0;
	s5 =	sand.u32 $0x3E00, s0  }
0x18c: {  	s0 =	sor.u32 s11, s5  }
0x18d: {  	v0 =	vld [tilespmem:s0+$0x100]  }
0x18e: {  	v1 =	vld [tilespmem:s0+$0x80]  }
0x18f: {  	v2 =	vld [tilespmem:s0+$0x0];
	_ =	sdelay $0x3  }
0x190: {  	s7 =	simm.s32 $0x10;
	s5 =	simm.s32 $0x40;
	v1 =	vadd.f32 $4.000000000e+01, v1  }
0x191: {  	s1 =	sand.u32 $0x70, s7;
	s5 =	sand.u32 $0x3E00, s5;
	v2 =	vmul.f32 $2.000000000e+01, v2;
	v0 =	vadd.f32 $3.000000000e+00, v0  }
0x192: {  	s1 =	sor.u32 s1, s5;
	v1 =	vmul.f32 $2.000000000e+01, v1  }
0x193: {  	v3 =	vld [tilespmem:s1+$0x100];
	v4 =	vmul.f32 $1.000000000e+01, v0;
	v0 =	vtrunc.f32 v2  }
0x194: {  	v5 =	vld [tilespmem:s1+$0x80];
	v6 =	vcvt.f32.s32 v0;
	v0 =	vtrunc.f32 v1  }
0x195: {  	v7 =	vld [tilespmem:s1+$0x0];
	vm0 =	vge.f32 v2, $0.0e+00;
	vm1 =	vge.f32 v1, $0.0e+00;
	v0 =	vcvt.f32.s32 v0  }
0x196: {  	v1 =	vtrunc.f32 v4;
	vm2 =	vlt.s32 v6, $0x580;
	vm0 =	vmand vm0, vm1  }
0x197: {  	v8 =	vcvt.f32.s32 v1;
	vm0 =	vmand vm0, vm2;
	vm1 =	vlt.s32 v0, $0x640  }
0x198: {  	vm0 =	vmand vm0, vm1;
	vm1 =	vge.f32 v4, $0.0e+00  }
0x199: {  	s9 =	simm.s32 $0x20;
	s7 =	simm.s32 $0x80;
	v2 =	vadd.f32 $4.000000000e+01, v5;
	vm0 =	vmand vm1, vm0;
	vm1 =	vlt.s32 v8, $0x28  }
0x19a: {  	s11 =	sand.u32 $0x3E00, s7;
	s5 =	sand.u32 $0x70, s9;
	v3 =	vadd.f32 $3.000000000e+00, v3;
	v1 =	vmul.f32 $2.000000000e+01, v7;
	vm0 =	vmand vm1, vm0  }
0x19b: {  	s9 =	simm.s32 $0x30;
	s5 =	sor.u32 s5, s11;
	v2 =	vmul.f32 $2.000000000e+01, v2;
	v4 =	vnsel vm0, $0xFFFFFFFF, v8;
	v5 =	vnsel vm0, $0xFFFFFFFF, v6  }
.LBB2_30:
0x19c: {  	p0 =	sne.s32 s9, $0xEF0;
	v6 =	vld [tilespmem:s5+$0x100];
	v3 =	vmul.f32 $1.000000000e+01, v3;
	v7 =	vtrunc.f32 v1;
	v8 =	vnsel vm0, $0xFFFFFFFF, v0;
	[tilespmem:s0+$0x7900] =	vst v5  }
0x19d: {  	v5 =	vld [tilespmem:s5+$0x80];
	v7 =	vcvt.f32.s32 v7;
	v0 =	vtrunc.f32 v2;
	[tilespmem:s0+$0x7800] =	vst v4  }
0x19e: {  	vm0 =	vge.f32 v1, $0.0e+00;
	vm1 =	vge.f32 v2, $0.0e+00;
	v4 =	vld [tilespmem:s5+$0x0];
	v0 =	vcvt.f32.s32 v0;
	[tilespmem:s0+$0x7880] =	vst v8;
	s0 =	smov.u32 s1;
	s1 =	smov.u32 s5  }
0x19f: {  	v1 =	vtrunc.f32 v3;
	vm0 =	vmand vm0, vm1;
	vm2 =	vlt.s32 v7, $0x580  }
.Ltmp14:
0x1a0: {  	v8 =	vcvt.f32.s32 v1;
	vm0 =	vmand vm0, vm2;
	vm1 =	vlt.s32 v0, $0x640;
	(pc) =	sbr.rel @p0 .LBB2_30-.Ltmp14, $4  }
0x1a1: {  	vm0 =	vmand vm0, vm1;
	vm1 =	vge.f32 v3, $0.0e+00  }
0x1a2: {  	s7 =	sadd.s32 $0x40, s7;
	v2 =	vadd.f32 $4.000000000e+01, v5;
	vm0 =	vmand vm1, vm0;
	vm1 =	vlt.s32 v8, $0x28  }
0x1a3: {  	s11 =	sand.u32 $0x3E00, s7;
	s5 =	sand.u32 $0x70, s9;
	v3 =	vadd.f32 $3.000000000e+00, v6;
	v1 =	vmul.f32 $2.000000000e+01, v4;
	vm0 =	vmand vm1, vm0  }
0x1a4: {  	s9 =	sadd.s32 $0x10, s9;
	s5 =	sor.u32 s5, s11;
	v2 =	vmul.f32 $2.000000000e+01, v2;
	v4 =	vnsel vm0, $0xFFFFFFFF, v8;
	v5 =	vnsel vm0, $0xFFFFFFFF, v7  }
0x1a5: {  	v6 =	vld [tilespmem:s5+$0x100];
	[tilespmem:s0+$0x7900] =	vst v5  }
0x1a6: {  	v5 =	vld [tilespmem:s5+$0x80];
	[tilespmem:s0+$0x7800] =	vst v4  }
0x1a7: {  	v3 =	vmul.f32 $1.000000000e+01, v3;
	v7 =	vtrunc.f32 v1;
	vm1 =	vge.f32 v1, $0.0e+00;
	v8 =	vld [tilespmem:s5+$0x0]  }
0x1a8: {  	v50 =	vcvt.f32.s32 v7;
	v51 =	vtrunc.f32 v2;
	vm2 =	vge.f32 v2, $0.0e+00  }
0x1a9: {  	v0 =	vnsel vm0, $0xFFFFFFFF, v0;
	v7 =	vcvt.f32.s32 v51;
	vm1 =	vmand vm1, vm2  }
0x1aa: {  	v52 =	vtrunc.f32 v3;
	vm6 =	vge.f32 v3, $0.0e+00;
	vm4 =	vlt.s32 v50, $0x580  }
0x1ab: {  	v1 =	vcvt.f32.s32 v52;
	vm1 =	vmand vm1, vm4;
	v53 =	vadd.f32 $4.000000000e+01, v5  }
0x1ac: {  	vm5 =	vlt.s32 v7, $0x640;
	v55 =	vadd.f32 $3.000000000e+00, v6;
	v54 =	vmul.f32 $2.000000000e+01, v8  }
0x1ad: {  	vm1 =	vmand vm1, vm5;
	vm8 =	vlt.s32 v1, $0x28;
	v2 =	vmul.f32 $2.000000000e+01, v53  }
0x1ae: {  	vm7 =	vmand vm6, vm1;
	v5 =	vmul.f32 $1.000000000e+01, v55;
	v56 =	vtrunc.f32 v54  }
0x1af: {  	vm0 =	vmand vm8, vm7;
	v6 =	vcvt.f32.s32 v56;
	v57 =	vtrunc.f32 v2  }
0x1b0: {  	vm9 =	vge.f32 v54, $0.0e+00;
	vm10 =	vge.f32 v2, $0.0e+00;
	v8 =	vcvt.f32.s32 v57  }
0x1b1: {  	v58 =	vtrunc.f32 v5;
	vm1 =	vmand vm9, vm10;
	vm11 =	vlt.s32 v6, $0x580  }
0x1b2: {  	v2 =	vcvt.f32.s32 v58;
	vm1 =	vmand vm1, vm11;
	vm12 =	vlt.s32 v8, $0x640  }
0x1b3: {  	[tilespmem:s0+$0x7880] =	vst v0;
	v59 =	vnsel vm0, $0xFFFFFFFF, v50;
	vm13 =	vge.f32 v5, $0.0e+00;
	vm1 =	vmand vm1, vm12  }
0x1b4: {  	v1 =	vnsel vm0, $0xFFFFFFFF, v1;
	[tilespmem:s1+$0x7900] =	vst v59;
	vm14 =	vlt.s32 v2, $0x28;
	vm1 =	vmand vm13, vm1  }
0x1b5: {  	v60 =	vnsel vm0, $0xFFFFFFFF, v7;
	[tilespmem:s1+$0x7800] =	vst v1;
	vm15 =	vmand vm14, vm1  }
0x1b6: {  	[tilespmem:s1+$0x7880] =	vst v60;
	v61 =	vnsel vm15, $0xFFFFFFFF, v6  }
0x1b7: {  	v62 =	vnsel vm15, $0xFFFFFFFF, v2;
	[tilespmem:s5+$0x7900] =	vst v61  }
0x1b8: {  	v63 =	vnsel vm15, $0xFFFFFFFF, v8;
	[tilespmem:s5+$0x7800] =	vst v62  }
0x1b9: {  	s0 =	simm.s32 $0x0;
	[tilespmem:s5+$0x7880] =	vst v63  }
0x1ba: {  	[hbm4b:s17+s0] =	stream.linear.scatter [tilespmem:s25], [sflag:$0x3], $0x3C00, $0x38;
	[tilespmem:$0xF000] =	vst v63  }
0x1bb: {  	_ =	swait.ge [sflag:s30], $0x3C00  }
0x1bc: {  	[sflag:s30] =	ssyncset.done $0x0  }
0x1bd: {  	[sflag:s30] =	ssyncadd.s32 $0xFFFFC400  }
0x1be: {  	_ =	swait.ge [sflag:s26], $0x2D00  }
0x1bf: {  	s9 =	sadd.s32 $0x0, s18;
	s7 =	simm.s32 $0x0;
	[sflag:s26] =	ssyncset.done $0x0  }
0x1c0: {  	s1 =	simm.s32 $0x40;
	s5 =	simm.s32 $0x200;
	[sflag:s26] =	ssyncadd.s32 $0xFFFFD300  }
.LBB2_32:
0x1c1: {  	[tilespmem:s7], [sflag:$0x1] =	stream.linear.gather [hbm4b:s9+s0], $0x180, $0x38;
	[tilespmem:$0xF000] =	vst v63  }
0x1c2: {  	s9 =	smov.u32 s1;
	s7 =	smov.u32 s5;
	p0 =	sne.s32 s1, $0x740  }
.Ltmp15:
0x1c3: {  	s1 =	sadd.s32 $0x40, s1;
	(pc) =	sbr.rel @p0 .LBB2_32-.Ltmp15, $2  }
0x1c4: {  	_ =	sdelay $0x2  }
0x1c5: {  	s5 =	sadd.s32 $0x200, s5;
	s9 =	sadd.s32 s9, s18  }
0x1c6: {  	[tilespmem:s7], [sflag:$0x1] =	stream.linear.gather [hbm4b:s9+s0], $0x180, $0x38;
	[tilespmem:$0xF000] =	vst v63  }
0x1c7: {  	s1 =	sand.u32 $0x70, s0;
	s5 =	sand.u32 $0x3E00, s0  }
0x1c8: {  	s0 =	sor.u32 s1, s5  }
0x1c9: {  	v0 =	vld [tilespmem:s0+$0x3D00]  }
0x1ca: {  	v1 =	vld [tilespmem:s0+$0x3C80]  }
0x1cb: {  	v2 =	vld [tilespmem:s0+$0x3C00];
	_ =	sdelay $0x3  }
0x1cc: {  	s7 =	simm.s32 $0x10;
	s5 =	simm.s32 $0x40;
	v1 =	vadd.f32 $4.000000000e+01, v1  }
0x1cd: {  	s1 =	sand.u32 $0x70, s7;
	s5 =	sand.u32 $0x3E00, s5;
	v2 =	vmul.f32 $2.000000000e+01, v2;
	v0 =	vadd.f32 $3.000000000e+00, v0  }
0x1ce: {  	s1 =	sor.u32 s1, s5;
	v1 =	vmul.f32 $2.000000000e+01, v1  }
0x1cf: {  	v3 =	vld [tilespmem:s1+$0x3D00];
	v4 =	vmul.f32 $1.000000000e+01, v0;
	v0 =	vtrunc.f32 v2  }
0x1d0: {  	v5 =	vld [tilespmem:s1+$0x3C80];
	v6 =	vcvt.f32.s32 v0;
	v0 =	vtrunc.f32 v1  }
0x1d1: {  	v7 =	vld [tilespmem:s1+$0x3C00];
	vm0 =	vge.f32 v2, $0.0e+00;
	vm1 =	vge.f32 v1, $0.0e+00;
	v0 =	vcvt.f32.s32 v0  }
0x1d2: {  	v1 =	vtrunc.f32 v4;
	vm2 =	vlt.s32 v6, $0x580;
	vm0 =	vmand vm0, vm1  }
0x1d3: {  	v8 =	vcvt.f32.s32 v1;
	vm0 =	vmand vm0, vm2;
	vm1 =	vlt.s32 v0, $0x640  }
0x1d4: {  	vm0 =	vmand vm0, vm1;
	vm1 =	vge.f32 v4, $0.0e+00  }
0x1d5: {  	s9 =	simm.s32 $0x20;
	s7 =	simm.s32 $0x80;
	v2 =	vadd.f32 $4.000000000e+01, v5;
	vm0 =	vmand vm1, vm0;
	vm1 =	vlt.s32 v8, $0x28  }
0x1d6: {  	s11 =	sand.u32 $0x3E00, s7;
	s5 =	sand.u32 $0x70, s9;
	v3 =	vadd.f32 $3.000000000e+00, v3;
	v1 =	vmul.f32 $2.000000000e+01, v7;
	vm0 =	vmand vm1, vm0  }
0x1d7: {  	s9 =	simm.s32 $0x30;
	s5 =	sor.u32 s5, s11;
	v2 =	vmul.f32 $2.000000000e+01, v2;
	v4 =	vnsel vm0, $0xFFFFFFFF, v8;
	v5 =	vnsel vm0, $0xFFFFFFFF, v6  }
.LBB2_34:
0x1d8: {  	p0 =	sne.s32 s9, $0xEF0;
	v6 =	vld [tilespmem:s5+$0x3D00];
	v3 =	vmul.f32 $1.000000000e+01, v3;
	v7 =	vtrunc.f32 v1;
	v8 =	vnsel vm0, $0xFFFFFFFF, v0;
	[tilespmem:s0+$0xB500] =	vst v5  }
0x1d9: {  	v5 =	vld [tilespmem:s5+$0x3C80];
	v7 =	vcvt.f32.s32 v7;
	v0 =	vtrunc.f32 v2;
	[tilespmem:s0+$0xB400] =	vst v4  }
0x1da: {  	vm0 =	vge.f32 v1, $0.0e+00;
	vm1 =	vge.f32 v2, $0.0e+00;
	v4 =	vld [tilespmem:s5+$0x3C00];
	v0 =	vcvt.f32.s32 v0;
	[tilespmem:s0+$0xB480] =	vst v8;
	s0 =	smov.u32 s1;
	s1 =	smov.u32 s5  }
0x1db: {  	v1 =	vtrunc.f32 v3;
	vm0 =	vmand vm0, vm1;
	vm2 =	vlt.s32 v7, $0x580  }
.Ltmp16:
0x1dc: {  	v8 =	vcvt.f32.s32 v1;
	vm0 =	vmand vm0, vm2;
	vm1 =	vlt.s32 v0, $0x640;
	(pc) =	sbr.rel @p0 .LBB2_34-.Ltmp16, $4  }
0x1dd: {  	vm0 =	vmand vm0, vm1;
	vm1 =	vge.f32 v3, $0.0e+00  }
0x1de: {  	s7 =	sadd.s32 $0x40, s7;
	v2 =	vadd.f32 $4.000000000e+01, v5;
	vm0 =	vmand vm1, vm0;
	vm1 =	vlt.s32 v8, $0x28  }
0x1df: {  	s11 =	sand.u32 $0x3E00, s7;
	s5 =	sand.u32 $0x70, s9;
	v3 =	vadd.f32 $3.000000000e+00, v6;
	v1 =	vmul.f32 $2.000000000e+01, v4;
	vm0 =	vmand vm1, vm0  }
0x1e0: {  	s9 =	sadd.s32 $0x10, s9;
	s5 =	sor.u32 s5, s11;
	v2 =	vmul.f32 $2.000000000e+01, v2;
	v4 =	vnsel vm0, $0xFFFFFFFF, v8;
	v5 =	vnsel vm0, $0xFFFFFFFF, v7  }
0x1e1: {  	v6 =	vld [tilespmem:s5+$0x3D00];
	[tilespmem:s0+$0xB500] =	vst v5  }
0x1e2: {  	v5 =	vld [tilespmem:s5+$0x3C80];
	[tilespmem:s0+$0xB400] =	vst v4  }
0x1e3: {  	v3 =	vmul.f32 $1.000000000e+01, v3;
	v7 =	vtrunc.f32 v1;
	vm1 =	vge.f32 v1, $0.0e+00;
	v8 =	vld [tilespmem:s5+$0x3C00]  }
0x1e4: {  	v50 =	vcvt.f32.s32 v7;
	v51 =	vtrunc.f32 v2;
	vm2 =	vge.f32 v2, $0.0e+00  }
0x1e5: {  	v0 =	vnsel vm0, $0xFFFFFFFF, v0;
	v7 =	vcvt.f32.s32 v51;
	vm1 =	vmand vm1, vm2  }
0x1e6: {  	v52 =	vtrunc.f32 v3;
	vm6 =	vge.f32 v3, $0.0e+00;
	vm4 =	vlt.s32 v50, $0x580  }
0x1e7: {  	v1 =	vcvt.f32.s32 v52;
	vm1 =	vmand vm1, vm4;
	v53 =	vadd.f32 $4.000000000e+01, v5  }
0x1e8: {  	vm5 =	vlt.s32 v7, $0x640;
	v55 =	vadd.f32 $3.000000000e+00, v6;
	v54 =	vmul.f32 $2.000000000e+01, v8  }
0x1e9: {  	vm1 =	vmand vm1, vm5;
	vm8 =	vlt.s32 v1, $0x28;
	v2 =	vmul.f32 $2.000000000e+01, v53  }
0x1ea: {  	vm7 =	vmand vm6, vm1;
	v5 =	vmul.f32 $1.000000000e+01, v55;
	v56 =	vtrunc.f32 v54  }
0x1eb: {  	vm0 =	vmand vm8, vm7;
	v6 =	vcvt.f32.s32 v56;
	v57 =	vtrunc.f32 v2  }
0x1ec: {  	vm9 =	vge.f32 v54, $0.0e+00;
	vm10 =	vge.f32 v2, $0.0e+00;
	v8 =	vcvt.f32.s32 v57  }
0x1ed: {  	v58 =	vtrunc.f32 v5;
	vm1 =	vmand vm9, vm10;
	vm11 =	vlt.s32 v6, $0x580  }
0x1ee: {  	v2 =	vcvt.f32.s32 v58;
	vm1 =	vmand vm1, vm11;
	vm12 =	vlt.s32 v8, $0x640  }
0x1ef: {  	[tilespmem:s0+$0xB480] =	vst v0;
	v59 =	vnsel vm0, $0xFFFFFFFF, v50;
	vm13 =	vge.f32 v5, $0.0e+00;
	vm1 =	vmand vm1, vm12  }
0x1f0: {  	v1 =	vnsel vm0, $0xFFFFFFFF, v1;
	[tilespmem:s1+$0xB500] =	vst v59;
	vm14 =	vlt.s32 v2, $0x28;
	vm1 =	vmand vm13, vm1  }
0x1f1: {  	v60 =	vnsel vm0, $0xFFFFFFFF, v7;
	[tilespmem:s1+$0xB400] =	vst v1;
	vm15 =	vmand vm14, vm1  }
0x1f2: {  	[tilespmem:s1+$0xB480] =	vst v60;
	v61 =	vnsel vm15, $0xFFFFFFFF, v6  }
0x1f3: {  	v62 =	vnsel vm15, $0xFFFFFFFF, v2;
	[tilespmem:s5+$0xB500] =	vst v61  }
0x1f4: {  	v63 =	vnsel vm15, $0xFFFFFFFF, v8;
	[tilespmem:s5+$0xB400] =	vst v62  }
0x1f5: {  	s0 =	simm.s32 $0x0;
	[tilespmem:s5+$0xB480] =	vst v63  }
0x1f6: {  	[hbm4b:s19+s0] =	stream.linear.scatter [tilespmem:s28], [sflag:$0x4], $0x3C00, $0x38;
	[tilespmem:$0xF000] =	vst v63  }
0x1f7: {  	_ =	swait.ge [sflag:s29], $0x3C00  }
0x1f8: {  	[sflag:s29] =	ssyncset.done $0x0  }
0x1f9: {  	[sflag:s29] =	ssyncadd.s32 $0xFFFFC400  }
0x1fa: {  	_ =	swait.ge [sflag:s24], $0x2D00  }
0x1fb: {  	s9 =	sadd.s32 $0x0, s20;
	s7 =	simm.s32 $0x3E00;
	[sflag:s24] =	ssyncset.done $0x0  }
0x1fc: {  	s1 =	simm.s32 $0x3C00;
	s5 =	simm.s32 $0x40;
	[sflag:s24] =	ssyncadd.s32 $0xFFFFD300  }
.LBB2_36:
0x1fd: {  	[tilespmem:s1], [sflag:$0x2] =	stream.linear.gather [hbm4b:s9+s0], $0x180, $0x38;
	[tilespmem:$0xF000] =	vst v63  }
0x1fe: {  	s9 =	smov.u32 s5;
	s1 =	smov.u32 s7;
	p0 =	sne.s32 s5, $0x580  }
.Ltmp17:
0x1ff: {  	s5 =	sadd.s32 $0x40, s5;
	(pc) =	sbr.rel @p0 .LBB2_36-.Ltmp17, $2  }
0x200: {  	_ =	sdelay $0x2  }
0x201: {  	s7 =	sadd.s32 $0x200, s7;
	s9 =	sadd.s32 s9, s20  }
0x202: {  	[tilespmem:s1], [sflag:$0x2] =	stream.linear.gather [hbm4b:s9+s0], $0x180, $0x38;
	[tilespmem:$0xF000] =	vst v63  }
0x203: {  	s11 =	sand.u32 $0x70, s0;
	s5 =	sand.u32 $0x3E00, s0  }
0x204: {  	s0 =	sor.u32 s11, s5  }
0x205: {  	v0 =	vld [tilespmem:s0+$0x100]  }
0x206: {  	v1 =	vld [tilespmem:s0+$0x80]  }
0x207: {  	v2 =	vld [tilespmem:s0+$0x0];
	_ =	sdelay $0x3  }
0x208: {  	s7 =	simm.s32 $0x10;
	s5 =	simm.s32 $0x40;
	v1 =	vadd.f32 $4.000000000e+01, v1  }
0x209: {  	s1 =	sand.u32 $0x70, s7;
	s5 =	sand.u32 $0x3E00, s5;
	v2 =	vmul.f32 $2.000000000e+01, v2;
	v0 =	vadd.f32 $3.000000000e+00, v0  }
0x20a: {  	s1 =	sor.u32 s1, s5;
	v1 =	vmul.f32 $2.000000000e+01, v1  }
0x20b: {  	v3 =	vld [tilespmem:s1+$0x100];
	v4 =	vmul.f32 $1.000000000e+01, v0;
	v0 =	vtrunc.f32 v2  }
0x20c: {  	v5 =	vld [tilespmem:s1+$0x80];
	v6 =	vcvt.f32.s32 v0;
	v0 =	vtrunc.f32 v1  }
0x20d: {  	v7 =	vld [tilespmem:s1+$0x0];
	vm0 =	vge.f32 v2, $0.0e+00;
	vm1 =	vge.f32 v1, $0.0e+00;
	v0 =	vcvt.f32.s32 v0  }
0x20e: {  	v1 =	vtrunc.f32 v4;
	vm2 =	vlt.s32 v6, $0x580;
	vm0 =	vmand vm0, vm1  }
0x20f: {  	v8 =	vcvt.f32.s32 v1;
	vm0 =	vmand vm0, vm2;
	vm1 =	vlt.s32 v0, $0x640  }
0x210: {  	vm0 =	vmand vm0, vm1;
	vm1 =	vge.f32 v4, $0.0e+00  }
0x211: {  	s9 =	simm.s32 $0x20;
	s7 =	simm.s32 $0x80;
	v2 =	vadd.f32 $4.000000000e+01, v5;
	vm0 =	vmand vm1, vm0;
	vm1 =	vlt.s32 v8, $0x28  }
0x212: {  	s11 =	sand.u32 $0x3E00, s7;
	s5 =	sand.u32 $0x70, s9;
	v3 =	vadd.f32 $3.000000000e+00, v3;
	v1 =	vmul.f32 $2.000000000e+01, v7;
	vm0 =	vmand vm1, vm0  }
0x213: {  	s9 =	simm.s32 $0x30;
	s5 =	sor.u32 s5, s11;
	v2 =	vmul.f32 $2.000000000e+01, v2;
	v4 =	vnsel vm0, $0xFFFFFFFF, v8;
	v5 =	vnsel vm0, $0xFFFFFFFF, v6  }
.LBB2_38:
0x214: {  	p0 =	sne.s32 s9, $0xEF0;
	v6 =	vld [tilespmem:s5+$0x100];
	v3 =	vmul.f32 $1.000000000e+01, v3;
	v7 =	vtrunc.f32 v1;
	v8 =	vnsel vm0, $0xFFFFFFFF, v0;
	[tilespmem:s0+$0x7900] =	vst v5  }
0x215: {  	v5 =	vld [tilespmem:s5+$0x80];
	v7 =	vcvt.f32.s32 v7;
	v0 =	vtrunc.f32 v2;
	[tilespmem:s0+$0x7800] =	vst v4  }
0x216: {  	vm0 =	vge.f32 v1, $0.0e+00;
	vm1 =	vge.f32 v2, $0.0e+00;
	v4 =	vld [tilespmem:s5+$0x0];
	v0 =	vcvt.f32.s32 v0;
	[tilespmem:s0+$0x7880] =	vst v8;
	s0 =	smov.u32 s1;
	s1 =	smov.u32 s5  }
0x217: {  	v1 =	vtrunc.f32 v3;
	vm0 =	vmand vm0, vm1;
	vm2 =	vlt.s32 v7, $0x580  }
.Ltmp18:
0x218: {  	v8 =	vcvt.f32.s32 v1;
	vm0 =	vmand vm0, vm2;
	vm1 =	vlt.s32 v0, $0x640;
	(pc) =	sbr.rel @p0 .LBB2_38-.Ltmp18, $4  }
0x219: {  	vm0 =	vmand vm0, vm1;
	vm1 =	vge.f32 v3, $0.0e+00  }
0x21a: {  	s7 =	sadd.s32 $0x40, s7;
	v2 =	vadd.f32 $4.000000000e+01, v5;
	vm0 =	vmand vm1, vm0;
	vm1 =	vlt.s32 v8, $0x28  }
0x21b: {  	s11 =	sand.u32 $0x3E00, s7;
	s5 =	sand.u32 $0x70, s9;
	v3 =	vadd.f32 $3.000000000e+00, v6;
	v1 =	vmul.f32 $2.000000000e+01, v4;
	vm0 =	vmand vm1, vm0  }
0x21c: {  	s9 =	sadd.s32 $0x10, s9;
	s5 =	sor.u32 s5, s11;
	v2 =	vmul.f32 $2.000000000e+01, v2;
	v4 =	vnsel vm0, $0xFFFFFFFF, v8;
	v5 =	vnsel vm0, $0xFFFFFFFF, v7  }
0x21d: {  	v6 =	vld [tilespmem:s5+$0x100];
	[tilespmem:s0+$0x7900] =	vst v5  }
0x21e: {  	v3 =	vmul.f32 $1.000000000e+01, v3;
	v7 =	vtrunc.f32 v1;
	v5 =	vld [tilespmem:s5+$0x80];
	[tilespmem:s0+$0x7800] =	vst v4  }
0x21f: {  	v4 =	vcvt.f32.s32 v7;
	v7 =	vtrunc.f32 v2;
	v8 =	vld [tilespmem:s5+$0x0]  }
0x220: {  	vm1 =	vge.f32 v1, $0.0e+00;
	vm2 =	vge.f32 v2, $0.0e+00;
	v7 =	vcvt.f32.s32 v7  }
0x221: {  	vm1 =	vmand vm1, vm2;
	vm2 =	vlt.s32 v4, $0x580  }
0x222: {  	v1 =	vtrunc.f32 v3;
	vm1 =	vmand vm1, vm2;
	vm2 =	vlt.s32 v7, $0x640  }
0x223: {  	v1 =	vcvt.f32.s32 v1;
	vm1 =	vmand vm1, vm2;
	v2 =	vadd.f32 $4.000000000e+01, v5  }
0x224: {  	vm2 =	vge.f32 v3, $0.0e+00;
	v5 =	vadd.f32 $3.000000000e+00, v6;
	v3 =	vmul.f32 $2.000000000e+01, v8  }
0x225: {  	v0 =	vnsel vm0, $0xFFFFFFFF, v0;
	vm0 =	vmand vm2, vm1;
	v2 =	vmul.f32 $2.000000000e+01, v2  }
0x226: {  	vm1 =	vlt.s32 v1, $0x28;
	v5 =	vmul.f32 $1.000000000e+01, v5;
	v6 =	vtrunc.f32 v3  }
0x227: {  	vm0 =	vmand vm1, vm0;
	v6 =	vcvt.f32.s32 v6;
	v62 =	vtrunc.f32 v2  }
0x228: {  	vm1 =	vge.f32 v3, $0.0e+00;
	vm2 =	vge.f32 v2, $0.0e+00;
	v8 =	vcvt.f32.s32 v62  }
0x229: {  	v2 =	vtrunc.f32 v5;
	vm1 =	vmand vm1, vm2;
	vm2 =	vlt.s32 v6, $0x580  }
0x22a: {  	v2 =	vcvt.f32.s32 v2;
	vm1 =	vmand vm1, vm2;
	vm2 =	vlt.s32 v8, $0x640  }
0x22b: {  	[tilespmem:s0+$0x7880] =	vst v0;
	v0 =	vnsel vm0, $0xFFFFFFFF, v4;
	vm1 =	vmand vm1, vm2;
	vm2 =	vge.f32 v5, $0.0e+00  }
0x22c: {  	v1 =	vnsel vm0, $0xFFFFFFFF, v1;
	[tilespmem:s1+$0x7900] =	vst v0;
	vm1 =	vmand vm2, vm1;
	vm2 =	vlt.s32 v2, $0x28  }
0x22d: {  	v0 =	vnsel vm0, $0xFFFFFFFF, v7;
	[tilespmem:s1+$0x7800] =	vst v1;
	vm0 =	vmand vm2, vm1  }
0x22e: {  	[tilespmem:s1+$0x7880] =	vst v0;
	v0 =	vnsel vm0, $0xFFFFFFFF, v6  }
0x22f: {  	v1 =	vnsel vm0, $0xFFFFFFFF, v2;
	[tilespmem:s5+$0x7900] =	vst v0  }
0x230: {  	v0 =	vnsel vm0, $0xFFFFFFFF, v8;
	[tilespmem:s5+$0x7800] =	vst v1  }
0x231: {  	s1 =	simm.s32 $0x0;
	[tilespmem:s5+$0x7880] =	vst v0  }
0x232: {  	[hbm4b:s21+s1] =	stream.linear.scatter [tilespmem:s25], [sflag:$0x3], $0x3C00, $0x38;
	[tilespmem:$0xF000] =	vst v63  }
0x233: {  	_ =	swait.ge [sflag:s30], $0x3C00  }
0x234: {  	[sflag:s30] =	ssyncset.done $0x0  }
0x235: {  	[sflag:s30] =	ssyncadd.s32 $0xFFFFC400  }
0x236: {  	_ =	swait.ge [sflag:s26], $0x2280  }
0x237: {  	s0 =	sand.u32 $0x3E00, s1;
	s5 =	sand.u32 $0x70, s1;
	[sflag:s26] =	ssyncset.done $0x0  }
0x238: {  	s0 =	sor.u32 s5, s0;
	[sflag:s26] =	ssyncadd.s32 $0xFFFFDD80  }
0x239: {  	v0 =	vld [tilespmem:s0+$0x3D00]  }
0x23a: {  	v1 =	vld [tilespmem:s0+$0x3C80]  }
0x23b: {  	v2 =	vld [tilespmem:s0+$0x3C00];
	_ =	sdelay $0x3  }
0x23c: {  	s7 =	simm.s32 $0x10;
	s9 =	simm.s32 $0x40;
	v1 =	vadd.f32 $4.000000000e+01, v1  }
0x23d: {  	s1 =	sand.u32 $0x70, s7;
	s5 =	sand.u32 $0x3E00, s9;
	v2 =	vmul.f32 $2.000000000e+01, v2;
	v0 =	vadd.f32 $3.000000000e+00, v0  }
0x23e: {  	s1 =	sor.u32 s1, s5;
	v1 =	vmul.f32 $2.000000000e+01, v1  }
0x23f: {  	v3 =	vld [tilespmem:s1+$0x3D00];
	v4 =	vmul.f32 $1.000000000e+01, v0;
	v0 =	vtrunc.f32 v2  }
0x240: {  	v5 =	vld [tilespmem:s1+$0x3C80];
	v6 =	vcvt.f32.s32 v0;
	v0 =	vtrunc.f32 v1  }
0x241: {  	v7 =	vld [tilespmem:s1+$0x3C00];
	vm0 =	vge.f32 v2, $0.0e+00;
	vm1 =	vge.f32 v1, $0.0e+00;
	v0 =	vcvt.f32.s32 v0  }
0x242: {  	v1 =	vtrunc.f32 v4;
	vm2 =	vlt.s32 v6, $0x580;
	vm0 =	vmand vm0, vm1  }
0x243: {  	v63 =	vcvt.f32.s32 v1;
	vm0 =	vmand vm0, vm2;
	vm1 =	vlt.s32 v0, $0x640  }
0x244: {  	vm0 =	vmand vm0, vm1;
	vm1 =	vge.f32 v4, $0.0e+00  }
0x245: {  	s11 =	simm.s32 $0x20;
	s7 =	simm.s32 $0x80;
	v2 =	vadd.f32 $4.000000000e+01, v5;
	vm0 =	vmand vm1, vm0;
	vm1 =	vlt.s32 v63, $0x28  }
0x246: {  	s5 =	sand.u32 $0x70, s11;
	s9 =	sand.u32 $0x3E00, s7;
	v3 =	vadd.f32 $3.000000000e+00, v3;
	v1 =	vmul.f32 $2.000000000e+01, v7;
	vm0 =	vmand vm1, vm0  }
0x247: {  	s5 =	sor.u32 s5, s9;
	s9 =	simm.s32 $0x30;
	v2 =	vmul.f32 $2.000000000e+01, v2;
	v4 =	vnsel vm0, $0xFFFFFFFF, v63;
	v5 =	vnsel vm0, $0xFFFFFFFF, v6  }
.LBB2_40:
0x248: {  	p0 =	sne.s32 s9, $0xB70;
	v6 =	vld [tilespmem:s5+$0x3D00];
	v3 =	vmul.f32 $1.000000000e+01, v3;
	v7 =	vtrunc.f32 v1;
	v8 =	vnsel vm0, $0xFFFFFFFF, v0;
	[tilespmem:s0+$0xB500] =	vst v5  }
0x249: {  	v5 =	vld [tilespmem:s5+$0x3C80];
	v7 =	vcvt.f32.s32 v7;
	v0 =	vtrunc.f32 v2;
	[tilespmem:s0+$0xB400] =	vst v4  }
0x24a: {  	vm0 =	vge.f32 v1, $0.0e+00;
	vm1 =	vge.f32 v2, $0.0e+00;
	v4 =	vld [tilespmem:s5+$0x3C00];
	v0 =	vcvt.f32.s32 v0;
	[tilespmem:s0+$0xB480] =	vst v8;
	s0 =	smov.u32 s1;
	s1 =	smov.u32 s5  }
0x24b: {  	v1 =	vtrunc.f32 v3;
	vm0 =	vmand vm0, vm1;
	vm2 =	vlt.s32 v7, $0x580  }
.Ltmp19:
0x24c: {  	v8 =	vcvt.f32.s32 v1;
	vm0 =	vmand vm0, vm2;
	vm1 =	vlt.s32 v0, $0x640;
	(pc) =	sbr.rel @p0 .LBB2_40-.Ltmp19, $4  }
0x24d: {  	vm0 =	vmand vm0, vm1;
	vm1 =	vge.f32 v3, $0.0e+00  }
0x24e: {  	s7 =	sadd.s32 $0x40, s7;
	v2 =	vadd.f32 $4.000000000e+01, v5;
	vm0 =	vmand vm1, vm0;
	vm1 =	vlt.s32 v8, $0x28  }
0x24f: {  	s11 =	sand.u32 $0x3E00, s7;
	s5 =	sand.u32 $0x70, s9;
	v3 =	vadd.f32 $3.000000000e+00, v6;
	v1 =	vmul.f32 $2.000000000e+01, v4;
	vm0 =	vmand vm1, vm0  }
0x250: {  	s9 =	sadd.s32 $0x10, s9;
	s5 =	sor.u32 s5, s11;
	v2 =	vmul.f32 $2.000000000e+01, v2;
	v4 =	vnsel vm0, $0xFFFFFFFF, v8;
	v5 =	vnsel vm0, $0xFFFFFFFF, v7  }
0x251: {  	v6 =	vld [tilespmem:s5+$0x3D00];
	[tilespmem:s0+$0xB500] =	vst v5  }
0x252: {  	v5 =	vld [tilespmem:s5+$0x3C80];
	[tilespmem:s0+$0xB400] =	vst v4  }
0x253: {  	v3 =	vmul.f32 $1.000000000e+01, v3;
	v7 =	vtrunc.f32 v1;
	vm1 =	vge.f32 v1, $0.0e+00;
	v8 =	vld [tilespmem:s5+$0x3C00]  }
0x254: {  	v50 =	vcvt.f32.s32 v7;
	v51 =	vtrunc.f32 v2;
	vm2 =	vge.f32 v2, $0.0e+00  }
0x255: {  	v0 =	vnsel vm0, $0xFFFFFFFF, v0;
	v7 =	vcvt.f32.s32 v51;
	vm1 =	vmand vm1, vm2  }
0x256: {  	v52 =	vtrunc.f32 v3;
	vm6 =	vge.f32 v3, $0.0e+00;
	vm4 =	vlt.s32 v50, $0x580  }
0x257: {  	v1 =	vcvt.f32.s32 v52;
	vm1 =	vmand vm1, vm4;
	v53 =	vadd.f32 $4.000000000e+01, v5  }
0x258: {  	vm5 =	vlt.s32 v7, $0x640;
	v55 =	vadd.f32 $3.000000000e+00, v6;
	v54 =	vmul.f32 $2.000000000e+01, v8  }
0x259: {  	vm1 =	vmand vm1, vm5;
	vm8 =	vlt.s32 v1, $0x28;
	v2 =	vmul.f32 $2.000000000e+01, v53  }
0x25a: {  	vm7 =	vmand vm6, vm1;
	v5 =	vmul.f32 $1.000000000e+01, v55;
	v56 =	vtrunc.f32 v54  }
0x25b: {  	vm0 =	vmand vm8, vm7;
	v6 =	vcvt.f32.s32 v56;
	v57 =	vtrunc.f32 v2  }
0x25c: {  	vm9 =	vge.f32 v54, $0.0e+00;
	vm10 =	vge.f32 v2, $0.0e+00;
	v8 =	vcvt.f32.s32 v57  }
0x25d: {  	v58 =	vtrunc.f32 v5;
	vm1 =	vmand vm9, vm10;
	vm11 =	vlt.s32 v6, $0x580  }
0x25e: {  	v2 =	vcvt.f32.s32 v58;
	vm1 =	vmand vm1, vm11;
	vm12 =	vlt.s32 v8, $0x640  }
0x25f: {  	[tilespmem:s0+$0xB480] =	vst v0;
	v59 =	vnsel vm0, $0xFFFFFFFF, v50;
	vm13 =	vge.f32 v5, $0.0e+00;
	vm1 =	vmand vm1, vm12  }
0x260: {  	v1 =	vnsel vm0, $0xFFFFFFFF, v1;
	[tilespmem:s1+$0xB500] =	vst v59;
	vm14 =	vlt.s32 v2, $0x28;
	vm1 =	vmand vm13, vm1  }
0x261: {  	v60 =	vnsel vm0, $0xFFFFFFFF, v7;
	[tilespmem:s1+$0xB400] =	vst v1;
	vm15 =	vmand vm14, vm1  }
0x262: {  	[tilespmem:s1+$0xB480] =	vst v60;
	v61 =	vnsel vm15, $0xFFFFFFFF, v6  }
0x263: {  	v62 =	vnsel vm15, $0xFFFFFFFF, v2;
	[tilespmem:s5+$0xB500] =	vst v61  }
0x264: {  	v63 =	vnsel vm15, $0xFFFFFFFF, v8;
	[tilespmem:s5+$0xB400] =	vst v62  }
0x265: {  	s31 =	sadd.s32 $0x1, s31;
	[tilespmem:s5+$0xB480] =	vst v63  }
0x266: {  	[hbm4b:s22+s2] =	stream.linear.scatter [tilespmem:s28], [sflag:$0x4], $0x2E00, $0x38;
	[tilespmem:$0xF000] =	vst v63  }
0x267: {  	p0 =	sne.s32 s31, s23;
	_ =	swait.ge [sflag:s29], $0x3C00  }
.Ltmp20:
0x268: {  	[sflag:s29] =	ssyncset.done $0x0;
	(pc) =	sbr.rel @p0 .LBB2_1-.Ltmp20, $4  }
0x269: {  	[sflag:s29] =	ssyncadd.s32 $0xFFFFC400  }
0x26a: {  	_ =	swait.ge [sflag:s30], $0x2E00  }
0x26b: {  	[sflag:s30] =	ssyncset.done $0x0  }
0x26c: {  	[sflag:s30] =	ssyncadd.s32 $0xFFFFD200  }
0x26d: {  	_ =	sfence.sel $0x180000  }
0x26e: {  	[bflag:$0x0] =	sbarrier.arrive $0xFFFF  }
0x26f: {  	_ =	strace $0x90000047  }
0x270: {  	s0 =	stileid.u32;
	[bflag:$0x2] =	sbarrier.arrive $0xFFFF  }
0x271: {  	p0 =	sne.s32 s0, $0x0;
	s0 =	rddreg [dreg:$0x2]  }
0x272: {  	s0 =	sadd.s32 @!p0 $0x100000, s0  }
0x273: {  	[sflag:s0] =	ssyncadd.tile.s32 @!p0 $0x1;
	_ =	shalt  }
.Lfunc_end2:
_tile_overlayer_lowered:
.L_overlay_start_2:
0x274: {  	(tag) =	ssettag $0x2  }
0x275: {  	s0 =	rddreg [dreg:$0x0];
	s2 =	stileid.u32  }
0x276: {  	s1 =	rddreg [dreg:$0x1];
	p0 =	sne.s32 s2, $0x0  }
0x277: {  	s3 =	rddreg [dreg:$0x2];
	[bflag:$0x3] =	sbarrier.arrive $0xFFFF;
	s2 =	simm.s32 @!p0 $0x1C05  }
0x278: {  	[timem:s3], [sflag:s2] =	dma.local @!p0 [hbm:s0], s1  }
0x279: {  	s0 =	simm.s32 @!p0 $0x5  }
0x27a: {  	_ =	swait.ge @!p0 [sflag:s0], s1  }
0x27b: {  	s1 =	ssub.s32 @!p0 $0x0, s1;
	[sflag:s0] =	ssyncset.done @!p0 $0x0  }
0x27c: {  	[sflag:s0] =	ssyncadd.s32 @!p0 s1  }
0x27d: {  	[bflag:$0x3] =	sbarrier.arrive $0xFFFF  }
0x27e: {  	_ =	shalt  }

</sc_bundles>
